<compile_context>
chip_gen: v7x
topology: tpu7x:2x2x1
jax: 0.10.2.dev20260603
libtpu: 0.0.44.dev20260713+nightly
codegen_flags: <defaults>
</compile_context>

<pallas_src>
import functools

import jax
import jax.numpy as jnp
from jax import lax
from jax.experimental import pallas as pl
from jax.experimental.pallas import tpu as pltpu
from jax.experimental.pallas import tpu_sc as plsc

H = 4
F = 32
HF = H * F

NC = 2
NS = 16
NW = NC * NS
LANES = 16

CHUNK = 80
ACOLS = 16


def _tc_node_stage(h, W, Aall):
    N = h.shape[0]
    BN = 2000
    assert N % BN == 0

    def body(h_ref, w_ref, a_ref, wh_ref, alpha_ref):
        wh = jnp.dot(h_ref[...], w_ref[...], preferred_element_type=jnp.float32)
        wh_ref[...] = wh
        alpha_ref[...] = jnp.dot(wh, a_ref[...], preferred_element_type=jnp.float32)

    return pl.pallas_call(
        body,
        grid=(N // BN,),
        in_specs=[
            pl.BlockSpec((BN, HF), lambda i: (i, 0)),
            pl.BlockSpec((HF, HF), lambda i: (0, 0)),
            pl.BlockSpec((HF, ACOLS), lambda i: (0, 0)),
        ],
        out_specs=[
            pl.BlockSpec((BN, HF), lambda i: (i, 0)),
            pl.BlockSpec((BN, ACOLS), lambda i: (i, 0)),
        ],
        out_shape=[
            jax.ShapeDtypeStruct((N, HF), jnp.float32),
            jax.ShapeDtypeStruct((N, ACOLS), jnp.float32),
        ],
    )(h, W, Aall)


def _tc_edge_stage(edge_features, W_e, a_edge):
    E, K = edge_features.shape
    BE = 16000
    assert E % BE == 0

    def body(ef_ref, we_ref, ae_ref, beta_ref):
        wea = we_ref[...] * ae_ref[...]
        t = jnp.dot(ef_ref[...], wea, preferred_element_type=jnp.float32)
        col = lax.broadcasted_iota(jnp.int32, (HF, H), 0)
        hh = lax.broadcasted_iota(jnp.int32, (HF, H), 1)
        csel = (col // F == hh).astype(jnp.float32)
        beta_ref[...] = jnp.dot(t, csel, preferred_element_type=jnp.float32)

    return pl.pallas_call(
        body,
        grid=(E // BE,),
        in_specs=[
            pl.BlockSpec((BE, K), lambda i: (i, 0)),
            pl.BlockSpec((K, HF), lambda i: (0, 0)),
            pl.BlockSpec((1, HF), lambda i: (0, 0)),
        ],
        out_specs=pl.BlockSpec((BE, H), lambda i: (i, 0)),
        out_shape=jax.ShapeDtypeStruct((E, H), jnp.float32),
    )(edge_features, W_e, a_edge.reshape(1, HF))


def _sc_scatter_stage(wh, alpha, beta, src, dst):
    N = wh.shape[0]
    E = src.shape[0]
    ROWW = HF + LANES
    EPW = E // NW
    NPS = N // NS
    n_chunks = EPW // CHUNK
    assert EPW % CHUNK == 0 and N % NS == 0

    mesh = plsc.VectorSubcoreMesh(core_axis_name="c", subcore_axis_name="s")

    @functools.partial(
        pl.kernel,
        out_type=jax.ShapeDtypeStruct((NC, N, ROWW), jnp.float32),
        mesh=mesh,
        scratch_types=[
            [pltpu.VMEM((CHUNK,), jnp.int32)] * 2,
            [pltpu.VMEM((CHUNK,), jnp.int32)] * 2,
            [pltpu.VMEM((CHUNK * H,), jnp.float32)] * 2,
            [pltpu.VMEM((CHUNK, ACOLS), jnp.float32)] * 2,
            [pltpu.VMEM((CHUNK, ACOLS), jnp.float32)] * 2,
            pltpu.VMEM((H * CHUNK + LANES,), jnp.float32),
            [pltpu.VMEM((CHUNK, HF), jnp.float32)] * 2,
            pltpu.VMEM((CHUNK, ROWW), jnp.float32),
            pltpu.VMEM_SHARED((N, ROWW), jnp.float32),
            [pltpu.SemaphoreType.DMA] * 2,
            [pltpu.SemaphoreType.DMA] * 2,
        ],
        compiler_params=pltpu.CompilerParams(
            use_tc_tiling_on_sc=False, needs_layout_passes=False),
    )
    def run(wh_hbm, alpha_hbm, beta_hbm, src_hbm, dst_hbm, out_hbm,
            src_v, dst_v, beta_v, asrc_v, adst_v, ex_v, rows_v, msg_v, acc_sh,
            gsems, lsems):
        c = lax.axis_index("c")
        s = lax.axis_index("s")
        wid = c * NS + s

        iota16 = lax.iota(jnp.int32, LANES)
        zeros16 = jnp.zeros((LANES,), jnp.float32)

        def zero_body(e, _):
            for j in range(ROWW // LANES):
                msg_v[e, pl.ds(j * LANES, LANES)] = zeros16
            return _

        lax.fori_loop(0, CHUNK, zero_body, 0)

        full = NPS // CHUNK
        for i in range(full):
            pltpu.sync_copy(msg_v, acc_sh.at[pl.ds(s * NPS + i * CHUNK, CHUNK)])
        rem = NPS - full * CHUNK
        if rem:
            pltpu.sync_copy(msg_v.at[pl.ds(0, rem)],
                            acc_sh.at[pl.ds(s * NPS + full * CHUNK, rem)])
        plsc.subcore_barrier()

        def load_linear(i, b):
            off = wid * EPW + i * CHUNK
            pltpu.async_copy(src_hbm.at[pl.ds(off, CHUNK)], src_v[b], lsems[b])
            pltpu.async_copy(dst_hbm.at[pl.ds(off, CHUNK)], dst_v[b], lsems[b])
            pltpu.async_copy(beta_hbm.at[pl.ds(off * H, CHUNK * H)],
                             beta_v[b], lsems[b])

        def wait_linear(i, b):
            off = wid * EPW + i * CHUNK
            pltpu.make_async_copy(src_hbm.at[pl.ds(off, CHUNK)],
                                  src_v[b], lsems[b]).wait()
            pltpu.make_async_copy(dst_hbm.at[pl.ds(off, CHUNK)],
                                  dst_v[b], lsems[b]).wait()
            pltpu.make_async_copy(beta_hbm.at[pl.ds(off * H, CHUNK * H)],
                                  beta_v[b], lsems[b]).wait()

        def issue_gathers(b):
            pltpu.async_copy(alpha_hbm.at[src_v[b]], asrc_v[b], gsems[b])
            pltpu.async_copy(alpha_hbm.at[dst_v[b]], adst_v[b], gsems[b])
            pltpu.async_copy(wh_hbm.at[src_v[b]], rows_v[b], gsems[b])

        def wait_gathers(b):
            pltpu.make_async_copy(alpha_hbm.at[src_v[b]], asrc_v[b], gsems[b]).wait()
            pltpu.make_async_copy(alpha_hbm.at[dst_v[b]], adst_v[b], gsems[b]).wait()
            pltpu.make_async_copy(wh_hbm.at[src_v[b]], rows_v[b], gsems[b]).wait()

        def process(i, b):
            for g in range(CHUNK // LANES):
                e16 = iota16 + (g * LANES)
                for hh in range(H):
                    hsrc = jnp.full((LANES,), hh, jnp.int32)
                    hdst = jnp.full((LANES,), H + hh, jnp.int32)
                    sc = (plsc.load_gather(asrc_v[b], [e16, hsrc])
                          + plsc.load_gather(adst_v[b], [e16, hdst])
                          + plsc.load_gather(beta_v[b], [e16 * H + hh]))
                    sc = jnp.where(sc > 0, sc, 0.01 * sc)
                    plsc.store_scatter(ex_v, [e16 * H + hh], jnp.exp(sc))

            @plsc.parallel_loop(0, CHUNK, unroll=4)
            def mul_body(e):
                ev = ex_v[pl.ds(e * H, LANES)]
                for j in range(HF // LANES):
                    m = ev[j // 2]
                    msg_v[e, pl.ds(j * LANES, LANES)] = (
                        rows_v[b][e, pl.ds(j * LANES, LANES)] * m)
                msg_v[e, pl.ds(HF, LANES)] = jnp.where(iota16 < H, ev, 0.0)

            pltpu.sync_copy(msg_v, acc_sh.at[dst_v[b]], add=True)

        load_linear(0, 0)
        wait_linear(0, 0)
        issue_gathers(0)
        load_linear(1, 1)

        def chunk_body(i, _):
            for b in range(2):
                @pl.when(i % 2 == b)
                def _step():
                    wait_gathers(b)
                    @pl.when(i + 1 < n_chunks)
                    def _issue_next():
                        wait_linear(i + 1, 1 - b)
                        issue_gathers(1 - b)
                    process(i, b)
                    @pl.when(i + 2 < n_chunks)
                    def _load_next():
                        load_linear(i + 2, b)
            return _

        lax.fori_loop(0, n_chunks, chunk_body, 0)

        plsc.subcore_barrier()
        pltpu.sync_copy(acc_sh.at[pl.ds(s * NPS, NPS)],
                        out_hbm.at[c, pl.ds(s * NPS, NPS)])
        plsc.subcore_barrier()

    return run(wh, alpha, beta, src, dst)


def _tc_finish(acc):
    _, N, ROWW = acc.shape
    BN = 2000
    assert N % BN == 0

    def body(acc_ref, out_ref):
        a = acc_ref[0] + acc_ref[1]
        num = a[:, :HF]
        den = a[:, HF:HF + H]
        den = jnp.broadcast_to(den[:, :, None], (BN, H, F)).reshape(BN, HF)
        x = num / (den + 1e-16)
        out_ref[...] = jnp.where(x > 0, x, jnp.exp(jnp.minimum(x, 0.0)) - 1.0)

    return pl.pallas_call(
        body,
        grid=(N // BN,),
        in_specs=[pl.BlockSpec((2, BN, ROWW), lambda i: (0, i, 0))],
        out_specs=pl.BlockSpec((BN, HF), lambda i: (i, 0)),
        out_shape=jax.ShapeDtypeStruct((N, HF), jnp.float32),
    )(acc)


def kernel(h, edge_features, edge_index, W, W_e, a_src, a_dst, a_edge):
    N = h.shape[0]

    rows = jnp.arange(HF)
    Aall = jnp.zeros((HF, ACOLS), jnp.float32)
    Aall = Aall.at[rows, rows // F].set(a_src.reshape(HF))
    Aall = Aall.at[rows, H + rows // F].set(a_dst.reshape(HF))

    src = edge_index[0]
    dst = edge_index[1]

    wh, alpha = _tc_node_stage(h, W, Aall)
    beta = _tc_edge_stage(edge_features, W_e, a_edge)
    acc = _sc_scatter_stage(wh, alpha, beta.reshape(-1), src, dst)
    return _tc_finish(acc)

# --- scband reference (transcript-rebuilt; emitter-appended) ---
"""Pipeline reference for scband-graph-attention-layer-52475910422917 (READ-ONLY COPY).

The authoritative reference and input builder live on the scoring server;
editing this copy changes nothing except your own understanding.
"""

import jax, jax.numpy as jnp
import numpy as np

N = 10000
E = 320000
IN_FEATS = 128
EDGE_FEATS = 16
NUM_HEADS = 4
OUT_FEATS = 32


def setup_inputs(seed: int = 0) -> dict:
    key = jax.random.key(seed)
    ks = jax.random.split(key, 8)
    h = jax.random.normal(ks[0], (N, IN_FEATS), dtype=jnp.float32)
    edge_features = jax.random.normal(ks[1], (E, EDGE_FEATS), dtype=jnp.float32)
    edge_index = jax.random.randint(ks[2], (2, E), 0, N, dtype=jnp.int32)
    # learned parameters (xavier-uniform-like scale)
    def xavier(k, shape, fan_in, fan_out, gain=1.414):
        limit = gain * np.sqrt(6.0 / (fan_in + fan_out))
        return jax.random.uniform(k, shape, dtype=jnp.float32, minval=-limit, maxval=limit)
    W = xavier(ks[3], (IN_FEATS, NUM_HEADS * OUT_FEATS), IN_FEATS, NUM_HEADS * OUT_FEATS)
    W_e = xavier(ks[4], (EDGE_FEATS, NUM_HEADS * OUT_FEATS), EDGE_FEATS, NUM_HEADS * OUT_FEATS)
    a_src = xavier(ks[5], (NUM_HEADS, OUT_FEATS), OUT_FEATS, 1)
    a_dst = xavier(ks[6], (NUM_HEADS, OUT_FEATS), OUT_FEATS, 1)
    a_edge = xavier(ks[7], (NUM_HEADS, OUT_FEATS), OUT_FEATS, 1)
    return {"h": h, "edge_features": edge_features, "edge_index": edge_index,
            "W": W, "W_e": W_e, "a_src": a_src, "a_dst": a_dst, "a_edge": a_edge}


def reference(h, edge_features, edge_index, W, W_e, a_src, a_dst, a_edge):
    src_idx = edge_index[0]
    dst_idx = edge_index[1]
    Wh = (h @ W).reshape(N, NUM_HEADS, OUT_FEATS)
    We = (edge_features @ W_e).reshape(E, NUM_HEADS, OUT_FEATS)
    # gather endpoint features per edge
    src = jnp.take(Wh, src_idx, axis=0)  # [E, H, F]
    dst = jnp.take(Wh, dst_idx, axis=0)  # [E, H, F]
    # edge attention scores
    score = (jnp.einsum('ehf,hf->eh', src, a_src)
             + jnp.einsum('ehf,hf->eh', dst, a_dst)
             + jnp.einsum('ehf,hf->eh', We, a_edge))
    score = jnp.where(score > 0, score, 0.01 * score)  # LeakyReLU default slope
    # edge softmax grouped by destination node
    smax = jax.ops.segment_max(score, dst_idx, num_segments=N)
    smax = jnp.where(jnp.isfinite(smax), smax, 0.0)
    smax = jax.lax.stop_gradient(smax)
    ex = jnp.exp(score - jnp.take(smax, dst_idx, axis=0))
    ssum = jax.ops.segment_sum(ex, dst_idx, num_segments=N)
    attn = ex / (jnp.take(ssum, dst_idx, axis=0) + 1e-16)  # [E, H]
    # dropout p=0.0 (eval) -> identity
    msg = src * attn[:, :, None]
    h_new = jax.ops.segment_sum(msg, dst_idx, num_segments=N)  # [N, H, F]
    # concat=True
    h_new = h_new.reshape(N, NUM_HEADS * OUT_FEATS)
    return jax.nn.elu(h_new)

if __name__ == "__main__":
    import jax
    _d = setup_inputs()
    print(jax.jit(kernel)(*tuple(_d.values())))

</pallas_src>

<mosaic_0001>
#map = affine_map<(d0, d1) -> (0, 0)>
#map1 = affine_map<(d0, d1) -> (0)>
#map2 = affine_map<(d0, d1) -> (0, 0, 0)>
module attributes {stable_mosaic.version = 14 : i64} {
  func.func @run(%arg0: i32, %arg1: i32, %arg2: memref<10000x128xf32, #tpu.memory_space<hbm>>, %arg3: memref<10000x16xf32, #tpu.memory_space<hbm>>, %arg4: memref<1280000xf32, #tpu.memory_space<hbm>>, %arg5: memref<320000xi32, #tpu.memory_space<hbm>>, %arg6: memref<320000xi32, #tpu.memory_space<hbm>>, %arg7: memref<2x10000x144xf32, #tpu.memory_space<hbm>>, %arg8: memref<80xi32, #tpu.memory_space<vmem>>, %arg9: memref<80xi32, #tpu.memory_space<vmem>>, %arg10: memref<80xi32, #tpu.memory_space<vmem>>, %arg11: memref<80xi32, #tpu.memory_space<vmem>>, %arg12: memref<320xf32, #tpu.memory_space<vmem>>, %arg13: memref<320xf32, #tpu.memory_space<vmem>>, %arg14: memref<80x16xf32, #tpu.memory_space<vmem>>, %arg15: memref<80x16xf32, #tpu.memory_space<vmem>>, %arg16: memref<80x16xf32, #tpu.memory_space<vmem>>, %arg17: memref<80x16xf32, #tpu.memory_space<vmem>>, %arg18: memref<336xf32, #tpu.memory_space<vmem>>, %arg19: memref<80x128xf32, #tpu.memory_space<vmem>>, %arg20: memref<80x128xf32, #tpu.memory_space<vmem>>, %arg21: memref<80x144xf32, #tpu.memory_space<vmem>>, %arg22: memref<10000x144xf32, #tpu.memory_space<vmem_shared>>, %arg23: memref<!tpu.dma_semaphore, #tpu.memory_space<semaphore_mem>>, %arg24: memref<!tpu.dma_semaphore, #tpu.memory_space<semaphore_mem>>, %arg25: memref<!tpu.dma_semaphore, #tpu.memory_space<semaphore_mem>>, %arg26: memref<!tpu.dma_semaphore, #tpu.memory_space<semaphore_mem>>) attributes {dimension_semantics = [#tpu.dimension_semantics<core_parallel>, #tpu.dimension_semantics<subcore_parallel>], iteration_bounds = array<i64: 2, 16>, scalar_prefetch = 0 : i64, scratch_operands = 19 : i64, tpu.core_type = #tpu.core_type<sc_vector_subcore>, window_params = [{transform_indices = #map}, {transform_indices = #map}, {transform_indices = #map1}, {transform_indices = #map1}, {transform_indices = #map1}, {transform_indices = #map2}]} {
    %mul3A = arith.constant 16 : i32
    %mul3A_0 = arith.muli %arg0, %mul3A : i32
    %add3A = arith.addi %mul3A_0, %arg1 : i32
    %iota3A = tpu.iota {dimensions = array<i32: 0>} : vector<16xi32>
    %broadcast_in_dim3A = arith.constant 0.000000e+00 : f32
    %broadcast_in_dim3A_1 = vector.broadcast %broadcast_in_dim3A : f32 to vector<16xf32>
    %scan3A = arith.constant 0 : i32
    %scan3A_2 = arith.constant 0 : i32
    %scan3A_3 = arith.constant 80 : i32
    %scan3A_4 = arith.addi %scan3A_2, %scan3A_3 : i32
    %scan3A_5 = arith.constant 1 : i32
    scf.for %scan3A_94 = %scan3A_2 to %scan3A_4 step %scan3A_5  : i32 {
      %swap3A = arith.index_cast %scan3A_94 : i32 to index
      %swap3A_95 = arith.constant 0 : index
      %swap3A_96 = tpu.vector_load %arg21[%swap3A, %swap3A_95] {strides = array<i32>} : memref<80x144xf32, #tpu.memory_space<vmem>>, vector<16xf32>,
      tpu.vector_store %arg21[%swap3A, %swap3A_95], %broadcast_in_dim3A_1 {strides = array<i32>} : memref<80x144xf32, #tpu.memory_space<vmem>>, vector<16xf32>,
      %swap3A_97 = arith.index_cast %scan3A_94 : i32 to index
      %swap3A_98 = arith.constant 16 : index
      %swap3A_99 = tpu.vector_load %arg21[%swap3A_97, %swap3A_98] {strides = array<i32>} : memref<80x144xf32, #tpu.memory_space<vmem>>, vector<16xf32>,
      tpu.vector_store %arg21[%swap3A_97, %swap3A_98], %broadcast_in_dim3A_1 {strides = array<i32>} : memref<80x144xf32, #tpu.memory_space<vmem>>, vector<16xf32>,
      %swap3A_100 = arith.index_cast %scan3A_94 : i32 to index
      %swap3A_101 = arith.constant 32 : index
      %swap3A_102 = tpu.vector_load %arg21[%swap3A_100, %swap3A_101] {strides = array<i32>} : memref<80x144xf32, #tpu.memory_space<vmem>>, vector<16xf32>,
      tpu.vector_store %arg21[%swap3A_100, %swap3A_101], %broadcast_in_dim3A_1 {strides = array<i32>} : memref<80x144xf32, #tpu.memory_space<vmem>>, vector<16xf32>,
      %swap3A_103 = arith.index_cast %scan3A_94 : i32 to index
      %swap3A_104 = arith.constant 48 : index
      %swap3A_105 = tpu.vector_load %arg21[%swap3A_103, %swap3A_104] {strides = array<i32>} : memref<80x144xf32, #tpu.memory_space<vmem>>, vector<16xf32>,
      tpu.vector_store %arg21[%swap3A_103, %swap3A_104], %broadcast_in_dim3A_1 {strides = array<i32>} : memref<80x144xf32, #tpu.memory_space<vmem>>, vector<16xf32>,
      %swap3A_106 = arith.index_cast %scan3A_94 : i32 to index
      %swap3A_107 = arith.constant 64 : index
      %swap3A_108 = tpu.vector_load %arg21[%swap3A_106, %swap3A_107] {strides = array<i32>} : memref<80x144xf32, #tpu.memory_space<vmem>>, vector<16xf32>,
      tpu.vector_store %arg21[%swap3A_106, %swap3A_107], %broadcast_in_dim3A_1 {strides = array<i32>} : memref<80x144xf32, #tpu.memory_space<vmem>>, vector<16xf32>,
      %swap3A_109 = arith.index_cast %scan3A_94 : i32 to index
      %swap3A_110 = arith.constant 80 : index
      %swap3A_111 = tpu.vector_load %arg21[%swap3A_109, %swap3A_110] {strides = array<i32>} : memref<80x144xf32, #tpu.memory_space<vmem>>, vector<16xf32>,
      tpu.vector_store %arg21[%swap3A_109, %swap3A_110], %broadcast_in_dim3A_1 {strides = array<i32>} : memref<80x144xf32, #tpu.memory_space<vmem>>, vector<16xf32>,
      %swap3A_112 = arith.index_cast %scan3A_94 : i32 to index
      %swap3A_113 = arith.constant 96 : index
      %swap3A_114 = tpu.vector_load %arg21[%swap3A_112, %swap3A_113] {strides = array<i32>} : memref<80x144xf32, #tpu.memory_space<vmem>>, vector<16xf32>,
      tpu.vector_store %arg21[%swap3A_112, %swap3A_113], %broadcast_in_dim3A_1 {strides = array<i32>} : memref<80x144xf32, #tpu.memory_space<vmem>>, vector<16xf32>,
      %swap3A_115 = arith.index_cast %scan3A_94 : i32 to index
      %swap3A_116 = arith.constant 112 : index
      %swap3A_117 = tpu.vector_load %arg21[%swap3A_115, %swap3A_116] {strides = array<i32>} : memref<80x144xf32, #tpu.memory_space<vmem>>, vector<16xf32>,
      tpu.vector_store %arg21[%swap3A_115, %swap3A_116], %broadcast_in_dim3A_1 {strides = array<i32>} : memref<80x144xf32, #tpu.memory_space<vmem>>, vector<16xf32>,
      %swap3A_118 = arith.index_cast %scan3A_94 : i32 to index
      %swap3A_119 = arith.constant 128 : index
      %swap3A_120 = tpu.vector_load %arg21[%swap3A_118, %swap3A_119] {strides = array<i32>} : memref<80x144xf32, #tpu.memory_space<vmem>>, vector<16xf32>,
      tpu.vector_store %arg21[%swap3A_118, %swap3A_119], %broadcast_in_dim3A_1 {strides = array<i32>} : memref<80x144xf32, #tpu.memory_space<vmem>>, vector<16xf32>,
    }
    %scan3A_6 = arith.constant 80 : i32
    %mul3A_7 = arith.constant 625 : i32
    %mul3A_8 = arith.muli %arg1, %mul3A_7 : i32
    %add3A_9 = arith.constant 0 : i32
    %add3A_10 = arith.addi %mul3A_8, %add3A_9 : i32
    "tpu.region"() ({
      %run_scoped3A = tpu.sem_alloc : memref<!tpu.dma_semaphore, #tpu.memory_space<semaphore_mem>>
      %dma_start3A_94 = arith.constant 0 : i32
      %dma_start3A_95 = tpu.memref_slice %arg22[%add3A_10, %dma_start3A_94] : memref<10000x144xf32, #tpu.memory_space<vmem_shared>> -> memref<80x144xf32, #tpu.memory_space<vmem_shared>>
      %dma_start3A_96 = arith.constant 0 : i32
      %dma_start3A_97 = tpu.memref_slice %arg22[%add3A_10, %dma_start3A_96] : memref<10000x144xf32, #tpu.memory_space<vmem_shared>> -> memref<80x144xf32, #tpu.memory_space<vmem_shared>>
      tpu.enqueue_dma source(%arg21 : memref<80x144xf32, #tpu.memory_space<vmem>>) target(%dma_start3A_97 : memref<80x144xf32, #tpu.memory_space<vmem_shared>>) target_semaphore(%run_scoped3A : memref<!tpu.dma_semaphore, #tpu.memory_space<semaphore_mem>>)
      %dma_wait3A_98 = arith.constant 0 : i32
      %dma_wait3A_99 = tpu.memref_slice %arg22[%add3A_10, %dma_wait3A_98] : memref<10000x144xf32, #tpu.memory_space<vmem_shared>> -> memref<80x144xf32, #tpu.memory_space<vmem_shared>>
      %dma_wait3A_100 = arith.constant 0 : i32
      %dma_wait3A_101 = tpu.memref_slice %arg22[%add3A_10, %dma_wait3A_100] : memref<10000x144xf32, #tpu.memory_space<vmem_shared>> -> memref<80x144xf32, #tpu.memory_space<vmem_shared>>
      tpu.wait_dma2 semaphore(%run_scoped3A : memref<!tpu.dma_semaphore, #tpu.memory_space<semaphore_mem>>) src(%arg21 : memref<80x144xf32, #tpu.memory_space<vmem>>) dst(%dma_wait3A_101 : memref<80x144xf32, #tpu.memory_space<vmem_shared>>)
      tpu.yield
    }) : () -> ()
    %mul3A_11 = arith.constant 625 : i32
    %mul3A_12 = arith.muli %arg1, %mul3A_11 : i32
    %add3A_13 = arith.constant 80 : i32
    %add3A_14 = arith.addi %mul3A_12, %add3A_13 : i32
    "tpu.region"() ({
      %run_scoped3A = tpu.sem_alloc : memref<!tpu.dma_semaphore, #tpu.memory_space<semaphore_mem>>
      %dma_start3A_94 = arith.constant 0 : i32
      %dma_start3A_95 = tpu.memref_slice %arg22[%add3A_14, %dma_start3A_94] : memref<10000x144xf32, #tpu.memory_space<vmem_shared>> -> memref<80x144xf32, #tpu.memory_space<vmem_shared>>
      %dma_start3A_96 = arith.constant 0 : i32
      %dma_start3A_97 = tpu.memref_slice %arg22[%add3A_14, %dma_start3A_96] : memref<10000x144xf32, #tpu.memory_space<vmem_shared>> -> memref<80x144xf32, #tpu.memory_space<vmem_shared>>
      tpu.enqueue_dma source(%arg21 : memref<80x144xf32, #tpu.memory_space<vmem>>) target(%dma_start3A_97 : memref<80x144xf32, #tpu.memory_space<vmem_shared>>) target_semaphore(%run_scoped3A : memref<!tpu.dma_semaphore, #tpu.memory_space<semaphore_mem>>)
      %dma_wait3A_98 = arith.constant 0 : i32
      %dma_wait3A_99 = tpu.memref_slice %arg22[%add3A_14, %dma_wait3A_98] : memref<10000x144xf32, #tpu.memory_space<vmem_shared>> -> memref<80x144xf32, #tpu.memory_space<vmem_shared>>
      %dma_wait3A_100 = arith.constant 0 : i32
      %dma_wait3A_101 = tpu.memref_slice %arg22[%add3A_14, %dma_wait3A_100] : memref<10000x144xf32, #tpu.memory_space<vmem_shared>> -> memref<80x144xf32, #tpu.memory_space<vmem_shared>>
      tpu.wait_dma2 semaphore(%run_scoped3A : memref<!tpu.dma_semaphore, #tpu.memory_space<semaphore_mem>>) src(%arg21 : memref<80x144xf32, #tpu.memory_space<vmem>>) dst(%dma_wait3A_101 : memref<80x144xf32, #tpu.memory_space<vmem_shared>>)
      tpu.yield
    }) : () -> ()
    %mul3A_15 = arith.constant 625 : i32
    %mul3A_16 = arith.muli %arg1, %mul3A_15 : i32
    %add3A_17 = arith.constant 160 : i32
    %add3A_18 = arith.addi %mul3A_16, %add3A_17 : i32
    "tpu.region"() ({
      %run_scoped3A = tpu.sem_alloc : memref<!tpu.dma_semaphore, #tpu.memory_space<semaphore_mem>>
      %dma_start3A_94 = arith.constant 0 : i32
      %dma_start3A_95 = tpu.memref_slice %arg22[%add3A_18, %dma_start3A_94] : memref<10000x144xf32, #tpu.memory_space<vmem_shared>> -> memref<80x144xf32, #tpu.memory_space<vmem_shared>>
      %dma_start3A_96 = arith.constant 0 : i32
      %dma_start3A_97 = tpu.memref_slice %arg22[%add3A_18, %dma_start3A_96] : memref<10000x144xf32, #tpu.memory_space<vmem_shared>> -> memref<80x144xf32, #tpu.memory_space<vmem_shared>>
      tpu.enqueue_dma source(%arg21 : memref<80x144xf32, #tpu.memory_space<vmem>>) target(%dma_start3A_97 : memref<80x144xf32, #tpu.memory_space<vmem_shared>>) target_semaphore(%run_scoped3A : memref<!tpu.dma_semaphore, #tpu.memory_space<semaphore_mem>>)
      %dma_wait3A_98 = arith.constant 0 : i32
      %dma_wait3A_99 = tpu.memref_slice %arg22[%add3A_18, %dma_wait3A_98] : memref<10000x144xf32, #tpu.memory_space<vmem_shared>> -> memref<80x144xf32, #tpu.memory_space<vmem_shared>>
      %dma_wait3A_100 = arith.constant 0 : i32
      %dma_wait3A_101 = tpu.memref_slice %arg22[%add3A_18, %dma_wait3A_100] : memref<10000x144xf32, #tpu.memory_space<vmem_shared>> -> memref<80x144xf32, #tpu.memory_space<vmem_shared>>
      tpu.wait_dma2 semaphore(%run_scoped3A : memref<!tpu.dma_semaphore, #tpu.memory_space<semaphore_mem>>) src(%arg21 : memref<80x144xf32, #tpu.memory_space<vmem>>) dst(%dma_wait3A_101 : memref<80x144xf32, #tpu.memory_space<vmem_shared>>)
      tpu.yield
    }) : () -> ()
    %mul3A_19 = arith.constant 625 : i32
    %mul3A_20 = arith.muli %arg1, %mul3A_19 : i32
    %add3A_21 = arith.constant 240 : i32
    %add3A_22 = arith.addi %mul3A_20, %add3A_21 : i32
    "tpu.region"() ({
      %run_scoped3A = tpu.sem_alloc : memref<!tpu.dma_semaphore, #tpu.memory_space<semaphore_mem>>
      %dma_start3A_94 = arith.constant 0 : i32
      %dma_start3A_95 = tpu.memref_slice %arg22[%add3A_22, %dma_start3A_94] : memref<10000x144xf32, #tpu.memory_space<vmem_shared>> -> memref<80x144xf32, #tpu.memory_space<vmem_shared>>
      %dma_start3A_96 = arith.constant 0 : i32
      %dma_start3A_97 = tpu.memref_slice %arg22[%add3A_22, %dma_start3A_96] : memref<10000x144xf32, #tpu.memory_space<vmem_shared>> -> memref<80x144xf32, #tpu.memory_space<vmem_shared>>
      tpu.enqueue_dma source(%arg21 : memref<80x144xf32, #tpu.memory_space<vmem>>) target(%dma_start3A_97 : memref<80x144xf32, #tpu.memory_space<vmem_shared>>) target_semaphore(%run_scoped3A : memref<!tpu.dma_semaphore, #tpu.memory_space<semaphore_mem>>)
      %dma_wait3A_98 = arith.constant 0 : i32
      %dma_wait3A_99 = tpu.memref_slice %arg22[%add3A_22, %dma_wait3A_98] : memref<10000x144xf32, #tpu.memory_space<vmem_shared>> -> memref<80x144xf32, #tpu.memory_space<vmem_shared>>
      %dma_wait3A_100 = arith.constant 0 : i32
      %dma_wait3A_101 = tpu.memref_slice %arg22[%add3A_22, %dma_wait3A_100] : memref<10000x144xf32, #tpu.memory_space<vmem_shared>> -> memref<80x144xf32, #tpu.memory_space<vmem_shared>>
      tpu.wait_dma2 semaphore(%run_scoped3A : memref<!tpu.dma_semaphore, #tpu.memory_space<semaphore_mem>>) src(%arg21 : memref<80x144xf32, #tpu.memory_space<vmem>>) dst(%dma_wait3A_101 : memref<80x144xf32, #tpu.memory_space<vmem_shared>>)
      tpu.yield
    }) : () -> ()
    %mul3A_23 = arith.constant 625 : i32
    %mul3A_24 = arith.muli %arg1, %mul3A_23 : i32
    %add3A_25 = arith.constant 320 : i32
    %add3A_26 = arith.addi %mul3A_24, %add3A_25 : i32
    "tpu.region"() ({
      %run_scoped3A = tpu.sem_alloc : memref<!tpu.dma_semaphore, #tpu.memory_space<semaphore_mem>>
      %dma_start3A_94 = arith.constant 0 : i32
      %dma_start3A_95 = tpu.memref_slice %arg22[%add3A_26, %dma_start3A_94] : memref<10000x144xf32, #tpu.memory_space<vmem_shared>> -> memref<80x144xf32, #tpu.memory_space<vmem_shared>>
      %dma_start3A_96 = arith.constant 0 : i32
      %dma_start3A_97 = tpu.memref_slice %arg22[%add3A_26, %dma_start3A_96] : memref<10000x144xf32, #tpu.memory_space<vmem_shared>> -> memref<80x144xf32, #tpu.memory_space<vmem_shared>>
      tpu.enqueue_dma source(%arg21 : memref<80x144xf32, #tpu.memory_space<vmem>>) target(%dma_start3A_97 : memref<80x144xf32, #tpu.memory_space<vmem_shared>>) target_semaphore(%run_scoped3A : memref<!tpu.dma_semaphore, #tpu.memory_space<semaphore_mem>>)
      %dma_wait3A_98 = arith.constant 0 : i32
      %dma_wait3A_99 = tpu.memref_slice %arg22[%add3A_26, %dma_wait3A_98] : memref<10000x144xf32, #tpu.memory_space<vmem_shared>> -> memref<80x144xf32, #tpu.memory_space<vmem_shared>>
      %dma_wait3A_100 = arith.constant 0 : i32
      %dma_wait3A_101 = tpu.memref_slice %arg22[%add3A_26, %dma_wait3A_100] : memref<10000x144xf32, #tpu.memory_space<vmem_shared>> -> memref<80x144xf32, #tpu.memory_space<vmem_shared>>
      tpu.wait_dma2 semaphore(%run_scoped3A : memref<!tpu.dma_semaphore, #tpu.memory_space<semaphore_mem>>) src(%arg21 : memref<80x144xf32, #tpu.memory_space<vmem>>) dst(%dma_wait3A_101 : memref<80x144xf32, #tpu.memory_space<vmem_shared>>)
      tpu.yield
    }) : () -> ()
    %mul3A_27 = arith.constant 625 : i32
    %mul3A_28 = arith.muli %arg1, %mul3A_27 : i32
    %add3A_29 = arith.constant 400 : i32
    %add3A_30 = arith.addi %mul3A_28, %add3A_29 : i32
    "tpu.region"() ({
      %run_scoped3A = tpu.sem_alloc : memref<!tpu.dma_semaphore, #tpu.memory_space<semaphore_mem>>
      %dma_start3A_94 = arith.constant 0 : i32
      %dma_start3A_95 = tpu.memref_slice %arg22[%add3A_30, %dma_start3A_94] : memref<10000x144xf32, #tpu.memory_space<vmem_shared>> -> memref<80x144xf32, #tpu.memory_space<vmem_shared>>
      %dma_start3A_96 = arith.constant 0 : i32
      %dma_start3A_97 = tpu.memref_slice %arg22[%add3A_30, %dma_start3A_96] : memref<10000x144xf32, #tpu.memory_space<vmem_shared>> -> memref<80x144xf32, #tpu.memory_space<vmem_shared>>
      tpu.enqueue_dma source(%arg21 : memref<80x144xf32, #tpu.memory_space<vmem>>) target(%dma_start3A_97 : memref<80x144xf32, #tpu.memory_space<vmem_shared>>) target_semaphore(%run_scoped3A : memref<!tpu.dma_semaphore, #tpu.memory_space<semaphore_mem>>)
      %dma_wait3A_98 = arith.constant 0 : i32
      %dma_wait3A_99 = tpu.memref_slice %arg22[%add3A_30, %dma_wait3A_98] : memref<10000x144xf32, #tpu.memory_space<vmem_shared>> -> memref<80x144xf32, #tpu.memory_space<vmem_shared>>
      %dma_wait3A_100 = arith.constant 0 : i32
      %dma_wait3A_101 = tpu.memref_slice %arg22[%add3A_30, %dma_wait3A_100] : memref<10000x144xf32, #tpu.memory_space<vmem_shared>> -> memref<80x144xf32, #tpu.memory_space<vmem_shared>>
      tpu.wait_dma2 semaphore(%run_scoped3A : memref<!tpu.dma_semaphore, #tpu.memory_space<semaphore_mem>>) src(%arg21 : memref<80x144xf32, #tpu.memory_space<vmem>>) dst(%dma_wait3A_101 : memref<80x144xf32, #tpu.memory_space<vmem_shared>>)
      tpu.yield
    }) : () -> ()
    %mul3A_31 = arith.constant 625 : i32
    %mul3A_32 = arith.muli %arg1, %mul3A_31 : i32
    %add3A_33 = arith.constant 480 : i32
    %add3A_34 = arith.addi %mul3A_32, %add3A_33 : i32
    "tpu.region"() ({
      %run_scoped3A = tpu.sem_alloc : memref<!tpu.dma_semaphore, #tpu.memory_space<semaphore_mem>>
      %dma_start3A_94 = arith.constant 0 : i32
      %dma_start3A_95 = tpu.memref_slice %arg22[%add3A_34, %dma_start3A_94] : memref<10000x144xf32, #tpu.memory_space<vmem_shared>> -> memref<80x144xf32, #tpu.memory_space<vmem_shared>>
      %dma_start3A_96 = arith.constant 0 : i32
      %dma_start3A_97 = tpu.memref_slice %arg22[%add3A_34, %dma_start3A_96] : memref<10000x144xf32, #tpu.memory_space<vmem_shared>> -> memref<80x144xf32, #tpu.memory_space<vmem_shared>>
      tpu.enqueue_dma source(%arg21 : memref<80x144xf32, #tpu.memory_space<vmem>>) target(%dma_start3A_97 : memref<80x144xf32, #tpu.memory_space<vmem_shared>>) target_semaphore(%run_scoped3A : memref<!tpu.dma_semaphore, #tpu.memory_space<semaphore_mem>>)
      %dma_wait3A_98 = arith.constant 0 : i32
      %dma_wait3A_99 = tpu.memref_slice %arg22[%add3A_34, %dma_wait3A_98] : memref<10000x144xf32, #tpu.memory_space<vmem_shared>> -> memref<80x144xf32, #tpu.memory_space<vmem_shared>>
      %dma_wait3A_100 = arith.constant 0 : i32
      %dma_wait3A_101 = tpu.memref_slice %arg22[%add3A_34, %dma_wait3A_100] : memref<10000x144xf32, #tpu.memory_space<vmem_shared>> -> memref<80x144xf32, #tpu.memory_space<vmem_shared>>
      tpu.wait_dma2 semaphore(%run_scoped3A : memref<!tpu.dma_semaphore, #tpu.memory_space<semaphore_mem>>) src(%arg21 : memref<80x144xf32, #tpu.memory_space<vmem>>) dst(%dma_wait3A_101 : memref<80x144xf32, #tpu.memory_space<vmem_shared>>)
      tpu.yield
    }) : () -> ()
    %mul3A_35 = arith.constant 625 : i32
    %mul3A_36 = arith.muli %arg1, %mul3A_35 : i32
    %add3A_37 = arith.constant 560 : i32
    %add3A_38 = arith.addi %mul3A_36, %add3A_37 : i32
    "tpu.region"() ({
      %run_scoped3A = tpu.sem_alloc : memref<!tpu.dma_semaphore, #tpu.memory_space<semaphore_mem>>
      %dma_start3A_94 = arith.constant 0 : i32
      %dma_start3A_95 = arith.constant 0 : i32
      %dma_start3A_96 = tpu.memref_slice %arg21[%dma_start3A_94, %dma_start3A_95] : memref<80x144xf32, #tpu.memory_space<vmem>> -> memref<65x144xf32, #tpu.memory_space<vmem>>
      %dma_start3A_97 = arith.constant 0 : i32
      %dma_start3A_98 = tpu.memref_slice %arg22[%add3A_38, %dma_start3A_97] : memref<10000x144xf32, #tpu.memory_space<vmem_shared>> -> memref<65x144xf32, #tpu.memory_space<vmem_shared>>
      %dma_start3A_99 = arith.constant 0 : i32
      %dma_start3A_100 = tpu.memref_slice %arg22[%add3A_38, %dma_start3A_99] : memref<10000x144xf32, #tpu.memory_space<vmem_shared>> -> memref<65x144xf32, #tpu.memory_space<vmem_shared>>
      %dma_start3A_101 = arith.constant 0 : i32
      %dma_start3A_102 = arith.constant 0 : i32
      %dma_start3A_103 = tpu.memref_slice %arg21[%dma_start3A_101, %dma_start3A_102] : memref<80x144xf32, #tpu.memory_space<vmem>> -> memref<65x144xf32, #tpu.memory_space<vmem>>
      tpu.enqueue_dma source(%dma_start3A_103 : memref<65x144xf32, #tpu.memory_space<vmem>>) target(%dma_start3A_100 : memref<65x144xf32, #tpu.memory_space<vmem_shared>>) target_semaphore(%run_scoped3A : memref<!tpu.dma_semaphore, #tpu.memory_space<semaphore_mem>>)
      %dma_wait3A_104 = arith.constant 0 : i32
      %dma_wait3A_105 = arith.constant 0 : i32
      %dma_wait3A_106 = tpu.memref_slice %arg21[%dma_wait3A_104, %dma_wait3A_105] : memref<80x144xf32, #tpu.memory_space<vmem>> -> memref<65x144xf32, #tpu.memory_space<vmem>>
      %dma_wait3A_107 = arith.constant 0 : i32
      %dma_wait3A_108 = tpu.memref_slice %arg22[%add3A_38, %dma_wait3A_107] : memref<10000x144xf32, #tpu.memory_space<vmem_shared>> -> memref<65x144xf32, #tpu.memory_space<vmem_shared>>
      %dma_wait3A_109 = arith.constant 0 : i32
      %dma_wait3A_110 = tpu.memref_slice %arg22[%add3A_38, %dma_wait3A_109] : memref<10000x144xf32, #tpu.memory_space<vmem_shared>> -> memref<65x144xf32, #tpu.memory_space<vmem_shared>>
      %dma_wait3A_111 = arith.constant 0 : i32
      %dma_wait3A_112 = arith.constant 0 : i32
      %dma_wait3A_113 = tpu.memref_slice %arg21[%dma_wait3A_111, %dma_wait3A_112] : memref<80x144xf32, #tpu.memory_space<vmem>> -> memref<65x144xf32, #tpu.memory_space<vmem>>
      tpu.wait_dma2 semaphore(%run_scoped3A : memref<!tpu.dma_semaphore, #tpu.memory_space<semaphore_mem>>) src(%dma_wait3A_113 : memref<65x144xf32, #tpu.memory_space<vmem>>) dst(%dma_wait3A_110 : memref<65x144xf32, #tpu.memory_space<vmem_shared>>)
      tpu.yield
    }) : () -> ()
    %barrier3A = arith.constant 0 : index
    tpu.barrier barrier_id(%barrier3A)
    %mul3A_39 = arith.constant 10000 : i32
    %mul3A_40 = arith.muli %add3A, %mul3A_39 : i32
    %add3A_41 = arith.constant 0 : i32
    %add3A_42 = arith.addi %mul3A_40, %add3A_41 : i32
    %dma_start3A = tpu.memref_slice %arg5[%add3A_42] : memref<320000xi32, #tpu.memory_space<hbm>> -> memref<80xi32, #tpu.memory_space<hbm>>
    %dma_start3A_43 = tpu.memref_slice %arg5[%add3A_42] : memref<320000xi32, #tpu.memory_space<hbm>> -> memref<80xi32, #tpu.memory_space<hbm>>
    tpu.enqueue_dma source(%dma_start3A_43 : memref<80xi32, #tpu.memory_space<hbm>>) target(%arg8 : memref<80xi32, #tpu.memory_space<vmem>>) target_semaphore(%arg25 : memref<!tpu.dma_semaphore, #tpu.memory_space<semaphore_mem>>)
    %dma_start3A_44 = tpu.memref_slice %arg6[%add3A_42] : memref<320000xi32, #tpu.memory_space<hbm>> -> memref<80xi32, #tpu.memory_space<hbm>>
    %dma_start3A_45 = tpu.memref_slice %arg6[%add3A_42] : memref<320000xi32, #tpu.memory_space<hbm>> -> memref<80xi32, #tpu.memory_space<hbm>>
    tpu.enqueue_dma source(%dma_start3A_45 : memref<80xi32, #tpu.memory_space<hbm>>) target(%arg10 : memref<80xi32, #tpu.memory_space<vmem>>) target_semaphore(%arg25 : memref<!tpu.dma_semaphore, #tpu.memory_space<semaphore_mem>>)
    %mul3A_46 = arith.constant 4 : i32
    %mul3A_47 = arith.muli %add3A_42, %mul3A_46 : i32
    %dma_start3A_48 = tpu.memref_slice %arg4[%mul3A_47] : memref<1280000xf32, #tpu.memory_space<hbm>> -> memref<320xf32, #tpu.memory_space<hbm>>
    %dma_start3A_49 = tpu.memref_slice %arg4[%mul3A_47] : memref<1280000xf32, #tpu.memory_space<hbm>> -> memref<320xf32, #tpu.memory_space<hbm>>
    tpu.enqueue_dma source(%dma_start3A_49 : memref<320xf32, #tpu.memory_space<hbm>>) target(%arg12 : memref<320xf32, #tpu.memory_space<vmem>>) target_semaphore(%arg25 : memref<!tpu.dma_semaphore, #tpu.memory_space<semaphore_mem>>)
    %mul3A_50 = arith.constant 10000 : i32
    %mul3A_51 = arith.muli %add3A, %mul3A_50 : i32
    %add3A_52 = arith.constant 0 : i32
    %add3A_53 = arith.addi %mul3A_51, %add3A_52 : i32
    %dma_wait3A = tpu.memref_slice %arg5[%add3A_53] : memref<320000xi32, #tpu.memory_space<hbm>> -> memref<80xi32, #tpu.memory_space<hbm>>
    %dma_wait3A_54 = tpu.memref_slice %arg5[%add3A_53] : memref<320000xi32, #tpu.memory_space<hbm>> -> memref<80xi32, #tpu.memory_space<hbm>>
    tpu.wait_dma2 semaphore(%arg25 : memref<!tpu.dma_semaphore, #tpu.memory_space<semaphore_mem>>) src(%dma_wait3A_54 : memref<80xi32, #tpu.memory_space<hbm>>) dst(%arg8 : memref<80xi32, #tpu.memory_space<vmem>>)
    %dma_wait3A_55 = tpu.memref_slice %arg6[%add3A_53] : memref<320000xi32, #tpu.memory_space<hbm>> -> memref<80xi32, #tpu.memory_space<hbm>>
    %dma_wait3A_56 = tpu.memref_slice %arg6[%add3A_53] : memref<320000xi32, #tpu.memory_space<hbm>> -> memref<80xi32, #tpu.memory_space<hbm>>
    tpu.wait_dma2 semaphore(%arg25 : memref<!tpu.dma_semaphore, #tpu.memory_space<semaphore_mem>>) src(%dma_wait3A_56 : memref<80xi32, #tpu.memory_space<hbm>>) dst(%arg10 : memref<80xi32, #tpu.memory_space<vmem>>)
    %mul3A_57 = arith.constant 4 : i32
    %mul3A_58 = arith.muli %add3A_53, %mul3A_57 : i32
    %dma_wait3A_59 = tpu.memref_slice %arg4[%mul3A_58] : memref<1280000xf32, #tpu.memory_space<hbm>> -> memref<320xf32, #tpu.memory_space<hbm>>
    %dma_wait3A_60 = tpu.memref_slice %arg4[%mul3A_58] : memref<1280000xf32, #tpu.memory_space<hbm>> -> memref<320xf32, #tpu.memory_space<hbm>>
    tpu.wait_dma2 semaphore(%arg25 : memref<!tpu.dma_semaphore, #tpu.memory_space<semaphore_mem>>) src(%dma_wait3A_60 : memref<320xf32, #tpu.memory_space<hbm>>) dst(%arg12 : memref<320xf32, #tpu.memory_space<vmem>>)
    %dma_start3A_61 = arith.constant 0 : i32
    %dma_start3A_62 = arith.constant 0 : i32
    %dma_start3A_63 = tpu.memref_slice %arg3[%dma_start3A_61, %dma_start3A_62] : memref<10000x16xf32, #tpu.memory_space<hbm>> -> memref<10000x16xf32, #tpu.memory_space<hbm>>
    tpu.enqueue_indirect_dma source(%dma_start3A_63 : memref<10000x16xf32, #tpu.memory_space<hbm>>) target(%arg14 : memref<80x16xf32, #tpu.memory_space<vmem>>) offsets(%arg8 : memref<80xi32, #tpu.memory_space<vmem>>) semaphore(%arg23 : memref<!tpu.dma_semaphore, #tpu.memory_space<semaphore_mem>>)
    %dma_start3A_64 = arith.constant 0 : i32
    %dma_start3A_65 = arith.constant 0 : i32
    %dma_start3A_66 = tpu.memref_slice %arg3[%dma_start3A_64, %dma_start3A_65] : memref<10000x16xf32, #tpu.memory_space<hbm>> -> memref<10000x16xf32, #tpu.memory_space<hbm>>
    tpu.enqueue_indirect_dma source(%dma_start3A_66 : memref<10000x16xf32, #tpu.memory_space<hbm>>) target(%arg16 : memref<80x16xf32, #tpu.memory_space<vmem>>) offsets(%arg10 : memref<80xi32, #tpu.memory_space<vmem>>) semaphore(%arg23 : memref<!tpu.dma_semaphore, #tpu.memory_space<semaphore_mem>>)
    %dma_start3A_67 = arith.constant 0 : i32
    %dma_start3A_68 = arith.constant 0 : i32
    %dma_start3A_69 = tpu.memref_slice %arg2[%dma_start3A_67, %dma_start3A_68] : memref<10000x128xf32, #tpu.memory_space<hbm>> -> memref<10000x128xf32, #tpu.memory_space<hbm>>
    tpu.enqueue_indirect_dma source(%dma_start3A_69 : memref<10000x128xf32, #tpu.memory_space<hbm>>) target(%arg19 : memref<80x128xf32, #tpu.memory_space<vmem>>) offsets(%arg8 : memref<80xi32, #tpu.memory_space<vmem>>) semaphore(%arg23 : memref<!tpu.dma_semaphore, #tpu.memory_space<semaphore_mem>>)
    %mul3A_70 = arith.constant 10000 : i32
    %mul3A_71 = arith.muli %add3A, %mul3A_70 : i32
    %add3A_72 = arith.constant 80 : i32
    %add3A_73 = arith.addi %mul3A_71, %add3A_72 : i32
    %dma_start3A_74 = tpu.memref_slice %arg5[%add3A_73] : memref<320000xi32, #tpu.memory_space<hbm>> -> memref<80xi32, #tpu.memory_space<hbm>>
    %dma_start3A_75 = tpu.memref_slice %arg5[%add3A_73] : memref<320000xi32, #tpu.memory_space<hbm>> -> memref<80xi32, #tpu.memory_space<hbm>>
    tpu.enqueue_dma source(%dma_start3A_75 : memref<80xi32, #tpu.memory_space<hbm>>) target(%arg9 : memref<80xi32, #tpu.memory_space<vmem>>) target_semaphore(%arg26 : memref<!tpu.dma_semaphore, #tpu.memory_space<semaphore_mem>>)
    %dma_start3A_76 = tpu.memref_slice %arg6[%add3A_73] : memref<320000xi32, #tpu.memory_space<hbm>> -> memref<80xi32, #tpu.memory_space<hbm>>
    %dma_start3A_77 = tpu.memref_slice %arg6[%add3A_73] : memref<320000xi32, #tpu.memory_space<hbm>> -> memref<80xi32, #tpu.memory_space<hbm>>
    tpu.enqueue_dma source(%dma_start3A_77 : memref<80xi32, #tpu.memory_space<hbm>>) target(%arg11 : memref<80xi32, #tpu.memory_space<vmem>>) target_semaphore(%arg26 : memref<!tpu.dma_semaphore, #tpu.memory_space<semaphore_mem>>)
    %mul3A_78 = arith.constant 4 : i32
    %mul3A_79 = arith.muli %add3A_73, %mul3A_78 : i32
    %dma_start3A_80 = tpu.memref_slice %arg4[%mul3A_79] : memref<1280000xf32, #tpu.memory_space<hbm>> -> memref<320xf32, #tpu.memory_space<hbm>>
    %dma_start3A_81 = tpu.memref_slice %arg4[%mul3A_79] : memref<1280000xf32, #tpu.memory_space<hbm>> -> memref<320xf32, #tpu.memory_space<hbm>>
    tpu.enqueue_dma source(%dma_start3A_81 : memref<320xf32, #tpu.memory_space<hbm>>) target(%arg13 : memref<320xf32, #tpu.memory_space<vmem>>) target_semaphore(%arg26 : memref<!tpu.dma_semaphore, #tpu.memory_space<semaphore_mem>>)
    %scan3A_82 = arith.constant 0 : i32
    %scan3A_83 = arith.constant 0 : i32
    %scan3A_84 = arith.constant 125 : i32
    %scan3A_85 = arith.addi %scan3A_83, %scan3A_84 : i32
    %scan3A_86 = arith.constant 1 : i32
    scf.for %scan3A_94 = %scan3A_83 to %scan3A_85 step %scan3A_86  : i32 {
      %jit3A = arith.constant 2 : i32
      %eq3A = arith.constant 0 : i32
      %eq3A_95 = arith.cmpi eq, %jit3A, %eq3A : i32
      %jit3A_96 = arith.constant 1 : i32
      %select_n3A = arith.select %eq3A_95, %jit3A_96, %jit3A : i32
      %rem3A = arith.remsi %scan3A_94, %select_n3A : i32
      %ne3A = arith.constant 0 : i32
      %ne3A_97 = arith.cmpi ne, %rem3A, %ne3A : i32
      %lt3A = arith.constant 0 : i32
      %lt3A_98 = arith.cmpi slt, %rem3A, %lt3A : i32
      %lt3A_99 = arith.constant 0 : i32
      %lt3A_100 = arith.cmpi slt, %select_n3A, %lt3A_99 : i32
      %ne3A_101 = arith.xori %lt3A_98, %lt3A_100 : i1
      %and3A = arith.andi %ne3A_101, %ne3A_97 : i1
      %add3A_102 = arith.addi %rem3A, %select_n3A : i32
      %select_n3A_103 = arith.select %and3A, %add3A_102, %rem3A : i32
      %eq3A_104 = arith.constant 0 : i32
      %eq3A_105 = arith.cmpi eq, %select_n3A_103, %eq3A_104 : i32
      %convert_element_type3A = arith.extui %eq3A_105 : i1 to i32
      %cond3A = arith.constant 0 : i32
      %cond3A_106 = arith.cmpi ne, %convert_element_type3A, %cond3A : i32
      scf.if %cond3A_106 {
        %dma_wait3A_128 = arith.constant 0 : i32
        %dma_wait3A_129 = arith.constant 0 : i32
        %dma_wait3A_130 = tpu.memref_slice %arg3[%dma_wait3A_128, %dma_wait3A_129] : memref<10000x16xf32, #tpu.memory_space<hbm>> -> memref<10000x16xf32, #tpu.memory_space<hbm>>
        tpu.wait_indirect_dma semaphore(%arg23 : memref<!tpu.dma_semaphore, #tpu.memory_space<semaphore_mem>>) src(%dma_wait3A_130 : memref<10000x16xf32, #tpu.memory_space<hbm>>) dst(%arg14 : memref<80x16xf32, #tpu.memory_space<vmem>>)
        %dma_wait3A_131 = arith.constant 0 : i32
        %dma_wait3A_132 = arith.constant 0 : i32
        %dma_wait3A_133 = tpu.memref_slice %arg3[%dma_wait3A_131, %dma_wait3A_132] : memref<10000x16xf32, #tpu.memory_space<hbm>> -> memref<10000x16xf32, #tpu.memory_space<hbm>>
        tpu.wait_indirect_dma semaphore(%arg23 : memref<!tpu.dma_semaphore, #tpu.memory_space<semaphore_mem>>) src(%dma_wait3A_133 : memref<10000x16xf32, #tpu.memory_space<hbm>>) dst(%arg16 : memref<80x16xf32, #tpu.memory_space<vmem>>)
        %dma_wait3A_134 = arith.constant 0 : i32
        %dma_wait3A_135 = arith.constant 0 : i32
        %dma_wait3A_136 = tpu.memref_slice %arg2[%dma_wait3A_134, %dma_wait3A_135] : memref<10000x128xf32, #tpu.memory_space<hbm>> -> memref<10000x128xf32, #tpu.memory_space<hbm>>
        tpu.wait_indirect_dma semaphore(%arg23 : memref<!tpu.dma_semaphore, #tpu.memory_space<semaphore_mem>>) src(%dma_wait3A_136 : memref<10000x128xf32, #tpu.memory_space<hbm>>) dst(%arg19 : memref<80x128xf32, #tpu.memory_space<vmem>>)
        %add3A_137 = arith.constant 1 : i32
        %add3A_138 = arith.addi %scan3A_94, %add3A_137 : i32
        %lt3A_139 = arith.constant 125 : i32
        %lt3A_140 = arith.cmpi slt, %add3A_138, %lt3A_139 : i32
        %convert_element_type3A_141 = arith.extui %lt3A_140 : i1 to i32
        %cond3A_142 = arith.constant 0 : i32
        %cond3A_143 = arith.cmpi ne, %convert_element_type3A_141, %cond3A_142 : i32
        scf.if %cond3A_143 {
          %add3A_745 = arith.constant 1 : i32
          %add3A_746 = arith.addi %scan3A_94, %add3A_745 : i32
          %mul3A_747 = arith.constant 10000 : i32
          %mul3A_748 = arith.muli %add3A, %mul3A_747 : i32
          %mul3A_749 = arith.constant 80 : i32
          %mul3A_750 = arith.muli %add3A_746, %mul3A_749 : i32
          %add3A_751 = arith.addi %mul3A_748, %mul3A_750 : i32
          %dma_wait3A_752 = tpu.memref_slice %arg5[%add3A_751] : memref<320000xi32, #tpu.memory_space<hbm>> -> memref<80xi32, #tpu.memory_space<hbm>>
          %dma_wait3A_753 = tpu.memref_slice %arg5[%add3A_751] : memref<320000xi32, #tpu.memory_space<hbm>> -> memref<80xi32, #tpu.memory_space<hbm>>
          tpu.wait_dma2 semaphore(%arg26 : memref<!tpu.dma_semaphore, #tpu.memory_space<semaphore_mem>>) src(%dma_wait3A_753 : memref<80xi32, #tpu.memory_space<hbm>>) dst(%arg9 : memref<80xi32, #tpu.memory_space<vmem>>)
          %dma_wait3A_754 = tpu.memref_slice %arg6[%add3A_751] : memref<320000xi32, #tpu.memory_space<hbm>> -> memref<80xi32, #tpu.memory_space<hbm>>
          %dma_wait3A_755 = tpu.memref_slice %arg6[%add3A_751] : memref<320000xi32, #tpu.memory_space<hbm>> -> memref<80xi32, #tpu.memory_space<hbm>>
          tpu.wait_dma2 semaphore(%arg26 : memref<!tpu.dma_semaphore, #tpu.memory_space<semaphore_mem>>) src(%dma_wait3A_755 : memref<80xi32, #tpu.memory_space<hbm>>) dst(%arg11 : memref<80xi32, #tpu.memory_space<vmem>>)
          %mul3A_756 = arith.constant 4 : i32
          %mul3A_757 = arith.muli %add3A_751, %mul3A_756 : i32
          %dma_wait3A_758 = tpu.memref_slice %arg4[%mul3A_757] : memref<1280000xf32, #tpu.memory_space<hbm>> -> memref<320xf32, #tpu.memory_space<hbm>>
          %dma_wait3A_759 = tpu.memref_slice %arg4[%mul3A_757] : memref<1280000xf32, #tpu.memory_space<hbm>> -> memref<320xf32, #tpu.memory_space<hbm>>
          tpu.wait_dma2 semaphore(%arg26 : memref<!tpu.dma_semaphore, #tpu.memory_space<semaphore_mem>>) src(%dma_wait3A_759 : memref<320xf32, #tpu.memory_space<hbm>>) dst(%arg13 : memref<320xf32, #tpu.memory_space<vmem>>)
          %dma_start3A_760 = arith.constant 0 : i32
          %dma_start3A_761 = arith.constant 0 : i32
          %dma_start3A_762 = tpu.memref_slice %arg3[%dma_start3A_760, %dma_start3A_761] : memref<10000x16xf32, #tpu.memory_space<hbm>> -> memref<10000x16xf32, #tpu.memory_space<hbm>>
          tpu.enqueue_indirect_dma source(%dma_start3A_762 : memref<10000x16xf32, #tpu.memory_space<hbm>>) target(%arg15 : memref<80x16xf32, #tpu.memory_space<vmem>>) offsets(%arg9 : memref<80xi32, #tpu.memory_space<vmem>>) semaphore(%arg24 : memref<!tpu.dma_semaphore, #tpu.memory_space<semaphore_mem>>)
          %dma_start3A_763 = arith.constant 0 : i32
          %dma_start3A_764 = arith.constant 0 : i32
          %dma_start3A_765 = tpu.memref_slice %arg3[%dma_start3A_763, %dma_start3A_764] : memref<10000x16xf32, #tpu.memory_space<hbm>> -> memref<10000x16xf32, #tpu.memory_space<hbm>>
          tpu.enqueue_indirect_dma source(%dma_start3A_765 : memref<10000x16xf32, #tpu.memory_space<hbm>>) target(%arg17 : memref<80x16xf32, #tpu.memory_space<vmem>>) offsets(%arg11 : memref<80xi32, #tpu.memory_space<vmem>>) semaphore(%arg24 : memref<!tpu.dma_semaphore, #tpu.memory_space<semaphore_mem>>)
          %dma_start3A_766 = arith.constant 0 : i32
          %dma_start3A_767 = arith.constant 0 : i32
          %dma_start3A_768 = tpu.memref_slice %arg2[%dma_start3A_766, %dma_start3A_767] : memref<10000x128xf32, #tpu.memory_space<hbm>> -> memref<10000x128xf32, #tpu.memory_space<hbm>>
          tpu.enqueue_indirect_dma source(%dma_start3A_768 : memref<10000x128xf32, #tpu.memory_space<hbm>>) target(%arg20 : memref<80x128xf32, #tpu.memory_space<vmem>>) offsets(%arg9 : memref<80xi32, #tpu.memory_space<vmem>>) semaphore(%arg24 : memref<!tpu.dma_semaphore, #tpu.memory_space<semaphore_mem>>)
        } else {
        }
        %add3A_144 = arith.constant 0 : i32
        %add3A_145 = vector.broadcast %add3A_144 : i32 to vector<16xi32>
        %add3A_146 = arith.addi %iota3A, %add3A_145 : vector<16xi32>
        %broadcast_in_dim3A_147 = arith.constant 0 : i32
        %broadcast_in_dim3A_148 = vector.broadcast %broadcast_in_dim3A_147 : i32 to vector<16xi32>
        %broadcast_in_dim3A_149 = arith.constant 4 : i32
        %broadcast_in_dim3A_150 = vector.broadcast %broadcast_in_dim3A_149 : i32 to vector<16xi32>
        %gather3A = tpu.vector_load_idx %arg14[%add3A_146, %broadcast_in_dim3A_148] : memref<80x16xf32, #tpu.memory_space<vmem>>[vector<16xi32>, vector<16xi32>], vector<16xf32>,
        %gather3A_151 = tpu.vector_load_idx %arg16[%add3A_146, %broadcast_in_dim3A_150] : memref<80x16xf32, #tpu.memory_space<vmem>>[vector<16xi32>, vector<16xi32>], vector<16xf32>,
        %add3A_152 = arith.addf %gather3A, %gather3A_151 : vector<16xf32>
        %mul3A_153 = arith.constant 4 : i32
        %mul3A_154 = vector.broadcast %mul3A_153 : i32 to vector<16xi32>
        %mul3A_155 = arith.muli %add3A_146, %mul3A_154 : vector<16xi32>
        %add3A_156 = arith.constant 0 : i32
        %add3A_157 = vector.broadcast %add3A_156 : i32 to vector<16xi32>
        %add3A_158 = arith.addi %mul3A_155, %add3A_157 : vector<16xi32>
        %gather3A_159 = tpu.vector_load_idx %arg12[%add3A_158] : memref<320xf32, #tpu.memory_space<vmem>>[vector<16xi32>], vector<16xf32>,
        %add3A_160 = arith.addf %add3A_152, %gather3A_159 : vector<16xf32>
        %gt3A = arith.constant 0.000000e+00 : f32
        %gt3A_161 = vector.broadcast %gt3A : f32 to vector<16xf32>
        %gt3A_162 = arith.cmpf ogt, %add3A_160, %gt3A_161 : vector<16xf32>
        %mul3A_163 = arith.constant 0.00999999977 : f32
        %mul3A_164 = vector.broadcast %mul3A_163 : f32 to vector<16xf32>
        %mul3A_165 = arith.mulf %mul3A_164, %add3A_160 : vector<16xf32>
        %select_n3A_166 = arith.select %gt3A_162, %add3A_160, %mul3A_165 : vector<16xi1>, vector<16xf32>
        %mul3A_167 = arith.constant 4 : i32
        %mul3A_168 = vector.broadcast %mul3A_167 : i32 to vector<16xi32>
        %mul3A_169 = arith.muli %add3A_146, %mul3A_168 : vector<16xi32>
        %add3A_170 = arith.constant 0 : i32
        %add3A_171 = vector.broadcast %add3A_170 : i32 to vector<16xi32>
        %add3A_172 = arith.addi %mul3A_169, %add3A_171 : vector<16xi32>
        %exp3A = math.exp %select_n3A_166 : vector<16xf32>
        tpu.vector_store_idx %arg18[%add3A_172], %exp3A : memref<336xf32, #tpu.memory_space<vmem>>[vector<16xi32>], vector<16xf32>,
        %broadcast_in_dim3A_173 = arith.constant 1 : i32
        %broadcast_in_dim3A_174 = vector.broadcast %broadcast_in_dim3A_173 : i32 to vector<16xi32>
        %broadcast_in_dim3A_175 = arith.constant 5 : i32
        %broadcast_in_dim3A_176 = vector.broadcast %broadcast_in_dim3A_175 : i32 to vector<16xi32>
        %gather3A_177 = tpu.vector_load_idx %arg14[%add3A_146, %broadcast_in_dim3A_174] : memref<80x16xf32, #tpu.memory_space<vmem>>[vector<16xi32>, vector<16xi32>], vector<16xf32>,
        %gather3A_178 = tpu.vector_load_idx %arg16[%add3A_146, %broadcast_in_dim3A_176] : memref<80x16xf32, #tpu.memory_space<vmem>>[vector<16xi32>, vector<16xi32>], vector<16xf32>,
        %add3A_179 = arith.addf %gather3A_177, %gather3A_178 : vector<16xf32>
        %mul3A_180 = arith.constant 4 : i32
        %mul3A_181 = vector.broadcast %mul3A_180 : i32 to vector<16xi32>
        %mul3A_182 = arith.muli %add3A_146, %mul3A_181 : vector<16xi32>
        %add3A_183 = arith.constant 1 : i32
        %add3A_184 = vector.broadcast %add3A_183 : i32 to vector<16xi32>
        %add3A_185 = arith.addi %mul3A_182, %add3A_184 : vector<16xi32>
        %gather3A_186 = tpu.vector_load_idx %arg12[%add3A_185] : memref<320xf32, #tpu.memory_space<vmem>>[vector<16xi32>], vector<16xf32>,
        %add3A_187 = arith.addf %add3A_179, %gather3A_186 : vector<16xf32>
        %gt3A_188 = arith.constant 0.000000e+00 : f32
        %gt3A_189 = vector.broadcast %gt3A_188 : f32 to vector<16xf32>
        %gt3A_190 = arith.cmpf ogt, %add3A_187, %gt3A_189 : vector<16xf32>
        %mul3A_191 = arith.constant 0.00999999977 : f32
        %mul3A_192 = vector.broadcast %mul3A_191 : f32 to vector<16xf32>
        %mul3A_193 = arith.mulf %mul3A_192, %add3A_187 : vector<16xf32>
        %select_n3A_194 = arith.select %gt3A_190, %add3A_187, %mul3A_193 : vector<16xi1>, vector<16xf32>
        %mul3A_195 = arith.constant 4 : i32
        %mul3A_196 = vector.broadcast %mul3A_195 : i32 to vector<16xi32>
        %mul3A_197 = arith.muli %add3A_146, %mul3A_196 : vector<16xi32>
        %add3A_198 = arith.constant 1 : i32
        %add3A_199 = vector.broadcast %add3A_198 : i32 to vector<16xi32>
        %add3A_200 = arith.addi %mul3A_197, %add3A_199 : vector<16xi32>
        %exp3A_201 = math.exp %select_n3A_194 : vector<16xf32>
        tpu.vector_store_idx %arg18[%add3A_200], %exp3A_201 : memref<336xf32, #tpu.memory_space<vmem>>[vector<16xi32>], vector<16xf32>,
        %broadcast_in_dim3A_202 = arith.constant 2 : i32
        %broadcast_in_dim3A_203 = vector.broadcast %broadcast_in_dim3A_202 : i32 to vector<16xi32>
        %broadcast_in_dim3A_204 = arith.constant 6 : i32
        %broadcast_in_dim3A_205 = vector.broadcast %broadcast_in_dim3A_204 : i32 to vector<16xi32>
        %gather3A_206 = tpu.vector_load_idx %arg14[%add3A_146, %broadcast_in_dim3A_203] : memref<80x16xf32, #tpu.memory_space<vmem>>[vector<16xi32>, vector<16xi32>], vector<16xf32>,
        %gather3A_207 = tpu.vector_load_idx %arg16[%add3A_146, %broadcast_in_dim3A_205] : memref<80x16xf32, #tpu.memory_space<vmem>>[vector<16xi32>, vector<16xi32>], vector<16xf32>,
        %add3A_208 = arith.addf %gather3A_206, %gather3A_207 : vector<16xf32>
        %mul3A_209 = arith.constant 4 : i32
        %mul3A_210 = vector.broadcast %mul3A_209 : i32 to vector<16xi32>
        %mul3A_211 = arith.muli %add3A_146, %mul3A_210 : vector<16xi32>
        %add3A_212 = arith.constant 2 : i32
        %add3A_213 = vector.broadcast %add3A_212 : i32 to vector<16xi32>
        %add3A_214 = arith.addi %mul3A_211, %add3A_213 : vector<16xi32>
        %gather3A_215 = tpu.vector_load_idx %arg12[%add3A_214] : memref<320xf32, #tpu.memory_space<vmem>>[vector<16xi32>], vector<16xf32>,
        %add3A_216 = arith.addf %add3A_208, %gather3A_215 : vector<16xf32>
        %gt3A_217 = arith.constant 0.000000e+00 : f32
        %gt3A_218 = vector.broadcast %gt3A_217 : f32 to vector<16xf32>
        %gt3A_219 = arith.cmpf ogt, %add3A_216, %gt3A_218 : vector<16xf32>
        %mul3A_220 = arith.constant 0.00999999977 : f32
        %mul3A_221 = vector.broadcast %mul3A_220 : f32 to vector<16xf32>
        %mul3A_222 = arith.mulf %mul3A_221, %add3A_216 : vector<16xf32>
        %select_n3A_223 = arith.select %gt3A_219, %add3A_216, %mul3A_222 : vector<16xi1>, vector<16xf32>
        %mul3A_224 = arith.constant 4 : i32
        %mul3A_225 = vector.broadcast %mul3A_224 : i32 to vector<16xi32>
        %mul3A_226 = arith.muli %add3A_146, %mul3A_225 : vector<16xi32>
        %add3A_227 = arith.constant 2 : i32
        %add3A_228 = vector.broadcast %add3A_227 : i32 to vector<16xi32>
        %add3A_229 = arith.addi %mul3A_226, %add3A_228 : vector<16xi32>
        %exp3A_230 = math.exp %select_n3A_223 : vector<16xf32>
        tpu.vector_store_idx %arg18[%add3A_229], %exp3A_230 : memref<336xf32, #tpu.memory_space<vmem>>[vector<16xi32>], vector<16xf32>,
        %broadcast_in_dim3A_231 = arith.constant 3 : i32
        %broadcast_in_dim3A_232 = vector.broadcast %broadcast_in_dim3A_231 : i32 to vector<16xi32>
        %broadcast_in_dim3A_233 = arith.constant 7 : i32
        %broadcast_in_dim3A_234 = vector.broadcast %broadcast_in_dim3A_233 : i32 to vector<16xi32>
        %gather3A_235 = tpu.vector_load_idx %arg14[%add3A_146, %broadcast_in_dim3A_232] : memref<80x16xf32, #tpu.memory_space<vmem>>[vector<16xi32>, vector<16xi32>], vector<16xf32>,
        %gather3A_236 = tpu.vector_load_idx %arg16[%add3A_146, %broadcast_in_dim3A_234] : memref<80x16xf32, #tpu.memory_space<vmem>>[vector<16xi32>, vector<16xi32>], vector<16xf32>,
        %add3A_237 = arith.addf %gather3A_235, %gather3A_236 : vector<16xf32>
        %mul3A_238 = arith.constant 4 : i32
        %mul3A_239 = vector.broadcast %mul3A_238 : i32 to vector<16xi32>
        %mul3A_240 = arith.muli %add3A_146, %mul3A_239 : vector<16xi32>
        %add3A_241 = arith.constant 3 : i32
        %add3A_242 = vector.broadcast %add3A_241 : i32 to vector<16xi32>
        %add3A_243 = arith.addi %mul3A_240, %add3A_242 : vector<16xi32>
        %gather3A_244 = tpu.vector_load_idx %arg12[%add3A_243] : memref<320xf32, #tpu.memory_space<vmem>>[vector<16xi32>], vector<16xf32>,
        %add3A_245 = arith.addf %add3A_237, %gather3A_244 : vector<16xf32>
        %gt3A_246 = arith.constant 0.000000e+00 : f32
        %gt3A_247 = vector.broadcast %gt3A_246 : f32 to vector<16xf32>
        %gt3A_248 = arith.cmpf ogt, %add3A_245, %gt3A_247 : vector<16xf32>
        %mul3A_249 = arith.constant 0.00999999977 : f32
        %mul3A_250 = vector.broadcast %mul3A_249 : f32 to vector<16xf32>
        %mul3A_251 = arith.mulf %mul3A_250, %add3A_245 : vector<16xf32>
        %select_n3A_252 = arith.select %gt3A_248, %add3A_245, %mul3A_251 : vector<16xi1>, vector<16xf32>
        %mul3A_253 = arith.constant 4 : i32
        %mul3A_254 = vector.broadcast %mul3A_253 : i32 to vector<16xi32>
        %mul3A_255 = arith.muli %add3A_146, %mul3A_254 : vector<16xi32>
        %add3A_256 = arith.constant 3 : i32
        %add3A_257 = vector.broadcast %add3A_256 : i32 to vector<16xi32>
        %add3A_258 = arith.addi %mul3A_255, %add3A_257 : vector<16xi32>
        %exp3A_259 = math.exp %select_n3A_252 : vector<16xf32>
        tpu.vector_store_idx %arg18[%add3A_258], %exp3A_259 : memref<336xf32, #tpu.memory_space<vmem>>[vector<16xi32>], vector<16xf32>,
        %add3A_260 = arith.constant 16 : i32
        %add3A_261 = vector.broadcast %add3A_260 : i32 to vector<16xi32>
        %add3A_262 = arith.addi %iota3A, %add3A_261 : vector<16xi32>
        %broadcast_in_dim3A_263 = arith.constant 0 : i32
        %broadcast_in_dim3A_264 = vector.broadcast %broadcast_in_dim3A_263 : i32 to vector<16xi32>
        %broadcast_in_dim3A_265 = arith.constant 4 : i32
        %broadcast_in_dim3A_266 = vector.broadcast %broadcast_in_dim3A_265 : i32 to vector<16xi32>
        %gather3A_267 = tpu.vector_load_idx %arg14[%add3A_262, %broadcast_in_dim3A_264] : memref<80x16xf32, #tpu.memory_space<vmem>>[vector<16xi32>, vector<16xi32>], vector<16xf32>,
        %gather3A_268 = tpu.vector_load_idx %arg16[%add3A_262, %broadcast_in_dim3A_266] : memref<80x16xf32, #tpu.memory_space<vmem>>[vector<16xi32>, vector<16xi32>], vector<16xf32>,
        %add3A_269 = arith.addf %gather3A_267, %gather3A_268 : vector<16xf32>
        %mul3A_270 = arith.constant 4 : i32
        %mul3A_271 = vector.broadcast %mul3A_270 : i32 to vector<16xi32>
        %mul3A_272 = arith.muli %add3A_262, %mul3A_271 : vector<16xi32>
        %add3A_273 = arith.constant 0 : i32
        %add3A_274 = vector.broadcast %add3A_273 : i32 to vector<16xi32>
        %add3A_275 = arith.addi %mul3A_272, %add3A_274 : vector<16xi32>
        %gather3A_276 = tpu.vector_load_idx %arg12[%add3A_275] : memref<320xf32, #tpu.memory_space<vmem>>[vector<16xi32>], vector<16xf32>,
        %add3A_277 = arith.addf %add3A_269, %gather3A_276 : vector<16xf32>
        %gt3A_278 = arith.constant 0.000000e+00 : f32
        %gt3A_279 = vector.broadcast %gt3A_278 : f32 to vector<16xf32>
        %gt3A_280 = arith.cmpf ogt, %add3A_277, %gt3A_279 : vector<16xf32>
        %mul3A_281 = arith.constant 0.00999999977 : f32
        %mul3A_282 = vector.broadcast %mul3A_281 : f32 to vector<16xf32>
        %mul3A_283 = arith.mulf %mul3A_282, %add3A_277 : vector<16xf32>
        %select_n3A_284 = arith.select %gt3A_280, %add3A_277, %mul3A_283 : vector<16xi1>, vector<16xf32>
        %mul3A_285 = arith.constant 4 : i32
        %mul3A_286 = vector.broadcast %mul3A_285 : i32 to vector<16xi32>
        %mul3A_287 = arith.muli %add3A_262, %mul3A_286 : vector<16xi32>
        %add3A_288 = arith.constant 0 : i32
        %add3A_289 = vector.broadcast %add3A_288 : i32 to vector<16xi32>
        %add3A_290 = arith.addi %mul3A_287, %add3A_289 : vector<16xi32>
        %exp3A_291 = math.exp %select_n3A_284 : vector<16xf32>
        tpu.vector_store_idx %arg18[%add3A_290], %exp3A_291 : memref<336xf32, #tpu.memory_space<vmem>>[vector<16xi32>], vector<16xf32>,
        %broadcast_in_dim3A_292 = arith.constant 1 : i32
        %broadcast_in_dim3A_293 = vector.broadcast %broadcast_in_dim3A_292 : i32 to vector<16xi32>
        %broadcast_in_dim3A_294 = arith.constant 5 : i32
        %broadcast_in_dim3A_295 = vector.broadcast %broadcast_in_dim3A_294 : i32 to vector<16xi32>
        %gather3A_296 = tpu.vector_load_idx %arg14[%add3A_262, %broadcast_in_dim3A_293] : memref<80x16xf32, #tpu.memory_space<vmem>>[vector<16xi32>, vector<16xi32>], vector<16xf32>,
        %gather3A_297 = tpu.vector_load_idx %arg16[%add3A_262, %broadcast_in_dim3A_295] : memref<80x16xf32, #tpu.memory_space<vmem>>[vector<16xi32>, vector<16xi32>], vector<16xf32>,
        %add3A_298 = arith.addf %gather3A_296, %gather3A_297 : vector<16xf32>
        %mul3A_299 = arith.constant 4 : i32
        %mul3A_300 = vector.broadcast %mul3A_299 : i32 to vector<16xi32>
        %mul3A_301 = arith.muli %add3A_262, %mul3A_300 : vector<16xi32>
        %add3A_302 = arith.constant 1 : i32
        %add3A_303 = vector.broadcast %add3A_302 : i32 to vector<16xi32>
        %add3A_304 = arith.addi %mul3A_301, %add3A_303 : vector<16xi32>
        %gather3A_305 = tpu.vector_load_idx %arg12[%add3A_304] : memref<320xf32, #tpu.memory_space<vmem>>[vector<16xi32>], vector<16xf32>,
        %add3A_306 = arith.addf %add3A_298, %gather3A_305 : vector<16xf32>
        %gt3A_307 = arith.constant 0.000000e+00 : f32
        %gt3A_308 = vector.broadcast %gt3A_307 : f32 to vector<16xf32>
        %gt3A_309 = arith.cmpf ogt, %add3A_306, %gt3A_308 : vector<16xf32>
        %mul3A_310 = arith.constant 0.00999999977 : f32
        %mul3A_311 = vector.broadcast %mul3A_310 : f32 to vector<16xf32>
        %mul3A_312 = arith.mulf %mul3A_311, %add3A_306 : vector<16xf32>
        %select_n3A_313 = arith.select %gt3A_309, %add3A_306, %mul3A_312 : vector<16xi1>, vector<16xf32>
        %mul3A_314 = arith.constant 4 : i32
        %mul3A_315 = vector.broadcast %mul3A_314 : i32 to vector<16xi32>
        %mul3A_316 = arith.muli %add3A_262, %mul3A_315 : vector<16xi32>
        %add3A_317 = arith.constant 1 : i32
        %add3A_318 = vector.broadcast %add3A_317 : i32 to vector<16xi32>
        %add3A_319 = arith.addi %mul3A_316, %add3A_318 : vector<16xi32>
        %exp3A_320 = math.exp %select_n3A_313 : vector<16xf32>
        tpu.vector_store_idx %arg18[%add3A_319], %exp3A_320 : memref<336xf32, #tpu.memory_space<vmem>>[vector<16xi32>], vector<16xf32>,
        %broadcast_in_dim3A_321 = arith.constant 2 : i32
        %broadcast_in_dim3A_322 = vector.broadcast %broadcast_in_dim3A_321 : i32 to vector<16xi32>
        %broadcast_in_dim3A_323 = arith.constant 6 : i32
        %broadcast_in_dim3A_324 = vector.broadcast %broadcast_in_dim3A_323 : i32 to vector<16xi32>
        %gather3A_325 = tpu.vector_load_idx %arg14[%add3A_262, %broadcast_in_dim3A_322] : memref<80x16xf32, #tpu.memory_space<vmem>>[vector<16xi32>, vector<16xi32>], vector<16xf32>,
        %gather3A_326 = tpu.vector_load_idx %arg16[%add3A_262, %broadcast_in_dim3A_324] : memref<80x16xf32, #tpu.memory_space<vmem>>[vector<16xi32>, vector<16xi32>], vector<16xf32>,
        %add3A_327 = arith.addf %gather3A_325, %gather3A_326 : vector<16xf32>
        %mul3A_328 = arith.constant 4 : i32
        %mul3A_329 = vector.broadcast %mul3A_328 : i32 to vector<16xi32>
        %mul3A_330 = arith.muli %add3A_262, %mul3A_329 : vector<16xi32>
        %add3A_331 = arith.constant 2 : i32
        %add3A_332 = vector.broadcast %add3A_331 : i32 to vector<16xi32>
        %add3A_333 = arith.addi %mul3A_330, %add3A_332 : vector<16xi32>
        %gather3A_334 = tpu.vector_load_idx %arg12[%add3A_333] : memref<320xf32, #tpu.memory_space<vmem>>[vector<16xi32>], vector<16xf32>,
        %add3A_335 = arith.addf %add3A_327, %gather3A_334 : vector<16xf32>
        %gt3A_336 = arith.constant 0.000000e+00 : f32
        %gt3A_337 = vector.broadcast %gt3A_336 : f32 to vector<16xf32>
        %gt3A_338 = arith.cmpf ogt, %add3A_335, %gt3A_337 : vector<16xf32>
        %mul3A_339 = arith.constant 0.00999999977 : f32
        %mul3A_340 = vector.broadcast %mul3A_339 : f32 to vector<16xf32>
        %mul3A_341 = arith.mulf %mul3A_340, %add3A_335 : vector<16xf32>
        %select_n3A_342 = arith.select %gt3A_338, %add3A_335, %mul3A_341 : vector<16xi1>, vector<16xf32>
        %mul3A_343 = arith.constant 4 : i32
        %mul3A_344 = vector.broadcast %mul3A_343 : i32 to vector<16xi32>
        %mul3A_345 = arith.muli %add3A_262, %mul3A_344 : vector<16xi32>
        %add3A_346 = arith.constant 2 : i32
        %add3A_347 = vector.broadcast %add3A_346 : i32 to vector<16xi32>
        %add3A_348 = arith.addi %mul3A_345, %add3A_347 : vector<16xi32>
        %exp3A_349 = math.exp %select_n3A_342 : vector<16xf32>
        tpu.vector_store_idx %arg18[%add3A_348], %exp3A_349 : memref<336xf32, #tpu.memory_space<vmem>>[vector<16xi32>], vector<16xf32>,
        %broadcast_in_dim3A_350 = arith.constant 3 : i32
        %broadcast_in_dim3A_351 = vector.broadcast %broadcast_in_dim3A_350 : i32 to vector<16xi32>
        %broadcast_in_dim3A_352 = arith.constant 7 : i32
        %broadcast_in_dim3A_353 = vector.broadcast %broadcast_in_dim3A_352 : i32 to vector<16xi32>
        %gather3A_354 = tpu.vector_load_idx %arg14[%add3A_262, %broadcast_in_dim3A_351] : memref<80x16xf32, #tpu.memory_space<vmem>>[vector<16xi32>, vector<16xi32>], vector<16xf32>,
        %gather3A_355 = tpu.vector_load_idx %arg16[%add3A_262, %broadcast_in_dim3A_353] : memref<80x16xf32, #tpu.memory_space<vmem>>[vector<16xi32>, vector<16xi32>], vector<16xf32>,
        %add3A_356 = arith.addf %gather3A_354, %gather3A_355 : vector<16xf32>
        %mul3A_357 = arith.constant 4 : i32
        %mul3A_358 = vector.broadcast %mul3A_357 : i32 to vector<16xi32>
        %mul3A_359 = arith.muli %add3A_262, %mul3A_358 : vector<16xi32>
        %add3A_360 = arith.constant 3 : i32
        %add3A_361 = vector.broadcast %add3A_360 : i32 to vector<16xi32>
        %add3A_362 = arith.addi %mul3A_359, %add3A_361 : vector<16xi32>
        %gather3A_363 = tpu.vector_load_idx %arg12[%add3A_362] : memref<320xf32, #tpu.memory_space<vmem>>[vector<16xi32>], vector<16xf32>,
        %add3A_364 = arith.addf %add3A_356, %gather3A_363 : vector<16xf32>
        %gt3A_365 = arith.constant 0.000000e+00 : f32
        %gt3A_366 = vector.broadcast %gt3A_365 : f32 to vector<16xf32>
        %gt3A_367 = arith.cmpf ogt, %add3A_364, %gt3A_366 : vector<16xf32>
        %mul3A_368 = arith.constant 0.00999999977 : f32
        %mul3A_369 = vector.broadcast %mul3A_368 : f32 to vector<16xf32>
        %mul3A_370 = arith.mulf %mul3A_369, %add3A_364 : vector<16xf32>
        %select_n3A_371 = arith.select %gt3A_367, %add3A_364, %mul3A_370 : vector<16xi1>, vector<16xf32>
        %mul3A_372 = arith.constant 4 : i32
        %mul3A_373 = vector.broadcast %mul3A_372 : i32 to vector<16xi32>
        %mul3A_374 = arith.muli %add3A_262, %mul3A_373 : vector<16xi32>
        %add3A_375 = arith.constant 3 : i32
        %add3A_376 = vector.broadcast %add3A_375 : i32 to vector<16xi32>
        %add3A_377 = arith.addi %mul3A_374, %add3A_376 : vector<16xi32>
        %exp3A_378 = math.exp %select_n3A_371 : vector<16xf32>
        tpu.vector_store_idx %arg18[%add3A_377], %exp3A_378 : memref<336xf32, #tpu.memory_space<vmem>>[vector<16xi32>], vector<16xf32>,
        %add3A_379 = arith.constant 32 : i32
        %add3A_380 = vector.broadcast %add3A_379 : i32 to vector<16xi32>
        %add3A_381 = arith.addi %iota3A, %add3A_380 : vector<16xi32>
        %broadcast_in_dim3A_382 = arith.constant 0 : i32
        %broadcast_in_dim3A_383 = vector.broadcast %broadcast_in_dim3A_382 : i32 to vector<16xi32>
        %broadcast_in_dim3A_384 = arith.constant 4 : i32
        %broadcast_in_dim3A_385 = vector.broadcast %broadcast_in_dim3A_384 : i32 to vector<16xi32>
        %gather3A_386 = tpu.vector_load_idx %arg14[%add3A_381, %broadcast_in_dim3A_383] : memref<80x16xf32, #tpu.memory_space<vmem>>[vector<16xi32>, vector<16xi32>], vector<16xf32>,
        %gather3A_387 = tpu.vector_load_idx %arg16[%add3A_381, %broadcast_in_dim3A_385] : memref<80x16xf32, #tpu.memory_space<vmem>>[vector<16xi32>, vector<16xi32>], vector<16xf32>,
        %add3A_388 = arith.addf %gather3A_386, %gather3A_387 : vector<16xf32>
        %mul3A_389 = arith.constant 4 : i32
        %mul3A_390 = vector.broadcast %mul3A_389 : i32 to vector<16xi32>
        %mul3A_391 = arith.muli %add3A_381, %mul3A_390 : vector<16xi32>
        %add3A_392 = arith.constant 0 : i32
        %add3A_393 = vector.broadcast %add3A_392 : i32 to vector<16xi32>
        %add3A_394 = arith.addi %mul3A_391, %add3A_393 : vector<16xi32>
        %gather3A_395 = tpu.vector_load_idx %arg12[%add3A_394] : memref<320xf32, #tpu.memory_space<vmem>>[vector<16xi32>], vector<16xf32>,
        %add3A_396 = arith.addf %add3A_388, %gather3A_395 : vector<16xf32>
        %gt3A_397 = arith.constant 0.000000e+00 : f32
        %gt3A_398 = vector.broadcast %gt3A_397 : f32 to vector<16xf32>
        %gt3A_399 = arith.cmpf ogt, %add3A_396, %gt3A_398 : vector<16xf32>
        %mul3A_400 = arith.constant 0.00999999977 : f32
        %mul3A_401 = vector.broadcast %mul3A_400 : f32 to vector<16xf32>
        %mul3A_402 = arith.mulf %mul3A_401, %add3A_396 : vector<16xf32>
        %select_n3A_403 = arith.select %gt3A_399, %add3A_396, %mul3A_402 : vector<16xi1>, vector<16xf32>
        %mul3A_404 = arith.constant 4 : i32
        %mul3A_405 = vector.broadcast %mul3A_404 : i32 to vector<16xi32>
        %mul3A_406 = arith.muli %add3A_381, %mul3A_405 : vector<16xi32>
        %add3A_407 = arith.constant 0 : i32
        %add3A_408 = vector.broadcast %add3A_407 : i32 to vector<16xi32>
        %add3A_409 = arith.addi %mul3A_406, %add3A_408 : vector<16xi32>
        %exp3A_410 = math.exp %select_n3A_403 : vector<16xf32>
        tpu.vector_store_idx %arg18[%add3A_409], %exp3A_410 : memref<336xf32, #tpu.memory_space<vmem>>[vector<16xi32>], vector<16xf32>,
        %broadcast_in_dim3A_411 = arith.constant 1 : i32
        %broadcast_in_dim3A_412 = vector.broadcast %broadcast_in_dim3A_411 : i32 to vector<16xi32>
        %broadcast_in_dim3A_413 = arith.constant 5 : i32
        %broadcast_in_dim3A_414 = vector.broadcast %broadcast_in_dim3A_413 : i32 to vector<16xi32>
        %gather3A_415 = tpu.vector_load_idx %arg14[%add3A_381, %broadcast_in_dim3A_412] : memref<80x16xf32, #tpu.memory_space<vmem>>[vector<16xi32>, vector<16xi32>], vector<16xf32>,
        %gather3A_416 = tpu.vector_load_idx %arg16[%add3A_381, %broadcast_in_dim3A_414] : memref<80x16xf32, #tpu.memory_space<vmem>>[vector<16xi32>, vector<16xi32>], vector<16xf32>,
        %add3A_417 = arith.addf %gather3A_415, %gather3A_416 : vector<16xf32>
        %mul3A_418 = arith.constant 4 : i32
        %mul3A_419 = vector.broadcast %mul3A_418 : i32 to vector<16xi32>
        %mul3A_420 = arith.muli %add3A_381, %mul3A_419 : vector<16xi32>
        %add3A_421 = arith.constant 1 : i32
        %add3A_422 = vector.broadcast %add3A_421 : i32 to vector<16xi32>
        %add3A_423 = arith.addi %mul3A_420, %add3A_422 : vector<16xi32>
        %gather3A_424 = tpu.vector_load_idx %arg12[%add3A_423] : memref<320xf32, #tpu.memory_space<vmem>>[vector<16xi32>], vector<16xf32>,
        %add3A_425 = arith.addf %add3A_417, %gather3A_424 : vector<16xf32>
        %gt3A_426 = arith.constant 0.000000e+00 : f32
        %gt3A_427 = vector.broadcast %gt3A_426 : f32 to vector<16xf32>
        %gt3A_428 = arith.cmpf ogt, %add3A_425, %gt3A_427 : vector<16xf32>
        %mul3A_429 = arith.constant 0.00999999977 : f32
        %mul3A_430 = vector.broadcast %mul3A_429 : f32 to vector<16xf32>
        %mul3A_431 = arith.mulf %mul3A_430, %add3A_425 : vector<16xf32>
        %select_n3A_432 = arith.select %gt3A_428, %add3A_425, %mul3A_431 : vector<16xi1>, vector<16xf32>
        %mul3A_433 = arith.constant 4 : i32
        %mul3A_434 = vector.broadcast %mul3A_433 : i32 to vector<16xi32>
        %mul3A_435 = arith.muli %add3A_381, %mul3A_434 : vector<16xi32>
        %add3A_436 = arith.constant 1 : i32
        %add3A_437 = vector.broadcast %add3A_436 : i32 to vector<16xi32>
        %add3A_438 = arith.addi %mul3A_435, %add3A_437 : vector<16xi32>
        %exp3A_439 = math.exp %select_n3A_432 : vector<16xf32>
        tpu.vector_store_idx %arg18[%add3A_438], %exp3A_439 : memref<336xf32, #tpu.memory_space<vmem>>[vector<16xi32>], vector<16xf32>,
        %broadcast_in_dim3A_440 = arith.constant 2 : i32
        %broadcast_in_dim3A_441 = vector.broadcast %broadcast_in_dim3A_440 : i32 to vector<16xi32>
        %broadcast_in_dim3A_442 = arith.constant 6 : i32
        %broadcast_in_dim3A_443 = vector.broadcast %broadcast_in_dim3A_442 : i32 to vector<16xi32>
        %gather3A_444 = tpu.vector_load_idx %arg14[%add3A_381, %broadcast_in_dim3A_441] : memref<80x16xf32, #tpu.memory_space<vmem>>[vector<16xi32>, vector<16xi32>], vector<16xf32>,
        %gather3A_445 = tpu.vector_load_idx %arg16[%add3A_381, %broadcast_in_dim3A_443] : memref<80x16xf32, #tpu.memory_space<vmem>>[vector<16xi32>, vector<16xi32>], vector<16xf32>,
        %add3A_446 = arith.addf %gather3A_444, %gather3A_445 : vector<16xf32>
        %mul3A_447 = arith.constant 4 : i32
        %mul3A_448 = vector.broadcast %mul3A_447 : i32 to vector<16xi32>
        %mul3A_449 = arith.muli %add3A_381, %mul3A_448 : vector<16xi32>
        %add3A_450 = arith.constant 2 : i32
        %add3A_451 = vector.broadcast %add3A_450 : i32 to vector<16xi32>
        %add3A_452 = arith.addi %mul3A_449, %add3A_451 : vector<16xi32>
        %gather3A_453 = tpu.vector_load_idx %arg12[%add3A_452] : memref<320xf32, #tpu.memory_space<vmem>>[vector<16xi32>], vector<16xf32>,
        %add3A_454 = arith.addf %add3A_446, %gather3A_453 : vector<16xf32>
        %gt3A_455 = arith.constant 0.000000e+00 : f32
        %gt3A_456 = vector.broadcast %gt3A_455 : f32 to vector<16xf32>
        %gt3A_457 = arith.cmpf ogt, %add3A_454, %gt3A_456 : vector<16xf32>
        %mul3A_458 = arith.constant 0.00999999977 : f32
        %mul3A_459 = vector.broadcast %mul3A_458 : f32 to vector<16xf32>
        %mul3A_460 = arith.mulf %mul3A_459, %add3A_454 : vector<16xf32>
        %select_n3A_461 = arith.select %gt3A_457, %add3A_454, %mul3A_460 : vector<16xi1>, vector<16xf32>
        %mul3A_462 = arith.constant 4 : i32
        %mul3A_463 = vector.broadcast %mul3A_462 : i32 to vector<16xi32>
        %mul3A_464 = arith.muli %add3A_381, %mul3A_463 : vector<16xi32>
        %add3A_465 = arith.constant 2 : i32
        %add3A_466 = vector.broadcast %add3A_465 : i32 to vector<16xi32>
        %add3A_467 = arith.addi %mul3A_464, %add3A_466 : vector<16xi32>
        %exp3A_468 = math.exp %select_n3A_461 : vector<16xf32>
        tpu.vector_store_idx %arg18[%add3A_467], %exp3A_468 : memref<336xf32, #tpu.memory_space<vmem>>[vector<16xi32>], vector<16xf32>,
        %broadcast_in_dim3A_469 = arith.constant 3 : i32
        %broadcast_in_dim3A_470 = vector.broadcast %broadcast_in_dim3A_469 : i32 to vector<16xi32>
        %broadcast_in_dim3A_471 = arith.constant 7 : i32
        %broadcast_in_dim3A_472 = vector.broadcast %broadcast_in_dim3A_471 : i32 to vector<16xi32>
        %gather3A_473 = tpu.vector_load_idx %arg14[%add3A_381, %broadcast_in_dim3A_470] : memref<80x16xf32, #tpu.memory_space<vmem>>[vector<16xi32>, vector<16xi32>], vector<16xf32>,
        %gather3A_474 = tpu.vector_load_idx %arg16[%add3A_381, %broadcast_in_dim3A_472] : memref<80x16xf32, #tpu.memory_space<vmem>>[vector<16xi32>, vector<16xi32>], vector<16xf32>,
        %add3A_475 = arith.addf %gather3A_473, %gather3A_474 : vector<16xf32>
        %mul3A_476 = arith.constant 4 : i32
        %mul3A_477 = vector.broadcast %mul3A_476 : i32 to vector<16xi32>
        %mul3A_478 = arith.muli %add3A_381, %mul3A_477 : vector<16xi32>
        %add3A_479 = arith.constant 3 : i32
        %add3A_480 = vector.broadcast %add3A_479 : i32 to vector<16xi32>
        %add3A_481 = arith.addi %mul3A_478, %add3A_480 : vector<16xi32>
        %gather3A_482 = tpu.vector_load_idx %arg12[%add3A_481] : memref<320xf32, #tpu.memory_space<vmem>>[vector<16xi32>], vector<16xf32>,
        %add3A_483 = arith.addf %add3A_475, %gather3A_482 : vector<16xf32>
        %gt3A_484 = arith.constant 0.000000e+00 : f32
        %gt3A_485 = vector.broadcast %gt3A_484 : f32 to vector<16xf32>
        %gt3A_486 = arith.cmpf ogt, %add3A_483, %gt3A_485 : vector<16xf32>
        %mul3A_487 = arith.constant 0.00999999977 : f32
        %mul3A_488 = vector.broadcast %mul3A_487 : f32 to vector<16xf32>
        %mul3A_489 = arith.mulf %mul3A_488, %add3A_483 : vector<16xf32>
        %select_n3A_490 = arith.select %gt3A_486, %add3A_483, %mul3A_489 : vector<16xi1>, vector<16xf32>
        %mul3A_491 = arith.constant 4 : i32
        %mul3A_492 = vector.broadcast %mul3A_491 : i32 to vector<16xi32>
        %mul3A_493 = arith.muli %add3A_381, %mul3A_492 : vector<16xi32>
        %add3A_494 = arith.constant 3 : i32
        %add3A_495 = vector.broadcast %add3A_494 : i32 to vector<16xi32>
        %add3A_496 = arith.addi %mul3A_493, %add3A_495 : vector<16xi32>
        %exp3A_497 = math.exp %select_n3A_490 : vector<16xf32>
        tpu.vector_store_idx %arg18[%add3A_496], %exp3A_497 : memref<336xf32, #tpu.memory_space<vmem>>[vector<16xi32>], vector<16xf32>,
        %add3A_498 = arith.constant 48 : i32
        %add3A_499 = vector.broadcast %add3A_498 : i32 to vector<16xi32>
        %add3A_500 = arith.addi %iota3A, %add3A_499 : vector<16xi32>
        %broadcast_in_dim3A_501 = arith.constant 0 : i32
        %broadcast_in_dim3A_502 = vector.broadcast %broadcast_in_dim3A_501 : i32 to vector<16xi32>
        %broadcast_in_dim3A_503 = arith.constant 4 : i32
        %broadcast_in_dim3A_504 = vector.broadcast %broadcast_in_dim3A_503 : i32 to vector<16xi32>
        %gather3A_505 = tpu.vector_load_idx %arg14[%add3A_500, %broadcast_in_dim3A_502] : memref<80x16xf32, #tpu.memory_space<vmem>>[vector<16xi32>, vector<16xi32>], vector<16xf32>,
        %gather3A_506 = tpu.vector_load_idx %arg16[%add3A_500, %broadcast_in_dim3A_504] : memref<80x16xf32, #tpu.memory_space<vmem>>[vector<16xi32>, vector<16xi32>], vector<16xf32>,
        %add3A_507 = arith.addf %gather3A_505, %gather3A_506 : vector<16xf32>
        %mul3A_508 = arith.constant 4 : i32
        %mul3A_509 = vector.broadcast %mul3A_508 : i32 to vector<16xi32>
        %mul3A_510 = arith.muli %add3A_500, %mul3A_509 : vector<16xi32>
        %add3A_511 = arith.constant 0 : i32
        %add3A_512 = vector.broadcast %add3A_511 : i32 to vector<16xi32>
        %add3A_513 = arith.addi %mul3A_510, %add3A_512 : vector<16xi32>
        %gather3A_514 = tpu.vector_load_idx %arg12[%add3A_513] : memref<320xf32, #tpu.memory_space<vmem>>[vector<16xi32>], vector<16xf32>,
        %add3A_515 = arith.addf %add3A_507, %gather3A_514 : vector<16xf32>
        %gt3A_516 = arith.constant 0.000000e+00 : f32
        %gt3A_517 = vector.broadcast %gt3A_516 : f32 to vector<16xf32>
        %gt3A_518 = arith.cmpf ogt, %add3A_515, %gt3A_517 : vector<16xf32>
        %mul3A_519 = arith.constant 0.00999999977 : f32
        %mul3A_520 = vector.broadcast %mul3A_519 : f32 to vector<16xf32>
        %mul3A_521 = arith.mulf %mul3A_520, %add3A_515 : vector<16xf32>
        %select_n3A_522 = arith.select %gt3A_518, %add3A_515, %mul3A_521 : vector<16xi1>, vector<16xf32>
        %mul3A_523 = arith.constant 4 : i32
        %mul3A_524 = vector.broadcast %mul3A_523 : i32 to vector<16xi32>
        %mul3A_525 = arith.muli %add3A_500, %mul3A_524 : vector<16xi32>
        %add3A_526 = arith.constant 0 : i32
        %add3A_527 = vector.broadcast %add3A_526 : i32 to vector<16xi32>
        %add3A_528 = arith.addi %mul3A_525, %add3A_527 : vector<16xi32>
        %exp3A_529 = math.exp %select_n3A_522 : vector<16xf32>
        tpu.vector_store_idx %arg18[%add3A_528], %exp3A_529 : memref<336xf32, #tpu.memory_space<vmem>>[vector<16xi32>], vector<16xf32>,
        %broadcast_in_dim3A_530 = arith.constant 1 : i32
        %broadcast_in_dim3A_531 = vector.broadcast %broadcast_in_dim3A_530 : i32 to vector<16xi32>
        %broadcast_in_dim3A_532 = arith.constant 5 : i32
        %broadcast_in_dim3A_533 = vector.broadcast %broadcast_in_dim3A_532 : i32 to vector<16xi32>
        %gather3A_534 = tpu.vector_load_idx %arg14[%add3A_500, %broadcast_in_dim3A_531] : memref<80x16xf32, #tpu.memory_space<vmem>>[vector<16xi32>, vector<16xi32>], vector<16xf32>,
        %gather3A_535 = tpu.vector_load_idx %arg16[%add3A_500, %broadcast_in_dim3A_533] : memref<80x16xf32, #tpu.memory_space<vmem>>[vector<16xi32>, vector<16xi32>], vector<16xf32>,
        %add3A_536 = arith.addf %gather3A_534, %gather3A_535 : vector<16xf32>
        %mul3A_537 = arith.constant 4 : i32
        %mul3A_538 = vector.broadcast %mul3A_537 : i32 to vector<16xi32>
        %mul3A_539 = arith.muli %add3A_500, %mul3A_538 : vector<16xi32>
        %add3A_540 = arith.constant 1 : i32
        %add3A_541 = vector.broadcast %add3A_540 : i32 to vector<16xi32>
        %add3A_542 = arith.addi %mul3A_539, %add3A_541 : vector<16xi32>
        %gather3A_543 = tpu.vector_load_idx %arg12[%add3A_542] : memref<320xf32, #tpu.memory_space<vmem>>[vector<16xi32>], vector<16xf32>,
        %add3A_544 = arith.addf %add3A_536, %gather3A_543 : vector<16xf32>
        %gt3A_545 = arith.constant 0.000000e+00 : f32
        %gt3A_546 = vector.broadcast %gt3A_545 : f32 to vector<16xf32>
        %gt3A_547 = arith.cmpf ogt, %add3A_544, %gt3A_546 : vector<16xf32>
        %mul3A_548 = arith.constant 0.00999999977 : f32
        %mul3A_549 = vector.broadcast %mul3A_548 : f32 to vector<16xf32>
        %mul3A_550 = arith.mulf %mul3A_549, %add3A_544 : vector<16xf32>
        %select_n3A_551 = arith.select %gt3A_547, %add3A_544, %mul3A_550 : vector<16xi1>, vector<16xf32>
        %mul3A_552 = arith.constant 4 : i32
        %mul3A_553 = vector.broadcast %mul3A_552 : i32 to vector<16xi32>
        %mul3A_554 = arith.muli %add3A_500, %mul3A_553 : vector<16xi32>
        %add3A_555 = arith.constant 1 : i32
        %add3A_556 = vector.broadcast %add3A_555 : i32 to vector<16xi32>
        %add3A_557 = arith.addi %mul3A_554, %add3A_556 : vector<16xi32>
        %exp3A_558 = math.exp %select_n3A_551 : vector<16xf32>
        tpu.vector_store_idx %arg18[%add3A_557], %exp3A_558 : memref<336xf32, #tpu.memory_space<vmem>>[vector<16xi32>], vector<16xf32>,
        %broadcast_in_dim3A_559 = arith.constant 2 : i32
        %broadcast_in_dim3A_560 = vector.broadcast %broadcast_in_dim3A_559 : i32 to vector<16xi32>
        %broadcast_in_dim3A_561 = arith.constant 6 : i32
        %broadcast_in_dim3A_562 = vector.broadcast %broadcast_in_dim3A_561 : i32 to vector<16xi32>
        %gather3A_563 = tpu.vector_load_idx %arg14[%add3A_500, %broadcast_in_dim3A_560] : memref<80x16xf32, #tpu.memory_space<vmem>>[vector<16xi32>, vector<16xi32>], vector<16xf32>,
        %gather3A_564 = tpu.vector_load_idx %arg16[%add3A_500, %broadcast_in_dim3A_562] : memref<80x16xf32, #tpu.memory_space<vmem>>[vector<16xi32>, vector<16xi32>], vector<16xf32>,
        %add3A_565 = arith.addf %gather3A_563, %gather3A_564 : vector<16xf32>
        %mul3A_566 = arith.constant 4 : i32
        %mul3A_567 = vector.broadcast %mul3A_566 : i32 to vector<16xi32>
        %mul3A_568 = arith.muli %add3A_500, %mul3A_567 : vector<16xi32>
        %add3A_569 = arith.constant 2 : i32
        %add3A_570 = vector.broadcast %add3A_569 : i32 to vector<16xi32>
        %add3A_571 = arith.addi %mul3A_568, %add3A_570 : vector<16xi32>
        %gather3A_572 = tpu.vector_load_idx %arg12[%add3A_571] : memref<320xf32, #tpu.memory_space<vmem>>[vector<16xi32>], vector<16xf32>,
        %add3A_573 = arith.addf %add3A_565, %gather3A_572 : vector<16xf32>
        %gt3A_574 = arith.constant 0.000000e+00 : f32
        %gt3A_575 = vector.broadcast %gt3A_574 : f32 to vector<16xf32>
        %gt3A_576 = arith.cmpf ogt, %add3A_573, %gt3A_575 : vector<16xf32>
        %mul3A_577 = arith.constant 0.00999999977 : f32
        %mul3A_578 = vector.broadcast %mul3A_577 : f32 to vector<16xf32>
        %mul3A_579 = arith.mulf %mul3A_578, %add3A_573 : vector<16xf32>
        %select_n3A_580 = arith.select %gt3A_576, %add3A_573, %mul3A_579 : vector<16xi1>, vector<16xf32>
        %mul3A_581 = arith.constant 4 : i32
        %mul3A_582 = vector.broadcast %mul3A_581 : i32 to vector<16xi32>
        %mul3A_583 = arith.muli %add3A_500, %mul3A_582 : vector<16xi32>
        %add3A_584 = arith.constant 2 : i32
        %add3A_585 = vector.broadcast %add3A_584 : i32 to vector<16xi32>
        %add3A_586 = arith.addi %mul3A_583, %add3A_585 : vector<16xi32>
        %exp3A_587 = math.exp %select_n3A_580 : vector<16xf32>
        tpu.vector_store_idx %arg18[%add3A_586], %exp3A_587 : memref<336xf32, #tpu.memory_space<vmem>>[vector<16xi32>], vector<16xf32>,
        %broadcast_in_dim3A_588 = arith.constant 3 : i32
        %broadcast_in_dim3A_589 = vector.broadcast %broadcast_in_dim3A_588 : i32 to vector<16xi32>
        %broadcast_in_dim3A_590 = arith.constant 7 : i32
        %broadcast_in_dim3A_591 = vector.broadcast %broadcast_in_dim3A_590 : i32 to vector<16xi32>
        %gather3A_592 = tpu.vector_load_idx %arg14[%add3A_500, %broadcast_in_dim3A_589] : memref<80x16xf32, #tpu.memory_space<vmem>>[vector<16xi32>, vector<16xi32>], vector<16xf32>,
        %gather3A_593 = tpu.vector_load_idx %arg16[%add3A_500, %broadcast_in_dim3A_591] : memref<80x16xf32, #tpu.memory_space<vmem>>[vector<16xi32>, vector<16xi32>], vector<16xf32>,
        %add3A_594 = arith.addf %gather3A_592, %gather3A_593 : vector<16xf32>
        %mul3A_595 = arith.constant 4 : i32
        %mul3A_596 = vector.broadcast %mul3A_595 : i32 to vector<16xi32>
        %mul3A_597 = arith.muli %add3A_500, %mul3A_596 : vector<16xi32>
        %add3A_598 = arith.constant 3 : i32
        %add3A_599 = vector.broadcast %add3A_598 : i32 to vector<16xi32>
        %add3A_600 = arith.addi %mul3A_597, %add3A_599 : vector<16xi32>
        %gather3A_601 = tpu.vector_load_idx %arg12[%add3A_600] : memref<320xf32, #tpu.memory_space<vmem>>[vector<16xi32>], vector<16xf32>,
        %add3A_602 = arith.addf %add3A_594, %gather3A_601 : vector<16xf32>
        %gt3A_603 = arith.constant 0.000000e+00 : f32
        %gt3A_604 = vector.broadcast %gt3A_603 : f32 to vector<16xf32>
        %gt3A_605 = arith.cmpf ogt, %add3A_602, %gt3A_604 : vector<16xf32>
        %mul3A_606 = arith.constant 0.00999999977 : f32
        %mul3A_607 = vector.broadcast %mul3A_606 : f32 to vector<16xf32>
        %mul3A_608 = arith.mulf %mul3A_607, %add3A_602 : vector<16xf32>
        %select_n3A_609 = arith.select %gt3A_605, %add3A_602, %mul3A_608 : vector<16xi1>, vector<16xf32>
        %mul3A_610 = arith.constant 4 : i32
        %mul3A_611 = vector.broadcast %mul3A_610 : i32 to vector<16xi32>
        %mul3A_612 = arith.muli %add3A_500, %mul3A_611 : vector<16xi32>
        %add3A_613 = arith.constant 3 : i32
        %add3A_614 = vector.broadcast %add3A_613 : i32 to vector<16xi32>
        %add3A_615 = arith.addi %mul3A_612, %add3A_614 : vector<16xi32>
        %exp3A_616 = math.exp %select_n3A_609 : vector<16xf32>
        tpu.vector_store_idx %arg18[%add3A_615], %exp3A_616 : memref<336xf32, #tpu.memory_space<vmem>>[vector<16xi32>], vector<16xf32>,
        %add3A_617 = arith.constant 64 : i32
        %add3A_618 = vector.broadcast %add3A_617 : i32 to vector<16xi32>
        %add3A_619 = arith.addi %iota3A, %add3A_618 : vector<16xi32>
        %broadcast_in_dim3A_620 = arith.constant 0 : i32
        %broadcast_in_dim3A_621 = vector.broadcast %broadcast_in_dim3A_620 : i32 to vector<16xi32>
        %broadcast_in_dim3A_622 = arith.constant 4 : i32
        %broadcast_in_dim3A_623 = vector.broadcast %broadcast_in_dim3A_622 : i32 to vector<16xi32>
        %gather3A_624 = tpu.vector_load_idx %arg14[%add3A_619, %broadcast_in_dim3A_621] : memref<80x16xf32, #tpu.memory_space<vmem>>[vector<16xi32>, vector<16xi32>], vector<16xf32>,
        %gather3A_625 = tpu.vector_load_idx %arg16[%add3A_619, %broadcast_in_dim3A_623] : memref<80x16xf32, #tpu.memory_space<vmem>>[vector<16xi32>, vector<16xi32>], vector<16xf32>,
        %add3A_626 = arith.addf %gather3A_624, %gather3A_625 : vector<16xf32>
        %mul3A_627 = arith.constant 4 : i32
        %mul3A_628 = vector.broadcast %mul3A_627 : i32 to vector<16xi32>
        %mul3A_629 = arith.muli %add3A_619, %mul3A_628 : vector<16xi32>
        %add3A_630 = arith.constant 0 : i32
        %add3A_631 = vector.broadcast %add3A_630 : i32 to vector<16xi32>
        %add3A_632 = arith.addi %mul3A_629, %add3A_631 : vector<16xi32>
        %gather3A_633 = tpu.vector_load_idx %arg12[%add3A_632] : memref<320xf32, #tpu.memory_space<vmem>>[vector<16xi32>], vector<16xf32>,
        %add3A_634 = arith.addf %add3A_626, %gather3A_633 : vector<16xf32>
        %gt3A_635 = arith.constant 0.000000e+00 : f32
        %gt3A_636 = vector.broadcast %gt3A_635 : f32 to vector<16xf32>
        %gt3A_637 = arith.cmpf ogt, %add3A_634, %gt3A_636 : vector<16xf32>
        %mul3A_638 = arith.constant 0.00999999977 : f32
        %mul3A_639 = vector.broadcast %mul3A_638 : f32 to vector<16xf32>
        %mul3A_640 = arith.mulf %mul3A_639, %add3A_634 : vector<16xf32>
        %select_n3A_641 = arith.select %gt3A_637, %add3A_634, %mul3A_640 : vector<16xi1>, vector<16xf32>
        %mul3A_642 = arith.constant 4 : i32
        %mul3A_643 = vector.broadcast %mul3A_642 : i32 to vector<16xi32>
        %mul3A_644 = arith.muli %add3A_619, %mul3A_643 : vector<16xi32>
        %add3A_645 = arith.constant 0 : i32
        %add3A_646 = vector.broadcast %add3A_645 : i32 to vector<16xi32>
        %add3A_647 = arith.addi %mul3A_644, %add3A_646 : vector<16xi32>
        %exp3A_648 = math.exp %select_n3A_641 : vector<16xf32>
        tpu.vector_store_idx %arg18[%add3A_647], %exp3A_648 : memref<336xf32, #tpu.memory_space<vmem>>[vector<16xi32>], vector<16xf32>,
        %broadcast_in_dim3A_649 = arith.constant 1 : i32
        %broadcast_in_dim3A_650 = vector.broadcast %broadcast_in_dim3A_649 : i32 to vector<16xi32>
        %broadcast_in_dim3A_651 = arith.constant 5 : i32
        %broadcast_in_dim3A_652 = vector.broadcast %broadcast_in_dim3A_651 : i32 to vector<16xi32>
        %gather3A_653 = tpu.vector_load_idx %arg14[%add3A_619, %broadcast_in_dim3A_650] : memref<80x16xf32, #tpu.memory_space<vmem>>[vector<16xi32>, vector<16xi32>], vector<16xf32>,
        %gather3A_654 = tpu.vector_load_idx %arg16[%add3A_619, %broadcast_in_dim3A_652] : memref<80x16xf32, #tpu.memory_space<vmem>>[vector<16xi32>, vector<16xi32>], vector<16xf32>,
        %add3A_655 = arith.addf %gather3A_653, %gather3A_654 : vector<16xf32>
        %mul3A_656 = arith.constant 4 : i32
        %mul3A_657 = vector.broadcast %mul3A_656 : i32 to vector<16xi32>
        %mul3A_658 = arith.muli %add3A_619, %mul3A_657 : vector<16xi32>
        %add3A_659 = arith.constant 1 : i32
        %add3A_660 = vector.broadcast %add3A_659 : i32 to vector<16xi32>
        %add3A_661 = arith.addi %mul3A_658, %add3A_660 : vector<16xi32>
        %gather3A_662 = tpu.vector_load_idx %arg12[%add3A_661] : memref<320xf32, #tpu.memory_space<vmem>>[vector<16xi32>], vector<16xf32>,
        %add3A_663 = arith.addf %add3A_655, %gather3A_662 : vector<16xf32>
        %gt3A_664 = arith.constant 0.000000e+00 : f32
        %gt3A_665 = vector.broadcast %gt3A_664 : f32 to vector<16xf32>
        %gt3A_666 = arith.cmpf ogt, %add3A_663, %gt3A_665 : vector<16xf32>
        %mul3A_667 = arith.constant 0.00999999977 : f32
        %mul3A_668 = vector.broadcast %mul3A_667 : f32 to vector<16xf32>
        %mul3A_669 = arith.mulf %mul3A_668, %add3A_663 : vector<16xf32>
        %select_n3A_670 = arith.select %gt3A_666, %add3A_663, %mul3A_669 : vector<16xi1>, vector<16xf32>
        %mul3A_671 = arith.constant 4 : i32
        %mul3A_672 = vector.broadcast %mul3A_671 : i32 to vector<16xi32>
        %mul3A_673 = arith.muli %add3A_619, %mul3A_672 : vector<16xi32>
        %add3A_674 = arith.constant 1 : i32
        %add3A_675 = vector.broadcast %add3A_674 : i32 to vector<16xi32>
        %add3A_676 = arith.addi %mul3A_673, %add3A_675 : vector<16xi32>
        %exp3A_677 = math.exp %select_n3A_670 : vector<16xf32>
        tpu.vector_store_idx %arg18[%add3A_676], %exp3A_677 : memref<336xf32, #tpu.memory_space<vmem>>[vector<16xi32>], vector<16xf32>,
        %broadcast_in_dim3A_678 = arith.constant 2 : i32
        %broadcast_in_dim3A_679 = vector.broadcast %broadcast_in_dim3A_678 : i32 to vector<16xi32>
        %broadcast_in_dim3A_680 = arith.constant 6 : i32
        %broadcast_in_dim3A_681 = vector.broadcast %broadcast_in_dim3A_680 : i32 to vector<16xi32>
        %gather3A_682 = tpu.vector_load_idx %arg14[%add3A_619, %broadcast_in_dim3A_679] : memref<80x16xf32, #tpu.memory_space<vmem>>[vector<16xi32>, vector<16xi32>], vector<16xf32>,
        %gather3A_683 = tpu.vector_load_idx %arg16[%add3A_619, %broadcast_in_dim3A_681] : memref<80x16xf32, #tpu.memory_space<vmem>>[vector<16xi32>, vector<16xi32>], vector<16xf32>,
        %add3A_684 = arith.addf %gather3A_682, %gather3A_683 : vector<16xf32>
        %mul3A_685 = arith.constant 4 : i32
        %mul3A_686 = vector.broadcast %mul3A_685 : i32 to vector<16xi32>
        %mul3A_687 = arith.muli %add3A_619, %mul3A_686 : vector<16xi32>
        %add3A_688 = arith.constant 2 : i32
        %add3A_689 = vector.broadcast %add3A_688 : i32 to vector<16xi32>
        %add3A_690 = arith.addi %mul3A_687, %add3A_689 : vector<16xi32>
        %gather3A_691 = tpu.vector_load_idx %arg12[%add3A_690] : memref<320xf32, #tpu.memory_space<vmem>>[vector<16xi32>], vector<16xf32>,
        %add3A_692 = arith.addf %add3A_684, %gather3A_691 : vector<16xf32>
        %gt3A_693 = arith.constant 0.000000e+00 : f32
        %gt3A_694 = vector.broadcast %gt3A_693 : f32 to vector<16xf32>
        %gt3A_695 = arith.cmpf ogt, %add3A_692, %gt3A_694 : vector<16xf32>
        %mul3A_696 = arith.constant 0.00999999977 : f32
        %mul3A_697 = vector.broadcast %mul3A_696 : f32 to vector<16xf32>
        %mul3A_698 = arith.mulf %mul3A_697, %add3A_692 : vector<16xf32>
        %select_n3A_699 = arith.select %gt3A_695, %add3A_692, %mul3A_698 : vector<16xi1>, vector<16xf32>
        %mul3A_700 = arith.constant 4 : i32
        %mul3A_701 = vector.broadcast %mul3A_700 : i32 to vector<16xi32>
        %mul3A_702 = arith.muli %add3A_619, %mul3A_701 : vector<16xi32>
        %add3A_703 = arith.constant 2 : i32
        %add3A_704 = vector.broadcast %add3A_703 : i32 to vector<16xi32>
        %add3A_705 = arith.addi %mul3A_702, %add3A_704 : vector<16xi32>
        %exp3A_706 = math.exp %select_n3A_699 : vector<16xf32>
        tpu.vector_store_idx %arg18[%add3A_705], %exp3A_706 : memref<336xf32, #tpu.memory_space<vmem>>[vector<16xi32>], vector<16xf32>,
        %broadcast_in_dim3A_707 = arith.constant 3 : i32
        %broadcast_in_dim3A_708 = vector.broadcast %broadcast_in_dim3A_707 : i32 to vector<16xi32>
        %broadcast_in_dim3A_709 = arith.constant 7 : i32
        %broadcast_in_dim3A_710 = vector.broadcast %broadcast_in_dim3A_709 : i32 to vector<16xi32>
        %gather3A_711 = tpu.vector_load_idx %arg14[%add3A_619, %broadcast_in_dim3A_708] : memref<80x16xf32, #tpu.memory_space<vmem>>[vector<16xi32>, vector<16xi32>], vector<16xf32>,
        %gather3A_712 = tpu.vector_load_idx %arg16[%add3A_619, %broadcast_in_dim3A_710] : memref<80x16xf32, #tpu.memory_space<vmem>>[vector<16xi32>, vector<16xi32>], vector<16xf32>,
        %add3A_713 = arith.addf %gather3A_711, %gather3A_712 : vector<16xf32>
        %mul3A_714 = arith.constant 4 : i32
        %mul3A_715 = vector.broadcast %mul3A_714 : i32 to vector<16xi32>
        %mul3A_716 = arith.muli %add3A_619, %mul3A_715 : vector<16xi32>
        %add3A_717 = arith.constant 3 : i32
        %add3A_718 = vector.broadcast %add3A_717 : i32 to vector<16xi32>
        %add3A_719 = arith.addi %mul3A_716, %add3A_718 : vector<16xi32>
        %gather3A_720 = tpu.vector_load_idx %arg12[%add3A_719] : memref<320xf32, #tpu.memory_space<vmem>>[vector<16xi32>], vector<16xf32>,
        %add3A_721 = arith.addf %add3A_713, %gather3A_720 : vector<16xf32>
        %gt3A_722 = arith.constant 0.000000e+00 : f32
        %gt3A_723 = vector.broadcast %gt3A_722 : f32 to vector<16xf32>
        %gt3A_724 = arith.cmpf ogt, %add3A_721, %gt3A_723 : vector<16xf32>
        %mul3A_725 = arith.constant 0.00999999977 : f32
        %mul3A_726 = vector.broadcast %mul3A_725 : f32 to vector<16xf32>
        %mul3A_727 = arith.mulf %mul3A_726, %add3A_721 : vector<16xf32>
        %select_n3A_728 = arith.select %gt3A_724, %add3A_721, %mul3A_727 : vector<16xi1>, vector<16xf32>
        %mul3A_729 = arith.constant 4 : i32
        %mul3A_730 = vector.broadcast %mul3A_729 : i32 to vector<16xi32>
        %mul3A_731 = arith.muli %add3A_619, %mul3A_730 : vector<16xi32>
        %add3A_732 = arith.constant 3 : i32
        %add3A_733 = vector.broadcast %add3A_732 : i32 to vector<16xi32>
        %add3A_734 = arith.addi %mul3A_731, %add3A_733 : vector<16xi32>
        %exp3A_735 = math.exp %select_n3A_728 : vector<16xf32>
        tpu.vector_store_idx %arg18[%add3A_734], %exp3A_735 : memref<336xf32, #tpu.memory_space<vmem>>[vector<16xi32>], vector<16xf32>,
        %parallel_loop3A = arith.constant 0 : i32
        %parallel_loop3A_736 = arith.constant 80 : i32
        %parallel_loop3A_737 = arith.constant 1 : i32
        scf.for %parallel_loop3A_745 = %parallel_loop3A to %parallel_loop3A_736 step %parallel_loop3A_737  : i32 {
          %parallel_loop3A_746 = arith.constant 4 : i32
          %parallel_loop3A_747 = arith.muli %parallel_loop3A_745, %parallel_loop3A_746 : i32
          %parallel_loop3A_748 = arith.index_cast %parallel_loop3A_747 : i32 to index
          %parallel_loop3A_749 = tpu.vector_load %arg18[%parallel_loop3A_748] {strides = array<i32>} : memref<336xf32, #tpu.memory_space<vmem>>, vector<16xf32>,
          %parallel_loop3A_750 = vector.extract_strided_slice %parallel_loop3A_749 {offsets = [0], sizes = [1], strides = [1]} : vector<16xf32> to vector<1xf32>
          %parallel_loop3A_751 = vector.extract %parallel_loop3A_750[0] : f32 from vector<1xf32>
          %parallel_loop3A_752 = arith.index_cast %parallel_loop3A_745 : i32 to index
          %parallel_loop3A_753 = arith.constant 0 : index
          %parallel_loop3A_754 = tpu.vector_load %arg19[%parallel_loop3A_752, %parallel_loop3A_753] {strides = array<i32>} : memref<80x128xf32, #tpu.memory_space<vmem>>, vector<16xf32>,
          %parallel_loop3A_755 = vector.broadcast %parallel_loop3A_751 : f32 to vector<16xf32>
          %parallel_loop3A_756 = arith.mulf %parallel_loop3A_754, %parallel_loop3A_755 : vector<16xf32>
          %parallel_loop3A_757 = arith.index_cast %parallel_loop3A_745 : i32 to index
          %parallel_loop3A_758 = arith.constant 0 : index
          %parallel_loop3A_759 = tpu.vector_load %arg21[%parallel_loop3A_757, %parallel_loop3A_758] {strides = array<i32>} : memref<80x144xf32, #tpu.memory_space<vmem>>, vector<16xf32>,
          tpu.vector_store %arg21[%parallel_loop3A_757, %parallel_loop3A_758], %parallel_loop3A_756 {strides = array<i32>} : memref<80x144xf32, #tpu.memory_space<vmem>>, vector<16xf32>,
          %parallel_loop3A_760 = vector.extract_strided_slice %parallel_loop3A_749 {offsets = [0], sizes = [1], strides = [1]} : vector<16xf32> to vector<1xf32>
          %parallel_loop3A_761 = vector.extract %parallel_loop3A_760[0] : f32 from vector<1xf32>
          %parallel_loop3A_762 = arith.index_cast %parallel_loop3A_745 : i32 to index
          %parallel_loop3A_763 = arith.constant 16 : index
          %parallel_loop3A_764 = tpu.vector_load %arg19[%parallel_loop3A_762, %parallel_loop3A_763] {strides = array<i32>} : memref<80x128xf32, #tpu.memory_space<vmem>>, vector<16xf32>,
          %parallel_loop3A_765 = vector.broadcast %parallel_loop3A_761 : f32 to vector<16xf32>
          %parallel_loop3A_766 = arith.mulf %parallel_loop3A_764, %parallel_loop3A_765 : vector<16xf32>
          %parallel_loop3A_767 = arith.index_cast %parallel_loop3A_745 : i32 to index
          %parallel_loop3A_768 = arith.constant 16 : index
          %parallel_loop3A_769 = tpu.vector_load %arg21[%parallel_loop3A_767, %parallel_loop3A_768] {strides = array<i32>} : memref<80x144xf32, #tpu.memory_space<vmem>>, vector<16xf32>,
          tpu.vector_store %arg21[%parallel_loop3A_767, %parallel_loop3A_768], %parallel_loop3A_766 {strides = array<i32>} : memref<80x144xf32, #tpu.memory_space<vmem>>, vector<16xf32>,
          %parallel_loop3A_770 = vector.extract_strided_slice %parallel_loop3A_749 {offsets = [1], sizes = [1], strides = [1]} : vector<16xf32> to vector<1xf32>
          %parallel_loop3A_771 = vector.extract %parallel_loop3A_770[0] : f32 from vector<1xf32>
          %parallel_loop3A_772 = arith.index_cast %parallel_loop3A_745 : i32 to index
          %parallel_loop3A_773 = arith.constant 32 : index
          %parallel_loop3A_774 = tpu.vector_load %arg19[%parallel_loop3A_772, %parallel_loop3A_773] {strides = array<i32>} : memref<80x128xf32, #tpu.memory_space<vmem>>, vector<16xf32>,
          %parallel_loop3A_775 = vector.broadcast %parallel_loop3A_771 : f32 to vector<16xf32>
          %parallel_loop3A_776 = arith.mulf %parallel_loop3A_774, %parallel_loop3A_775 : vector<16xf32>
          %parallel_loop3A_777 = arith.index_cast %parallel_loop3A_745 : i32 to index
          %parallel_loop3A_778 = arith.constant 32 : index
          %parallel_loop3A_779 = tpu.vector_load %arg21[%parallel_loop3A_777, %parallel_loop3A_778] {strides = array<i32>} : memref<80x144xf32, #tpu.memory_space<vmem>>, vector<16xf32>,
          tpu.vector_store %arg21[%parallel_loop3A_777, %parallel_loop3A_778], %parallel_loop3A_776 {strides = array<i32>} : memref<80x144xf32, #tpu.memory_space<vmem>>, vector<16xf32>,
          %parallel_loop3A_780 = vector.extract_strided_slice %parallel_loop3A_749 {offsets = [1], sizes = [1], strides = [1]} : vector<16xf32> to vector<1xf32>
          %parallel_loop3A_781 = vector.extract %parallel_loop3A_780[0] : f32 from vector<1xf32>
          %parallel_loop3A_782 = arith.index_cast %parallel_loop3A_745 : i32 to index
          %parallel_loop3A_783 = arith.constant 48 : index
          %parallel_loop3A_784 = tpu.vector_load %arg19[%parallel_loop3A_782, %parallel_loop3A_783] {strides = array<i32>} : memref<80x128xf32, #tpu.memory_space<vmem>>, vector<16xf32>,
          %parallel_loop3A_785 = vector.broadcast %parallel_loop3A_781 : f32 to vector<16xf32>
          %parallel_loop3A_786 = arith.mulf %parallel_loop3A_784, %parallel_loop3A_785 : vector<16xf32>
          %parallel_loop3A_787 = arith.index_cast %parallel_loop3A_745 : i32 to index
          %parallel_loop3A_788 = arith.constant 48 : index
          %parallel_loop3A_789 = tpu.vector_load %arg21[%parallel_loop3A_787, %parallel_loop3A_788] {strides = array<i32>} : memref<80x144xf32, #tpu.memory_space<vmem>>, vector<16xf32>,
          tpu.vector_store %arg21[%parallel_loop3A_787, %parallel_loop3A_788], %parallel_loop3A_786 {strides = array<i32>} : memref<80x144xf32, #tpu.memory_space<vmem>>, vector<16xf32>,
          %parallel_loop3A_790 = vector.extract_strided_slice %parallel_loop3A_749 {offsets = [2], sizes = [1], strides = [1]} : vector<16xf32> to vector<1xf32>
          %parallel_loop3A_791 = vector.extract %parallel_loop3A_790[0] : f32 from vector<1xf32>
          %parallel_loop3A_792 = arith.index_cast %parallel_loop3A_745 : i32 to index
          %parallel_loop3A_793 = arith.constant 64 : index
          %parallel_loop3A_794 = tpu.vector_load %arg19[%parallel_loop3A_792, %parallel_loop3A_793] {strides = array<i32>} : memref<80x128xf32, #tpu.memory_space<vmem>>, vector<16xf32>,
          %parallel_loop3A_795 = vector.broadcast %parallel_loop3A_791 : f32 to vector<16xf32>
          %parallel_loop3A_796 = arith.mulf %parallel_loop3A_794, %parallel_loop3A_795 : vector<16xf32>
          %parallel_loop3A_797 = arith.index_cast %parallel_loop3A_745 : i32 to index
          %parallel_loop3A_798 = arith.constant 64 : index
          %parallel_loop3A_799 = tpu.vector_load %arg21[%parallel_loop3A_797, %parallel_loop3A_798] {strides = array<i32>} : memref<80x144xf32, #tpu.memory_space<vmem>>, vector<16xf32>,
          tpu.vector_store %arg21[%parallel_loop3A_797, %parallel_loop3A_798], %parallel_loop3A_796 {strides = array<i32>} : memref<80x144xf32, #tpu.memory_space<vmem>>, vector<16xf32>,
          %parallel_loop3A_800 = vector.extract_strided_slice %parallel_loop3A_749 {offsets = [2], sizes = [1], strides = [1]} : vector<16xf32> to vector<1xf32>
          %parallel_loop3A_801 = vector.extract %parallel_loop3A_800[0] : f32 from vector<1xf32>
          %parallel_loop3A_802 = arith.index_cast %parallel_loop3A_745 : i32 to index
          %parallel_loop3A_803 = arith.constant 80 : index
          %parallel_loop3A_804 = tpu.vector_load %arg19[%parallel_loop3A_802, %parallel_loop3A_803] {strides = array<i32>} : memref<80x128xf32, #tpu.memory_space<vmem>>, vector<16xf32>,
          %parallel_loop3A_805 = vector.broadcast %parallel_loop3A_801 : f32 to vector<16xf32>
          %parallel_loop3A_806 = arith.mulf %parallel_loop3A_804, %parallel_loop3A_805 : vector<16xf32>
          %parallel_loop3A_807 = arith.index_cast %parallel_loop3A_745 : i32 to index
          %parallel_loop3A_808 = arith.constant 80 : index
          %parallel_loop3A_809 = tpu.vector_load %arg21[%parallel_loop3A_807, %parallel_loop3A_808] {strides = array<i32>} : memref<80x144xf32, #tpu.memory_space<vmem>>, vector<16xf32>,
          tpu.vector_store %arg21[%parallel_loop3A_807, %parallel_loop3A_808], %parallel_loop3A_806 {strides = array<i32>} : memref<80x144xf32, #tpu.memory_space<vmem>>, vector<16xf32>,
          %parallel_loop3A_810 = vector.extract_strided_slice %parallel_loop3A_749 {offsets = [3], sizes = [1], strides = [1]} : vector<16xf32> to vector<1xf32>
          %parallel_loop3A_811 = vector.extract %parallel_loop3A_810[0] : f32 from vector<1xf32>
          %parallel_loop3A_812 = arith.index_cast %parallel_loop3A_745 : i32 to index
          %parallel_loop3A_813 = arith.constant 96 : index
          %parallel_loop3A_814 = tpu.vector_load %arg19[%parallel_loop3A_812, %parallel_loop3A_813] {strides = array<i32>} : memref<80x128xf32, #tpu.memory_space<vmem>>, vector<16xf32>,
          %parallel_loop3A_815 = vector.broadcast %parallel_loop3A_811 : f32 to vector<16xf32>
          %parallel_loop3A_816 = arith.mulf %parallel_loop3A_814, %parallel_loop3A_815 : vector<16xf32>
          %parallel_loop3A_817 = arith.index_cast %parallel_loop3A_745 : i32 to index
          %parallel_loop3A_818 = arith.constant 96 : index
          %parallel_loop3A_819 = tpu.vector_load %arg21[%parallel_loop3A_817, %parallel_loop3A_818] {strides = array<i32>} : memref<80x144xf32, #tpu.memory_space<vmem>>, vector<16xf32>,
          tpu.vector_store %arg21[%parallel_loop3A_817, %parallel_loop3A_818], %parallel_loop3A_816 {strides = array<i32>} : memref<80x144xf32, #tpu.memory_space<vmem>>, vector<16xf32>,
          %parallel_loop3A_820 = vector.extract_strided_slice %parallel_loop3A_749 {offsets = [3], sizes = [1], strides = [1]} : vector<16xf32> to vector<1xf32>
          %parallel_loop3A_821 = vector.extract %parallel_loop3A_820[0] : f32 from vector<1xf32>
          %parallel_loop3A_822 = arith.index_cast %parallel_loop3A_745 : i32 to index
          %parallel_loop3A_823 = arith.constant 112 : index
          %parallel_loop3A_824 = tpu.vector_load %arg19[%parallel_loop3A_822, %parallel_loop3A_823] {strides = array<i32>} : memref<80x128xf32, #tpu.memory_space<vmem>>, vector<16xf32>,
          %parallel_loop3A_825 = vector.broadcast %parallel_loop3A_821 : f32 to vector<16xf32>
          %parallel_loop3A_826 = arith.mulf %parallel_loop3A_824, %parallel_loop3A_825 : vector<16xf32>
          %parallel_loop3A_827 = arith.index_cast %parallel_loop3A_745 : i32 to index
          %parallel_loop3A_828 = arith.constant 112 : index
          %parallel_loop3A_829 = tpu.vector_load %arg21[%parallel_loop3A_827, %parallel_loop3A_828] {strides = array<i32>} : memref<80x144xf32, #tpu.memory_space<vmem>>, vector<16xf32>,
          tpu.vector_store %arg21[%parallel_loop3A_827, %parallel_loop3A_828], %parallel_loop3A_826 {strides = array<i32>} : memref<80x144xf32, #tpu.memory_space<vmem>>, vector<16xf32>,
          %parallel_loop3A_830 = arith.constant 4 : i32
          %parallel_loop3A_831 = vector.broadcast %parallel_loop3A_830 : i32 to vector<16xi32>
          %parallel_loop3A_832 = arith.cmpi slt, %iota3A, %parallel_loop3A_831 : vector<16xi32>
          %parallel_loop3A_833 = arith.constant 0.000000e+00 : f32
          %parallel_loop3A_834 = vector.broadcast %parallel_loop3A_833 : f32 to vector<16xf32>
          %parallel_loop3A_835 = arith.select %parallel_loop3A_832, %parallel_loop3A_749, %parallel_loop3A_834 : vector<16xi1>, vector<16xf32>
          %parallel_loop3A_836 = arith.index_cast %parallel_loop3A_745 : i32 to index
          %parallel_loop3A_837 = arith.constant 128 : index
          %parallel_loop3A_838 = tpu.vector_load %arg21[%parallel_loop3A_836, %parallel_loop3A_837] {strides = array<i32>} : memref<80x144xf32, #tpu.memory_space<vmem>>, vector<16xf32>,
          tpu.vector_store %arg21[%parallel_loop3A_836, %parallel_loop3A_837], %parallel_loop3A_835 {strides = array<i32>} : memref<80x144xf32, #tpu.memory_space<vmem>>, vector<16xf32>,
        } {sc.loop_unroll_factor = 4 : i64, sc.parallel_access}
        "tpu.region"() ({
          %run_scoped3A = tpu.sem_alloc : memref<!tpu.dma_semaphore, #tpu.memory_space<semaphore_mem>>
          %dma_start3A_745 = arith.constant 0 : i32
          %dma_start3A_746 = arith.constant 0 : i32
          %dma_start3A_747 = tpu.memref_slice %arg22[%dma_start3A_745, %dma_start3A_746] : memref<10000x144xf32, #tpu.memory_space<vmem_shared>> -> memref<10000x144xf32, #tpu.memory_space<vmem_shared>>
          tpu.enqueue_indirect_dma source(%arg21 : memref<80x144xf32, #tpu.memory_space<vmem>>) target(%dma_start3A_747 : memref<10000x144xf32, #tpu.memory_space<vmem_shared>>) offsets(%arg10 : memref<80xi32, #tpu.memory_space<vmem>>) semaphore(%run_scoped3A : memref<!tpu.dma_semaphore, #tpu.memory_space<semaphore_mem>>) {add = true}
          %dma_wait3A_748 = arith.constant 0 : i32
          %dma_wait3A_749 = arith.constant 0 : i32
          %dma_wait3A_750 = tpu.memref_slice %arg22[%dma_wait3A_748, %dma_wait3A_749] : memref<10000x144xf32, #tpu.memory_space<vmem_shared>> -> memref<10000x144xf32, #tpu.memory_space<vmem_shared>>
          tpu.wait_indirect_dma semaphore(%run_scoped3A : memref<!tpu.dma_semaphore, #tpu.memory_space<semaphore_mem>>) src(%arg21 : memref<80x144xf32, #tpu.memory_space<vmem>>) dst(%dma_wait3A_750 : memref<10000x144xf32, #tpu.memory_space<vmem_shared>>)
          tpu.yield
        }) : () -> ()
        %add3A_738 = arith.constant 2 : i32
        %add3A_739 = arith.addi %scan3A_94, %add3A_738 : i32
        %lt3A_740 = arith.constant 125 : i32
        %lt3A_741 = arith.cmpi slt, %add3A_739, %lt3A_740 : i32
        %convert_element_type3A_742 = arith.extui %lt3A_741 : i1 to i32
        %cond3A_743 = arith.constant 0 : i32
        %cond3A_744 = arith.cmpi ne, %convert_element_type3A_742, %cond3A_743 : i32
        scf.if %cond3A_744 {
          %add3A_745 = arith.constant 2 : i32
          %add3A_746 = arith.addi %scan3A_94, %add3A_745 : i32
          %mul3A_747 = arith.constant 10000 : i32
          %mul3A_748 = arith.muli %add3A, %mul3A_747 : i32
          %mul3A_749 = arith.constant 80 : i32
          %mul3A_750 = arith.muli %add3A_746, %mul3A_749 : i32
          %add3A_751 = arith.addi %mul3A_748, %mul3A_750 : i32
          %dma_start3A_752 = tpu.memref_slice %arg5[%add3A_751] : memref<320000xi32, #tpu.memory_space<hbm>> -> memref<80xi32, #tpu.memory_space<hbm>>
          %dma_start3A_753 = tpu.memref_slice %arg5[%add3A_751] : memref<320000xi32, #tpu.memory_space<hbm>> -> memref<80xi32, #tpu.memory_space<hbm>>
          tpu.enqueue_dma source(%dma_start3A_753 : memref<80xi32, #tpu.memory_space<hbm>>) target(%arg8 : memref<80xi32, #tpu.memory_space<vmem>>) target_semaphore(%arg25 : memref<!tpu.dma_semaphore, #tpu.memory_space<semaphore_mem>>)
          %dma_start3A_754 = tpu.memref_slice %arg6[%add3A_751] : memref<320000xi32, #tpu.memory_space<hbm>> -> memref<80xi32, #tpu.memory_space<hbm>>
          %dma_start3A_755 = tpu.memref_slice %arg6[%add3A_751] : memref<320000xi32, #tpu.memory_space<hbm>> -> memref<80xi32, #tpu.memory_space<hbm>>
          tpu.enqueue_dma source(%dma_start3A_755 : memref<80xi32, #tpu.memory_space<hbm>>) target(%arg10 : memref<80xi32, #tpu.memory_space<vmem>>) target_semaphore(%arg25 : memref<!tpu.dma_semaphore, #tpu.memory_space<semaphore_mem>>)
          %mul3A_756 = arith.constant 4 : i32
          %mul3A_757 = arith.muli %add3A_751, %mul3A_756 : i32
          %dma_start3A_758 = tpu.memref_slice %arg4[%mul3A_757] : memref<1280000xf32, #tpu.memory_space<hbm>> -> memref<320xf32, #tpu.memory_space<hbm>>
          %dma_start3A_759 = tpu.memref_slice %arg4[%mul3A_757] : memref<1280000xf32, #tpu.memory_space<hbm>> -> memref<320xf32, #tpu.memory_space<hbm>>
          tpu.enqueue_dma source(%dma_start3A_759 : memref<320xf32, #tpu.memory_space<hbm>>) target(%arg12 : memref<320xf32, #tpu.memory_space<vmem>>) target_semaphore(%arg25 : memref<!tpu.dma_semaphore, #tpu.memory_space<semaphore_mem>>)
        } else {
        }
      } else {
      }
      %jit3A_107 = arith.constant 2 : i32
      %eq3A_108 = arith.constant 0 : i32
      %eq3A_109 = arith.cmpi eq, %jit3A_107, %eq3A_108 : i32
      %jit3A_110 = arith.constant 1 : i32
      %select_n3A_111 = arith.select %eq3A_109, %jit3A_110, %jit3A_107 : i32
      %rem3A_112 = arith.remsi %scan3A_94, %select_n3A_111 : i32
      %ne3A_113 = arith.constant 0 : i32
      %ne3A_114 = arith.cmpi ne, %rem3A_112, %ne3A_113 : i32
      %lt3A_115 = arith.constant 0 : i32
      %lt3A_116 = arith.cmpi slt, %rem3A_112, %lt3A_115 : i32
      %lt3A_117 = arith.constant 0 : i32
      %lt3A_118 = arith.cmpi slt, %select_n3A_111, %lt3A_117 : i32
      %ne3A_119 = arith.xori %lt3A_116, %lt3A_118 : i1
      %and3A_120 = arith.andi %ne3A_119, %ne3A_114 : i1
      %add3A_121 = arith.addi %rem3A_112, %select_n3A_111 : i32
      %select_n3A_122 = arith.select %and3A_120, %add3A_121, %rem3A_112 : i32
      %eq3A_123 = arith.constant 1 : i32
      %eq3A_124 = arith.cmpi eq, %select_n3A_122, %eq3A_123 : i32
      %convert_element_type3A_125 = arith.extui %eq3A_124 : i1 to i32
      %cond3A_126 = arith.constant 0 : i32
      %cond3A_127 = arith.cmpi ne, %convert_element_type3A_125, %cond3A_126 : i32
      scf.if %cond3A_127 {
        %dma_wait3A_128 = arith.constant 0 : i32
        %dma_wait3A_129 = arith.constant 0 : i32
        %dma_wait3A_130 = tpu.memref_slice %arg3[%dma_wait3A_128, %dma_wait3A_129] : memref<10000x16xf32, #tpu.memory_space<hbm>> -> memref<10000x16xf32, #tpu.memory_space<hbm>>
        tpu.wait_indirect_dma semaphore(%arg24 : memref<!tpu.dma_semaphore, #tpu.memory_space<semaphore_mem>>) src(%dma_wait3A_130 : memref<10000x16xf32, #tpu.memory_space<hbm>>) dst(%arg15 : memref<80x16xf32, #tpu.memory_space<vmem>>)
        %dma_wait3A_131 = arith.constant 0 : i32
        %dma_wait3A_132 = arith.constant 0 : i32
        %dma_wait3A_133 = tpu.memref_slice %arg3[%dma_wait3A_131, %dma_wait3A_132] : memref<10000x16xf32, #tpu.memory_space<hbm>> -> memref<10000x16xf32, #tpu.memory_space<hbm>>
        tpu.wait_indirect_dma semaphore(%arg24 : memref<!tpu.dma_semaphore, #tpu.memory_space<semaphore_mem>>) src(%dma_wait3A_133 : memref<10000x16xf32, #tpu.memory_space<hbm>>) dst(%arg17 : memref<80x16xf32, #tpu.memory_space<vmem>>)
        %dma_wait3A_134 = arith.constant 0 : i32
        %dma_wait3A_135 = arith.constant 0 : i32
        %dma_wait3A_136 = tpu.memref_slice %arg2[%dma_wait3A_134, %dma_wait3A_135] : memref<10000x128xf32, #tpu.memory_space<hbm>> -> memref<10000x128xf32, #tpu.memory_space<hbm>>
        tpu.wait_indirect_dma semaphore(%arg24 : memref<!tpu.dma_semaphore, #tpu.memory_space<semaphore_mem>>) src(%dma_wait3A_136 : memref<10000x128xf32, #tpu.memory_space<hbm>>) dst(%arg20 : memref<80x128xf32, #tpu.memory_space<vmem>>)
        %add3A_137 = arith.constant 1 : i32
        %add3A_138 = arith.addi %scan3A_94, %add3A_137 : i32
        %lt3A_139 = arith.constant 125 : i32
        %lt3A_140 = arith.cmpi slt, %add3A_138, %lt3A_139 : i32
        %convert_element_type3A_141 = arith.extui %lt3A_140 : i1 to i32
        %cond3A_142 = arith.constant 0 : i32
        %cond3A_143 = arith.cmpi ne, %convert_element_type3A_141, %cond3A_142 : i32
        scf.if %cond3A_143 {
          %add3A_745 = arith.constant 1 : i32
          %add3A_746 = arith.addi %scan3A_94, %add3A_745 : i32
          %mul3A_747 = arith.constant 10000 : i32
          %mul3A_748 = arith.muli %add3A, %mul3A_747 : i32
          %mul3A_749 = arith.constant 80 : i32
          %mul3A_750 = arith.muli %add3A_746, %mul3A_749 : i32
          %add3A_751 = arith.addi %mul3A_748, %mul3A_750 : i32
          %dma_wait3A_752 = tpu.memref_slice %arg5[%add3A_751] : memref<320000xi32, #tpu.memory_space<hbm>> -> memref<80xi32, #tpu.memory_space<hbm>>
          %dma_wait3A_753 = tpu.memref_slice %arg5[%add3A_751] : memref<320000xi32, #tpu.memory_space<hbm>> -> memref<80xi32, #tpu.memory_space<hbm>>
          tpu.wait_dma2 semaphore(%arg25 : memref<!tpu.dma_semaphore, #tpu.memory_space<semaphore_mem>>) src(%dma_wait3A_753 : memref<80xi32, #tpu.memory_space<hbm>>) dst(%arg8 : memref<80xi32, #tpu.memory_space<vmem>>)
          %dma_wait3A_754 = tpu.memref_slice %arg6[%add3A_751] : memref<320000xi32, #tpu.memory_space<hbm>> -> memref<80xi32, #tpu.memory_space<hbm>>
          %dma_wait3A_755 = tpu.memref_slice %arg6[%add3A_751] : memref<320000xi32, #tpu.memory_space<hbm>> -> memref<80xi32, #tpu.memory_space<hbm>>
          tpu.wait_dma2 semaphore(%arg25 : memref<!tpu.dma_semaphore, #tpu.memory_space<semaphore_mem>>) src(%dma_wait3A_755 : memref<80xi32, #tpu.memory_space<hbm>>) dst(%arg10 : memref<80xi32, #tpu.memory_space<vmem>>)
          %mul3A_756 = arith.constant 4 : i32
          %mul3A_757 = arith.muli %add3A_751, %mul3A_756 : i32
          %dma_wait3A_758 = tpu.memref_slice %arg4[%mul3A_757] : memref<1280000xf32, #tpu.memory_space<hbm>> -> memref<320xf32, #tpu.memory_space<hbm>>
          %dma_wait3A_759 = tpu.memref_slice %arg4[%mul3A_757] : memref<1280000xf32, #tpu.memory_space<hbm>> -> memref<320xf32, #tpu.memory_space<hbm>>
          tpu.wait_dma2 semaphore(%arg25 : memref<!tpu.dma_semaphore, #tpu.memory_space<semaphore_mem>>) src(%dma_wait3A_759 : memref<320xf32, #tpu.memory_space<hbm>>) dst(%arg12 : memref<320xf32, #tpu.memory_space<vmem>>)
          %dma_start3A_760 = arith.constant 0 : i32
          %dma_start3A_761 = arith.constant 0 : i32
          %dma_start3A_762 = tpu.memref_slice %arg3[%dma_start3A_760, %dma_start3A_761] : memref<10000x16xf32, #tpu.memory_space<hbm>> -> memref<10000x16xf32, #tpu.memory_space<hbm>>
          tpu.enqueue_indirect_dma source(%dma_start3A_762 : memref<10000x16xf32, #tpu.memory_space<hbm>>) target(%arg14 : memref<80x16xf32, #tpu.memory_space<vmem>>) offsets(%arg8 : memref<80xi32, #tpu.memory_space<vmem>>) semaphore(%arg23 : memref<!tpu.dma_semaphore, #tpu.memory_space<semaphore_mem>>)
          %dma_start3A_763 = arith.constant 0 : i32
          %dma_start3A_764 = arith.constant 0 : i32
          %dma_start3A_765 = tpu.memref_slice %arg3[%dma_start3A_763, %dma_start3A_764] : memref<10000x16xf32, #tpu.memory_space<hbm>> -> memref<10000x16xf32, #tpu.memory_space<hbm>>
          tpu.enqueue_indirect_dma source(%dma_start3A_765 : memref<10000x16xf32, #tpu.memory_space<hbm>>) target(%arg16 : memref<80x16xf32, #tpu.memory_space<vmem>>) offsets(%arg10 : memref<80xi32, #tpu.memory_space<vmem>>) semaphore(%arg23 : memref<!tpu.dma_semaphore, #tpu.memory_space<semaphore_mem>>)
          %dma_start3A_766 = arith.constant 0 : i32
          %dma_start3A_767 = arith.constant 0 : i32
          %dma_start3A_768 = tpu.memref_slice %arg2[%dma_start3A_766, %dma_start3A_767] : memref<10000x128xf32, #tpu.memory_space<hbm>> -> memref<10000x128xf32, #tpu.memory_space<hbm>>
          tpu.enqueue_indirect_dma source(%dma_start3A_768 : memref<10000x128xf32, #tpu.memory_space<hbm>>) target(%arg19 : memref<80x128xf32, #tpu.memory_space<vmem>>) offsets(%arg8 : memref<80xi32, #tpu.memory_space<vmem>>) semaphore(%arg23 : memref<!tpu.dma_semaphore, #tpu.memory_space<semaphore_mem>>)
        } else {
        }
        %add3A_144 = arith.constant 0 : i32
        %add3A_145 = vector.broadcast %add3A_144 : i32 to vector<16xi32>
        %add3A_146 = arith.addi %iota3A, %add3A_145 : vector<16xi32>
        %broadcast_in_dim3A_147 = arith.constant 0 : i32
        %broadcast_in_dim3A_148 = vector.broadcast %broadcast_in_dim3A_147 : i32 to vector<16xi32>
        %broadcast_in_dim3A_149 = arith.constant 4 : i32
        %broadcast_in_dim3A_150 = vector.broadcast %broadcast_in_dim3A_149 : i32 to vector<16xi32>
        %gather3A = tpu.vector_load_idx %arg15[%add3A_146, %broadcast_in_dim3A_148] : memref<80x16xf32, #tpu.memory_space<vmem>>[vector<16xi32>, vector<16xi32>], vector<16xf32>,
        %gather3A_151 = tpu.vector_load_idx %arg17[%add3A_146, %broadcast_in_dim3A_150] : memref<80x16xf32, #tpu.memory_space<vmem>>[vector<16xi32>, vector<16xi32>], vector<16xf32>,
        %add3A_152 = arith.addf %gather3A, %gather3A_151 : vector<16xf32>
        %mul3A_153 = arith.constant 4 : i32
        %mul3A_154 = vector.broadcast %mul3A_153 : i32 to vector<16xi32>
        %mul3A_155 = arith.muli %add3A_146, %mul3A_154 : vector<16xi32>
        %add3A_156 = arith.constant 0 : i32
        %add3A_157 = vector.broadcast %add3A_156 : i32 to vector<16xi32>
        %add3A_158 = arith.addi %mul3A_155, %add3A_157 : vector<16xi32>
        %gather3A_159 = tpu.vector_load_idx %arg13[%add3A_158] : memref<320xf32, #tpu.memory_space<vmem>>[vector<16xi32>], vector<16xf32>,
        %add3A_160 = arith.addf %add3A_152, %gather3A_159 : vector<16xf32>
        %gt3A = arith.constant 0.000000e+00 : f32
        %gt3A_161 = vector.broadcast %gt3A : f32 to vector<16xf32>
        %gt3A_162 = arith.cmpf ogt, %add3A_160, %gt3A_161 : vector<16xf32>
        %mul3A_163 = arith.constant 0.00999999977 : f32
        %mul3A_164 = vector.broadcast %mul3A_163 : f32 to vector<16xf32>
        %mul3A_165 = arith.mulf %mul3A_164, %add3A_160 : vector<16xf32>
        %select_n3A_166 = arith.select %gt3A_162, %add3A_160, %mul3A_165 : vector<16xi1>, vector<16xf32>
        %mul3A_167 = arith.constant 4 : i32
        %mul3A_168 = vector.broadcast %mul3A_167 : i32 to vector<16xi32>
        %mul3A_169 = arith.muli %add3A_146, %mul3A_168 : vector<16xi32>
        %add3A_170 = arith.constant 0 : i32
        %add3A_171 = vector.broadcast %add3A_170 : i32 to vector<16xi32>
        %add3A_172 = arith.addi %mul3A_169, %add3A_171 : vector<16xi32>
        %exp3A = math.exp %select_n3A_166 : vector<16xf32>
        tpu.vector_store_idx %arg18[%add3A_172], %exp3A : memref<336xf32, #tpu.memory_space<vmem>>[vector<16xi32>], vector<16xf32>,
        %broadcast_in_dim3A_173 = arith.constant 1 : i32
        %broadcast_in_dim3A_174 = vector.broadcast %broadcast_in_dim3A_173 : i32 to vector<16xi32>
        %broadcast_in_dim3A_175 = arith.constant 5 : i32
        %broadcast_in_dim3A_176 = vector.broadcast %broadcast_in_dim3A_175 : i32 to vector<16xi32>
        %gather3A_177 = tpu.vector_load_idx %arg15[%add3A_146, %broadcast_in_dim3A_174] : memref<80x16xf32, #tpu.memory_space<vmem>>[vector<16xi32>, vector<16xi32>], vector<16xf32>,
        %gather3A_178 = tpu.vector_load_idx %arg17[%add3A_146, %broadcast_in_dim3A_176] : memref<80x16xf32, #tpu.memory_space<vmem>>[vector<16xi32>, vector<16xi32>], vector<16xf32>,
        %add3A_179 = arith.addf %gather3A_177, %gather3A_178 : vector<16xf32>
        %mul3A_180 = arith.constant 4 : i32
        %mul3A_181 = vector.broadcast %mul3A_180 : i32 to vector<16xi32>
        %mul3A_182 = arith.muli %add3A_146, %mul3A_181 : vector<16xi32>
        %add3A_183 = arith.constant 1 : i32
        %add3A_184 = vector.broadcast %add3A_183 : i32 to vector<16xi32>
        %add3A_185 = arith.addi %mul3A_182, %add3A_184 : vector<16xi32>
        %gather3A_186 = tpu.vector_load_idx %arg13[%add3A_185] : memref<320xf32, #tpu.memory_space<vmem>>[vector<16xi32>], vector<16xf32>,
        %add3A_187 = arith.addf %add3A_179, %gather3A_186 : vector<16xf32>
        %gt3A_188 = arith.constant 0.000000e+00 : f32
        %gt3A_189 = vector.broadcast %gt3A_188 : f32 to vector<16xf32>
        %gt3A_190 = arith.cmpf ogt, %add3A_187, %gt3A_189 : vector<16xf32>
        %mul3A_191 = arith.constant 0.00999999977 : f32
        %mul3A_192 = vector.broadcast %mul3A_191 : f32 to vector<16xf32>
        %mul3A_193 = arith.mulf %mul3A_192, %add3A_187 : vector<16xf32>
        %select_n3A_194 = arith.select %gt3A_190, %add3A_187, %mul3A_193 : vector<16xi1>, vector<16xf32>
        %mul3A_195 = arith.constant 4 : i32
        %mul3A_196 = vector.broadcast %mul3A_195 : i32 to vector<16xi32>
        %mul3A_197 = arith.muli %add3A_146, %mul3A_196 : vector<16xi32>
        %add3A_198 = arith.constant 1 : i32
        %add3A_199 = vector.broadcast %add3A_198 : i32 to vector<16xi32>
        %add3A_200 = arith.addi %mul3A_197, %add3A_199 : vector<16xi32>
        %exp3A_201 = math.exp %select_n3A_194 : vector<16xf32>
        tpu.vector_store_idx %arg18[%add3A_200], %exp3A_201 : memref<336xf32, #tpu.memory_space<vmem>>[vector<16xi32>], vector<16xf32>,
        %broadcast_in_dim3A_202 = arith.constant 2 : i32
        %broadcast_in_dim3A_203 = vector.broadcast %broadcast_in_dim3A_202 : i32 to vector<16xi32>
        %broadcast_in_dim3A_204 = arith.constant 6 : i32
        %broadcast_in_dim3A_205 = vector.broadcast %broadcast_in_dim3A_204 : i32 to vector<16xi32>
        %gather3A_206 = tpu.vector_load_idx %arg15[%add3A_146, %broadcast_in_dim3A_203] : memref<80x16xf32, #tpu.memory_space<vmem>>[vector<16xi32>, vector<16xi32>], vector<16xf32>,
        %gather3A_207 = tpu.vector_load_idx %arg17[%add3A_146, %broadcast_in_dim3A_205] : memref<80x16xf32, #tpu.memory_space<vmem>>[vector<16xi32>, vector<16xi32>], vector<16xf32>,
        %add3A_208 = arith.addf %gather3A_206, %gather3A_207 : vector<16xf32>
        %mul3A_209 = arith.constant 4 : i32
        %mul3A_210 = vector.broadcast %mul3A_209 : i32 to vector<16xi32>
        %mul3A_211 = arith.muli %add3A_146, %mul3A_210 : vector<16xi32>
        %add3A_212 = arith.constant 2 : i32
        %add3A_213 = vector.broadcast %add3A_212 : i32 to vector<16xi32>
        %add3A_214 = arith.addi %mul3A_211, %add3A_213 : vector<16xi32>
        %gather3A_215 = tpu.vector_load_idx %arg13[%add3A_214] : memref<320xf32, #tpu.memory_space<vmem>>[vector<16xi32>], vector<16xf32>,
        %add3A_216 = arith.addf %add3A_208, %gather3A_215 : vector<16xf32>
        %gt3A_217 = arith.constant 0.000000e+00 : f32
        %gt3A_218 = vector.broadcast %gt3A_217 : f32 to vector<16xf32>
        %gt3A_219 = arith.cmpf ogt, %add3A_216, %gt3A_218 : vector<16xf32>
        %mul3A_220 = arith.constant 0.00999999977 : f32
        %mul3A_221 = vector.broadcast %mul3A_220 : f32 to vector<16xf32>
        %mul3A_222 = arith.mulf %mul3A_221, %add3A_216 : vector<16xf32>
        %select_n3A_223 = arith.select %gt3A_219, %add3A_216, %mul3A_222 : vector<16xi1>, vector<16xf32>
        %mul3A_224 = arith.constant 4 : i32
        %mul3A_225 = vector.broadcast %mul3A_224 : i32 to vector<16xi32>
        %mul3A_226 = arith.muli %add3A_146, %mul3A_225 : vector<16xi32>
        %add3A_227 = arith.constant 2 : i32
        %add3A_228 = vector.broadcast %add3A_227 : i32 to vector<16xi32>
        %add3A_229 = arith.addi %mul3A_226, %add3A_228 : vector<16xi32>
        %exp3A_230 = math.exp %select_n3A_223 : vector<16xf32>
        tpu.vector_store_idx %arg18[%add3A_229], %exp3A_230 : memref<336xf32, #tpu.memory_space<vmem>>[vector<16xi32>], vector<16xf32>,
        %broadcast_in_dim3A_231 = arith.constant 3 : i32
        %broadcast_in_dim3A_232 = vector.broadcast %broadcast_in_dim3A_231 : i32 to vector<16xi32>
        %broadcast_in_dim3A_233 = arith.constant 7 : i32
        %broadcast_in_dim3A_234 = vector.broadcast %broadcast_in_dim3A_233 : i32 to vector<16xi32>
        %gather3A_235 = tpu.vector_load_idx %arg15[%add3A_146, %broadcast_in_dim3A_232] : memref<80x16xf32, #tpu.memory_space<vmem>>[vector<16xi32>, vector<16xi32>], vector<16xf32>,
        %gather3A_236 = tpu.vector_load_idx %arg17[%add3A_146, %broadcast_in_dim3A_234] : memref<80x16xf32, #tpu.memory_space<vmem>>[vector<16xi32>, vector<16xi32>], vector<16xf32>,
        %add3A_237 = arith.addf %gather3A_235, %gather3A_236 : vector<16xf32>
        %mul3A_238 = arith.constant 4 : i32
        %mul3A_239 = vector.broadcast %mul3A_238 : i32 to vector<16xi32>
        %mul3A_240 = arith.muli %add3A_146, %mul3A_239 : vector<16xi32>
        %add3A_241 = arith.constant 3 : i32
        %add3A_242 = vector.broadcast %add3A_241 : i32 to vector<16xi32>
        %add3A_243 = arith.addi %mul3A_240, %add3A_242 : vector<16xi32>
        %gather3A_244 = tpu.vector_load_idx %arg13[%add3A_243] : memref<320xf32, #tpu.memory_space<vmem>>[vector<16xi32>], vector<16xf32>,
        %add3A_245 = arith.addf %add3A_237, %gather3A_244 : vector<16xf32>
        %gt3A_246 = arith.constant 0.000000e+00 : f32
        %gt3A_247 = vector.broadcast %gt3A_246 : f32 to vector<16xf32>
        %gt3A_248 = arith.cmpf ogt, %add3A_245, %gt3A_247 : vector<16xf32>
        %mul3A_249 = arith.constant 0.00999999977 : f32
        %mul3A_250 = vector.broadcast %mul3A_249 : f32 to vector<16xf32>
        %mul3A_251 = arith.mulf %mul3A_250, %add3A_245 : vector<16xf32>
        %select_n3A_252 = arith.select %gt3A_248, %add3A_245, %mul3A_251 : vector<16xi1>, vector<16xf32>
        %mul3A_253 = arith.constant 4 : i32
        %mul3A_254 = vector.broadcast %mul3A_253 : i32 to vector<16xi32>
        %mul3A_255 = arith.muli %add3A_146, %mul3A_254 : vector<16xi32>
        %add3A_256 = arith.constant 3 : i32
        %add3A_257 = vector.broadcast %add3A_256 : i32 to vector<16xi32>
        %add3A_258 = arith.addi %mul3A_255, %add3A_257 : vector<16xi32>
        %exp3A_259 = math.exp %select_n3A_252 : vector<16xf32>
        tpu.vector_store_idx %arg18[%add3A_258], %exp3A_259 : memref<336xf32, #tpu.memory_space<vmem>>[vector<16xi32>], vector<16xf32>,
        %add3A_260 = arith.constant 16 : i32
        %add3A_261 = vector.broadcast %add3A_260 : i32 to vector<16xi32>
        %add3A_262 = arith.addi %iota3A, %add3A_261 : vector<16xi32>
        %broadcast_in_dim3A_263 = arith.constant 0 : i32
        %broadcast_in_dim3A_264 = vector.broadcast %broadcast_in_dim3A_263 : i32 to vector<16xi32>
        %broadcast_in_dim3A_265 = arith.constant 4 : i32
        %broadcast_in_dim3A_266 = vector.broadcast %broadcast_in_dim3A_265 : i32 to vector<16xi32>
        %gather3A_267 = tpu.vector_load_idx %arg15[%add3A_262, %broadcast_in_dim3A_264] : memref<80x16xf32, #tpu.memory_space<vmem>>[vector<16xi32>, vector<16xi32>], vector<16xf32>,
        %gather3A_268 = tpu.vector_load_idx %arg17[%add3A_262, %broadcast_in_dim3A_266] : memref<80x16xf32, #tpu.memory_space<vmem>>[vector<16xi32>, vector<16xi32>], vector<16xf32>,
        %add3A_269 = arith.addf %gather3A_267, %gather3A_268 : vector<16xf32>
        %mul3A_270 = arith.constant 4 : i32
        %mul3A_271 = vector.broadcast %mul3A_270 : i32 to vector<16xi32>
        %mul3A_272 = arith.muli %add3A_262, %mul3A_271 : vector<16xi32>
        %add3A_273 = arith.constant 0 : i32
        %add3A_274 = vector.broadcast %add3A_273 : i32 to vector<16xi32>
        %add3A_275 = arith.addi %mul3A_272, %add3A_274 : vector<16xi32>
        %gather3A_276 = tpu.vector_load_idx %arg13[%add3A_275] : memref<320xf32, #tpu.memory_space<vmem>>[vector<16xi32>], vector<16xf32>,
        %add3A_277 = arith.addf %add3A_269, %gather3A_276 : vector<16xf32>
        %gt3A_278 = arith.constant 0.000000e+00 : f32
        %gt3A_279 = vector.broadcast %gt3A_278 : f32 to vector<16xf32>
        %gt3A_280 = arith.cmpf ogt, %add3A_277, %gt3A_279 : vector<16xf32>
        %mul3A_281 = arith.constant 0.00999999977 : f32
        %mul3A_282 = vector.broadcast %mul3A_281 : f32 to vector<16xf32>
        %mul3A_283 = arith.mulf %mul3A_282, %add3A_277 : vector<16xf32>
        %select_n3A_284 = arith.select %gt3A_280, %add3A_277, %mul3A_283 : vector<16xi1>, vector<16xf32>
        %mul3A_285 = arith.constant 4 : i32
        %mul3A_286 = vector.broadcast %mul3A_285 : i32 to vector<16xi32>
        %mul3A_287 = arith.muli %add3A_262, %mul3A_286 : vector<16xi32>
        %add3A_288 = arith.constant 0 : i32
        %add3A_289 = vector.broadcast %add3A_288 : i32 to vector<16xi32>
        %add3A_290 = arith.addi %mul3A_287, %add3A_289 : vector<16xi32>
        %exp3A_291 = math.exp %select_n3A_284 : vector<16xf32>
        tpu.vector_store_idx %arg18[%add3A_290], %exp3A_291 : memref<336xf32, #tpu.memory_space<vmem>>[vector<16xi32>], vector<16xf32>,
        %broadcast_in_dim3A_292 = arith.constant 1 : i32
        %broadcast_in_dim3A_293 = vector.broadcast %broadcast_in_dim3A_292 : i32 to vector<16xi32>
        %broadcast_in_dim3A_294 = arith.constant 5 : i32
        %broadcast_in_dim3A_295 = vector.broadcast %broadcast_in_dim3A_294 : i32 to vector<16xi32>
        %gather3A_296 = tpu.vector_load_idx %arg15[%add3A_262, %broadcast_in_dim3A_293] : memref<80x16xf32, #tpu.memory_space<vmem>>[vector<16xi32>, vector<16xi32>], vector<16xf32>,
        %gather3A_297 = tpu.vector_load_idx %arg17[%add3A_262, %broadcast_in_dim3A_295] : memref<80x16xf32, #tpu.memory_space<vmem>>[vector<16xi32>, vector<16xi32>], vector<16xf32>,
        %add3A_298 = arith.addf %gather3A_296, %gather3A_297 : vector<16xf32>
        %mul3A_299 = arith.constant 4 : i32
        %mul3A_300 = vector.broadcast %mul3A_299 : i32 to vector<16xi32>
        %mul3A_301 = arith.muli %add3A_262, %mul3A_300 : vector<16xi32>
        %add3A_302 = arith.constant 1 : i32
        %add3A_303 = vector.broadcast %add3A_302 : i32 to vector<16xi32>
        %add3A_304 = arith.addi %mul3A_301, %add3A_303 : vector<16xi32>
        %gather3A_305 = tpu.vector_load_idx %arg13[%add3A_304] : memref<320xf32, #tpu.memory_space<vmem>>[vector<16xi32>], vector<16xf32>,
        %add3A_306 = arith.addf %add3A_298, %gather3A_305 : vector<16xf32>
        %gt3A_307 = arith.constant 0.000000e+00 : f32
        %gt3A_308 = vector.broadcast %gt3A_307 : f32 to vector<16xf32>
        %gt3A_309 = arith.cmpf ogt, %add3A_306, %gt3A_308 : vector<16xf32>
        %mul3A_310 = arith.constant 0.00999999977 : f32
        %mul3A_311 = vector.broadcast %mul3A_310 : f32 to vector<16xf32>
        %mul3A_312 = arith.mulf %mul3A_311, %add3A_306 : vector<16xf32>
        %select_n3A_313 = arith.select %gt3A_309, %add3A_306, %mul3A_312 : vector<16xi1>, vector<16xf32>
        %mul3A_314 = arith.constant 4 : i32
        %mul3A_315 = vector.broadcast %mul3A_314 : i32 to vector<16xi32>
        %mul3A_316 = arith.muli %add3A_262, %mul3A_315 : vector<16xi32>
        %add3A_317 = arith.constant 1 : i32
        %add3A_318 = vector.broadcast %add3A_317 : i32 to vector<16xi32>
        %add3A_319 = arith.addi %mul3A_316, %add3A_318 : vector<16xi32>
        %exp3A_320 = math.exp %select_n3A_313 : vector<16xf32>
        tpu.vector_store_idx %arg18[%add3A_319], %exp3A_320 : memref<336xf32, #tpu.memory_space<vmem>>[vector<16xi32>], vector<16xf32>,
        %broadcast_in_dim3A_321 = arith.constant 2 : i32
        %broadcast_in_dim3A_322 = vector.broadcast %broadcast_in_dim3A_321 : i32 to vector<16xi32>
        %broadcast_in_dim3A_323 = arith.constant 6 : i32
        %broadcast_in_dim3A_324 = vector.broadcast %broadcast_in_dim3A_323 : i32 to vector<16xi32>
        %gather3A_325 = tpu.vector_load_idx %arg15[%add3A_262, %broadcast_in_dim3A_322] : memref<80x16xf32, #tpu.memory_space<vmem>>[vector<16xi32>, vector<16xi32>], vector<16xf32>,
        %gather3A_326 = tpu.vector_load_idx %arg17[%add3A_262, %broadcast_in_dim3A_324] : memref<80x16xf32, #tpu.memory_space<vmem>>[vector<16xi32>, vector<16xi32>], vector<16xf32>,
        %add3A_327 = arith.addf %gather3A_325, %gather3A_326 : vector<16xf32>
        %mul3A_328 = arith.constant 4 : i32
        %mul3A_329 = vector.broadcast %mul3A_328 : i32 to vector<16xi32>
        %mul3A_330 = arith.muli %add3A_262, %mul3A_329 : vector<16xi32>
        %add3A_331 = arith.constant 2 : i32
        %add3A_332 = vector.broadcast %add3A_331 : i32 to vector<16xi32>
        %add3A_333 = arith.addi %mul3A_330, %add3A_332 : vector<16xi32>
        %gather3A_334 = tpu.vector_load_idx %arg13[%add3A_333] : memref<320xf32, #tpu.memory_space<vmem>>[vector<16xi32>], vector<16xf32>,
        %add3A_335 = arith.addf %add3A_327, %gather3A_334 : vector<16xf32>
        %gt3A_336 = arith.constant 0.000000e+00 : f32
        %gt3A_337 = vector.broadcast %gt3A_336 : f32 to vector<16xf32>
        %gt3A_338 = arith.cmpf ogt, %add3A_335, %gt3A_337 : vector<16xf32>
        %mul3A_339 = arith.constant 0.00999999977 : f32
        %mul3A_340 = vector.broadcast %mul3A_339 : f32 to vector<16xf32>
        %mul3A_341 = arith.mulf %mul3A_340, %add3A_335 : vector<16xf32>
        %select_n3A_342 = arith.select %gt3A_338, %add3A_335, %mul3A_341 : vector<16xi1>, vector<16xf32>
        %mul3A_343 = arith.constant 4 : i32
        %mul3A_344 = vector.broadcast %mul3A_343 : i32 to vector<16xi32>
        %mul3A_345 = arith.muli %add3A_262, %mul3A_344 : vector<16xi32>
        %add3A_346 = arith.constant 2 : i32
        %add3A_347 = vector.broadcast %add3A_346 : i32 to vector<16xi32>
        %add3A_348 = arith.addi %mul3A_345, %add3A_347 : vector<16xi32>
        %exp3A_349 = math.exp %select_n3A_342 : vector<16xf32>
        tpu.vector_store_idx %arg18[%add3A_348], %exp3A_349 : memref<336xf32, #tpu.memory_space<vmem>>[vector<16xi32>], vector<16xf32>,
        %broadcast_in_dim3A_350 = arith.constant 3 : i32
        %broadcast_in_dim3A_351 = vector.broadcast %broadcast_in_dim3A_350 : i32 to vector<16xi32>
        %broadcast_in_dim3A_352 = arith.constant 7 : i32
        %broadcast_in_dim3A_353 = vector.broadcast %broadcast_in_dim3A_352 : i32 to vector<16xi32>
        %gather3A_354 = tpu.vector_load_idx %arg15[%add3A_262, %broadcast_in_dim3A_351] : memref<80x16xf32, #tpu.memory_space<vmem>>[vector<16xi32>, vector<16xi32>], vector<16xf32>,
        %gather3A_355 = tpu.vector_load_idx %arg17[%add3A_262, %broadcast_in_dim3A_353] : memref<80x16xf32, #tpu.memory_space<vmem>>[vector<16xi32>, vector<16xi32>], vector<16xf32>,
        %add3A_356 = arith.addf %gather3A_354, %gather3A_355 : vector<16xf32>
        %mul3A_357 = arith.constant 4 : i32
        %mul3A_358 = vector.broadcast %mul3A_357 : i32 to vector<16xi32>
        %mul3A_359 = arith.muli %add3A_262, %mul3A_358 : vector<16xi32>
        %add3A_360 = arith.constant 3 : i32
        %add3A_361 = vector.broadcast %add3A_360 : i32 to vector<16xi32>
        %add3A_362 = arith.addi %mul3A_359, %add3A_361 : vector<16xi32>
        %gather3A_363 = tpu.vector_load_idx %arg13[%add3A_362] : memref<320xf32, #tpu.memory_space<vmem>>[vector<16xi32>], vector<16xf32>,
        %add3A_364 = arith.addf %add3A_356, %gather3A_363 : vector<16xf32>
        %gt3A_365 = arith.constant 0.000000e+00 : f32
        %gt3A_366 = vector.broadcast %gt3A_365 : f32 to vector<16xf32>
        %gt3A_367 = arith.cmpf ogt, %add3A_364, %gt3A_366 : vector<16xf32>
        %mul3A_368 = arith.constant 0.00999999977 : f32
        %mul3A_369 = vector.broadcast %mul3A_368 : f32 to vector<16xf32>
        %mul3A_370 = arith.mulf %mul3A_369, %add3A_364 : vector<16xf32>
        %select_n3A_371 = arith.select %gt3A_367, %add3A_364, %mul3A_370 : vector<16xi1>, vector<16xf32>
        %mul3A_372 = arith.constant 4 : i32
        %mul3A_373 = vector.broadcast %mul3A_372 : i32 to vector<16xi32>
        %mul3A_374 = arith.muli %add3A_262, %mul3A_373 : vector<16xi32>
        %add3A_375 = arith.constant 3 : i32
        %add3A_376 = vector.broadcast %add3A_375 : i32 to vector<16xi32>
        %add3A_377 = arith.addi %mul3A_374, %add3A_376 : vector<16xi32>
        %exp3A_378 = math.exp %select_n3A_371 : vector<16xf32>
        tpu.vector_store_idx %arg18[%add3A_377], %exp3A_378 : memref<336xf32, #tpu.memory_space<vmem>>[vector<16xi32>], vector<16xf32>,
        %add3A_379 = arith.constant 32 : i32
        %add3A_380 = vector.broadcast %add3A_379 : i32 to vector<16xi32>
        %add3A_381 = arith.addi %iota3A, %add3A_380 : vector<16xi32>
        %broadcast_in_dim3A_382 = arith.constant 0 : i32
        %broadcast_in_dim3A_383 = vector.broadcast %broadcast_in_dim3A_382 : i32 to vector<16xi32>
        %broadcast_in_dim3A_384 = arith.constant 4 : i32
        %broadcast_in_dim3A_385 = vector.broadcast %broadcast_in_dim3A_384 : i32 to vector<16xi32>
        %gather3A_386 = tpu.vector_load_idx %arg15[%add3A_381, %broadcast_in_dim3A_383] : memref<80x16xf32, #tpu.memory_space<vmem>>[vector<16xi32>, vector<16xi32>], vector<16xf32>,
        %gather3A_387 = tpu.vector_load_idx %arg17[%add3A_381, %broadcast_in_dim3A_385] : memref<80x16xf32, #tpu.memory_space<vmem>>[vector<16xi32>, vector<16xi32>], vector<16xf32>,
        %add3A_388 = arith.addf %gather3A_386, %gather3A_387 : vector<16xf32>
        %mul3A_389 = arith.constant 4 : i32
        %mul3A_390 = vector.broadcast %mul3A_389 : i32 to vector<16xi32>
        %mul3A_391 = arith.muli %add3A_381, %mul3A_390 : vector<16xi32>
        %add3A_392 = arith.constant 0 : i32
        %add3A_393 = vector.broadcast %add3A_392 : i32 to vector<16xi32>
        %add3A_394 = arith.addi %mul3A_391, %add3A_393 : vector<16xi32>
        %gather3A_395 = tpu.vector_load_idx %arg13[%add3A_394] : memref<320xf32, #tpu.memory_space<vmem>>[vector<16xi32>], vector<16xf32>,
        %add3A_396 = arith.addf %add3A_388, %gather3A_395 : vector<16xf32>
        %gt3A_397 = arith.constant 0.000000e+00 : f32
        %gt3A_398 = vector.broadcast %gt3A_397 : f32 to vector<16xf32>
        %gt3A_399 = arith.cmpf ogt, %add3A_396, %gt3A_398 : vector<16xf32>
        %mul3A_400 = arith.constant 0.00999999977 : f32
        %mul3A_401 = vector.broadcast %mul3A_400 : f32 to vector<16xf32>
        %mul3A_402 = arith.mulf %mul3A_401, %add3A_396 : vector<16xf32>
        %select_n3A_403 = arith.select %gt3A_399, %add3A_396, %mul3A_402 : vector<16xi1>, vector<16xf32>
        %mul3A_404 = arith.constant 4 : i32
        %mul3A_405 = vector.broadcast %mul3A_404 : i32 to vector<16xi32>
        %mul3A_406 = arith.muli %add3A_381, %mul3A_405 : vector<16xi32>
        %add3A_407 = arith.constant 0 : i32
        %add3A_408 = vector.broadcast %add3A_407 : i32 to vector<16xi32>
        %add3A_409 = arith.addi %mul3A_406, %add3A_408 : vector<16xi32>
        %exp3A_410 = math.exp %select_n3A_403 : vector<16xf32>
        tpu.vector_store_idx %arg18[%add3A_409], %exp3A_410 : memref<336xf32, #tpu.memory_space<vmem>>[vector<16xi32>], vector<16xf32>,
        %broadcast_in_dim3A_411 = arith.constant 1 : i32
        %broadcast_in_dim3A_412 = vector.broadcast %broadcast_in_dim3A_411 : i32 to vector<16xi32>
        %broadcast_in_dim3A_413 = arith.constant 5 : i32
        %broadcast_in_dim3A_414 = vector.broadcast %broadcast_in_dim3A_413 : i32 to vector<16xi32>
        %gather3A_415 = tpu.vector_load_idx %arg15[%add3A_381, %broadcast_in_dim3A_412] : memref<80x16xf32, #tpu.memory_space<vmem>>[vector<16xi32>, vector<16xi32>], vector<16xf32>,
        %gather3A_416 = tpu.vector_load_idx %arg17[%add3A_381, %broadcast_in_dim3A_414] : memref<80x16xf32, #tpu.memory_space<vmem>>[vector<16xi32>, vector<16xi32>], vector<16xf32>,
        %add3A_417 = arith.addf %gather3A_415, %gather3A_416 : vector<16xf32>
        %mul3A_418 = arith.constant 4 : i32
        %mul3A_419 = vector.broadcast %mul3A_418 : i32 to vector<16xi32>
        %mul3A_420 = arith.muli %add3A_381, %mul3A_419 : vector<16xi32>
        %add3A_421 = arith.constant 1 : i32
        %add3A_422 = vector.broadcast %add3A_421 : i32 to vector<16xi32>
        %add3A_423 = arith.addi %mul3A_420, %add3A_422 : vector<16xi32>
        %gather3A_424 = tpu.vector_load_idx %arg13[%add3A_423] : memref<320xf32, #tpu.memory_space<vmem>>[vector<16xi32>], vector<16xf32>,
        %add3A_425 = arith.addf %add3A_417, %gather3A_424 : vector<16xf32>
        %gt3A_426 = arith.constant 0.000000e+00 : f32
        %gt3A_427 = vector.broadcast %gt3A_426 : f32 to vector<16xf32>
        %gt3A_428 = arith.cmpf ogt, %add3A_425, %gt3A_427 : vector<16xf32>
        %mul3A_429 = arith.constant 0.00999999977 : f32
        %mul3A_430 = vector.broadcast %mul3A_429 : f32 to vector<16xf32>
        %mul3A_431 = arith.mulf %mul3A_430, %add3A_425 : vector<16xf32>
        %select_n3A_432 = arith.select %gt3A_428, %add3A_425, %mul3A_431 : vector<16xi1>, vector<16xf32>
        %mul3A_433 = arith.constant 4 : i32
        %mul3A_434 = vector.broadcast %mul3A_433 : i32 to vector<16xi32>
        %mul3A_435 = arith.muli %add3A_381, %mul3A_434 : vector<16xi32>
        %add3A_436 = arith.constant 1 : i32
        %add3A_437 = vector.broadcast %add3A_436 : i32 to vector<16xi32>
        %add3A_438 = arith.addi %mul3A_435, %add3A_437 : vector<16xi32>
        %exp3A_439 = math.exp %select_n3A_432 : vector<16xf32>
        tpu.vector_store_idx %arg18[%add3A_438], %exp3A_439 : memref<336xf32, #tpu.memory_space<vmem>>[vector<16xi32>], vector<16xf32>,
        %broadcast_in_dim3A_440 = arith.constant 2 : i32
        %broadcast_in_dim3A_441 = vector.broadcast %broadcast_in_dim3A_440 : i32 to vector<16xi32>
        %broadcast_in_dim3A_442 = arith.constant 6 : i32
        %broadcast_in_dim3A_443 = vector.broadcast %broadcast_in_dim3A_442 : i32 to vector<16xi32>
        %gather3A_444 = tpu.vector_load_idx %arg15[%add3A_381, %broadcast_in_dim3A_441] : memref<80x16xf32, #tpu.memory_space<vmem>>[vector<16xi32>, vector<16xi32>], vector<16xf32>,
        %gather3A_445 = tpu.vector_load_idx %arg17[%add3A_381, %broadcast_in_dim3A_443] : memref<80x16xf32, #tpu.memory_space<vmem>>[vector<16xi32>, vector<16xi32>], vector<16xf32>,
        %add3A_446 = arith.addf %gather3A_444, %gather3A_445 : vector<16xf32>
        %mul3A_447 = arith.constant 4 : i32
        %mul3A_448 = vector.broadcast %mul3A_447 : i32 to vector<16xi32>
        %mul3A_449 = arith.muli %add3A_381, %mul3A_448 : vector<16xi32>
        %add3A_450 = arith.constant 2 : i32
        %add3A_451 = vector.broadcast %add3A_450 : i32 to vector<16xi32>
        %add3A_452 = arith.addi %mul3A_449, %add3A_451 : vector<16xi32>
        %gather3A_453 = tpu.vector_load_idx %arg13[%add3A_452] : memref<320xf32, #tpu.memory_space<vmem>>[vector<16xi32>], vector<16xf32>,
        %add3A_454 = arith.addf %add3A_446, %gather3A_453 : vector<16xf32>
        %gt3A_455 = arith.constant 0.000000e+00 : f32
        %gt3A_456 = vector.broadcast %gt3A_455 : f32 to vector<16xf32>
        %gt3A_457 = arith.cmpf ogt, %add3A_454, %gt3A_456 : vector<16xf32>
        %mul3A_458 = arith.constant 0.00999999977 : f32
        %mul3A_459 = vector.broadcast %mul3A_458 : f32 to vector<16xf32>
        %mul3A_460 = arith.mulf %mul3A_459, %add3A_454 : vector<16xf32>
        %select_n3A_461 = arith.select %gt3A_457, %add3A_454, %mul3A_460 : vector<16xi1>, vector<16xf32>
        %mul3A_462 = arith.constant 4 : i32
        %mul3A_463 = vector.broadcast %mul3A_462 : i32 to vector<16xi32>
        %mul3A_464 = arith.muli %add3A_381, %mul3A_463 : vector<16xi32>
        %add3A_465 = arith.constant 2 : i32
        %add3A_466 = vector.broadcast %add3A_465 : i32 to vector<16xi32>
        %add3A_467 = arith.addi %mul3A_464, %add3A_466 : vector<16xi32>
        %exp3A_468 = math.exp %select_n3A_461 : vector<16xf32>
        tpu.vector_store_idx %arg18[%add3A_467], %exp3A_468 : memref<336xf32, #tpu.memory_space<vmem>>[vector<16xi32>], vector<16xf32>,
        %broadcast_in_dim3A_469 = arith.constant 3 : i32
        %broadcast_in_dim3A_470 = vector.broadcast %broadcast_in_dim3A_469 : i32 to vector<16xi32>
        %broadcast_in_dim3A_471 = arith.constant 7 : i32
        %broadcast_in_dim3A_472 = vector.broadcast %broadcast_in_dim3A_471 : i32 to vector<16xi32>
        %gather3A_473 = tpu.vector_load_idx %arg15[%add3A_381, %broadcast_in_dim3A_470] : memref<80x16xf32, #tpu.memory_space<vmem>>[vector<16xi32>, vector<16xi32>], vector<16xf32>,
        %gather3A_474 = tpu.vector_load_idx %arg17[%add3A_381, %broadcast_in_dim3A_472] : memref<80x16xf32, #tpu.memory_space<vmem>>[vector<16xi32>, vector<16xi32>], vector<16xf32>,
        %add3A_475 = arith.addf %gather3A_473, %gather3A_474 : vector<16xf32>
        %mul3A_476 = arith.constant 4 : i32
        %mul3A_477 = vector.broadcast %mul3A_476 : i32 to vector<16xi32>
        %mul3A_478 = arith.muli %add3A_381, %mul3A_477 : vector<16xi32>
        %add3A_479 = arith.constant 3 : i32
        %add3A_480 = vector.broadcast %add3A_479 : i32 to vector<16xi32>
        %add3A_481 = arith.addi %mul3A_478, %add3A_480 : vector<16xi32>
        %gather3A_482 = tpu.vector_load_idx %arg13[%add3A_481] : memref<320xf32, #tpu.memory_space<vmem>>[vector<16xi32>], vector<16xf32>,
        %add3A_483 = arith.addf %add3A_475, %gather3A_482 : vector<16xf32>
        %gt3A_484 = arith.constant 0.000000e+00 : f32
        %gt3A_485 = vector.broadcast %gt3A_484 : f32 to vector<16xf32>
        %gt3A_486 = arith.cmpf ogt, %add3A_483, %gt3A_485 : vector<16xf32>
        %mul3A_487 = arith.constant 0.00999999977 : f32
        %mul3A_488 = vector.broadcast %mul3A_487 : f32 to vector<16xf32>
        %mul3A_489 = arith.mulf %mul3A_488, %add3A_483 : vector<16xf32>
        %select_n3A_490 = arith.select %gt3A_486, %add3A_483, %mul3A_489 : vector<16xi1>, vector<16xf32>
        %mul3A_491 = arith.constant 4 : i32
        %mul3A_492 = vector.broadcast %mul3A_491 : i32 to vector<16xi32>
        %mul3A_493 = arith.muli %add3A_381, %mul3A_492 : vector<16xi32>
        %add3A_494 = arith.constant 3 : i32
        %add3A_495 = vector.broadcast %add3A_494 : i32 to vector<16xi32>
        %add3A_496 = arith.addi %mul3A_493, %add3A_495 : vector<16xi32>
        %exp3A_497 = math.exp %select_n3A_490 : vector<16xf32>
        tpu.vector_store_idx %arg18[%add3A_496], %exp3A_497 : memref<336xf32, #tpu.memory_space<vmem>>[vector<16xi32>], vector<16xf32>,
        %add3A_498 = arith.constant 48 : i32
        %add3A_499 = vector.broadcast %add3A_498 : i32 to vector<16xi32>
        %add3A_500 = arith.addi %iota3A, %add3A_499 : vector<16xi32>
        %broadcast_in_dim3A_501 = arith.constant 0 : i32
        %broadcast_in_dim3A_502 = vector.broadcast %broadcast_in_dim3A_501 : i32 to vector<16xi32>
        %broadcast_in_dim3A_503 = arith.constant 4 : i32
        %broadcast_in_dim3A_504 = vector.broadcast %broadcast_in_dim3A_503 : i32 to vector<16xi32>
        %gather3A_505 = tpu.vector_load_idx %arg15[%add3A_500, %broadcast_in_dim3A_502] : memref<80x16xf32, #tpu.memory_space<vmem>>[vector<16xi32>, vector<16xi32>], vector<16xf32>,
        %gather3A_506 = tpu.vector_load_idx %arg17[%add3A_500, %broadcast_in_dim3A_504] : memref<80x16xf32, #tpu.memory_space<vmem>>[vector<16xi32>, vector<16xi32>], vector<16xf32>,
        %add3A_507 = arith.addf %gather3A_505, %gather3A_506 : vector<16xf32>
        %mul3A_508 = arith.constant 4 : i32
        %mul3A_509 = vector.broadcast %mul3A_508 : i32 to vector<16xi32>
        %mul3A_510 = arith.muli %add3A_500, %mul3A_509 : vector<16xi32>
        %add3A_511 = arith.constant 0 : i32
        %add3A_512 = vector.broadcast %add3A_511 : i32 to vector<16xi32>
        %add3A_513 = arith.addi %mul3A_510, %add3A_512 : vector<16xi32>
        %gather3A_514 = tpu.vector_load_idx %arg13[%add3A_513] : memref<320xf32, #tpu.memory_space<vmem>>[vector<16xi32>], vector<16xf32>,
        %add3A_515 = arith.addf %add3A_507, %gather3A_514 : vector<16xf32>
        %gt3A_516 = arith.constant 0.000000e+00 : f32
        %gt3A_517 = vector.broadcast %gt3A_516 : f32 to vector<16xf32>
        %gt3A_518 = arith.cmpf ogt, %add3A_515, %gt3A_517 : vector<16xf32>
        %mul3A_519 = arith.constant 0.00999999977 : f32
        %mul3A_520 = vector.broadcast %mul3A_519 : f32 to vector<16xf32>
        %mul3A_521 = arith.mulf %mul3A_520, %add3A_515 : vector<16xf32>
        %select_n3A_522 = arith.select %gt3A_518, %add3A_515, %mul3A_521 : vector<16xi1>, vector<16xf32>
        %mul3A_523 = arith.constant 4 : i32
        %mul3A_524 = vector.broadcast %mul3A_523 : i32 to vector<16xi32>
        %mul3A_525 = arith.muli %add3A_500, %mul3A_524 : vector<16xi32>
        %add3A_526 = arith.constant 0 : i32
        %add3A_527 = vector.broadcast %add3A_526 : i32 to vector<16xi32>
        %add3A_528 = arith.addi %mul3A_525, %add3A_527 : vector<16xi32>
        %exp3A_529 = math.exp %select_n3A_522 : vector<16xf32>
        tpu.vector_store_idx %arg18[%add3A_528], %exp3A_529 : memref<336xf32, #tpu.memory_space<vmem>>[vector<16xi32>], vector<16xf32>,
        %broadcast_in_dim3A_530 = arith.constant 1 : i32
        %broadcast_in_dim3A_531 = vector.broadcast %broadcast_in_dim3A_530 : i32 to vector<16xi32>
        %broadcast_in_dim3A_532 = arith.constant 5 : i32
        %broadcast_in_dim3A_533 = vector.broadcast %broadcast_in_dim3A_532 : i32 to vector<16xi32>
        %gather3A_534 = tpu.vector_load_idx %arg15[%add3A_500, %broadcast_in_dim3A_531] : memref<80x16xf32, #tpu.memory_space<vmem>>[vector<16xi32>, vector<16xi32>], vector<16xf32>,
        %gather3A_535 = tpu.vector_load_idx %arg17[%add3A_500, %broadcast_in_dim3A_533] : memref<80x16xf32, #tpu.memory_space<vmem>>[vector<16xi32>, vector<16xi32>], vector<16xf32>,
        %add3A_536 = arith.addf %gather3A_534, %gather3A_535 : vector<16xf32>
        %mul3A_537 = arith.constant 4 : i32
        %mul3A_538 = vector.broadcast %mul3A_537 : i32 to vector<16xi32>
        %mul3A_539 = arith.muli %add3A_500, %mul3A_538 : vector<16xi32>
        %add3A_540 = arith.constant 1 : i32
        %add3A_541 = vector.broadcast %add3A_540 : i32 to vector<16xi32>
        %add3A_542 = arith.addi %mul3A_539, %add3A_541 : vector<16xi32>
        %gather3A_543 = tpu.vector_load_idx %arg13[%add3A_542] : memref<320xf32, #tpu.memory_space<vmem>>[vector<16xi32>], vector<16xf32>,
        %add3A_544 = arith.addf %add3A_536, %gather3A_543 : vector<16xf32>
        %gt3A_545 = arith.constant 0.000000e+00 : f32
        %gt3A_546 = vector.broadcast %gt3A_545 : f32 to vector<16xf32>
        %gt3A_547 = arith.cmpf ogt, %add3A_544, %gt3A_546 : vector<16xf32>
        %mul3A_548 = arith.constant 0.00999999977 : f32
        %mul3A_549 = vector.broadcast %mul3A_548 : f32 to vector<16xf32>
        %mul3A_550 = arith.mulf %mul3A_549, %add3A_544 : vector<16xf32>
        %select_n3A_551 = arith.select %gt3A_547, %add3A_544, %mul3A_550 : vector<16xi1>, vector<16xf32>
        %mul3A_552 = arith.constant 4 : i32
        %mul3A_553 = vector.broadcast %mul3A_552 : i32 to vector<16xi32>
        %mul3A_554 = arith.muli %add3A_500, %mul3A_553 : vector<16xi32>
        %add3A_555 = arith.constant 1 : i32
        %add3A_556 = vector.broadcast %add3A_555 : i32 to vector<16xi32>
        %add3A_557 = arith.addi %mul3A_554, %add3A_556 : vector<16xi32>
        %exp3A_558 = math.exp %select_n3A_551 : vector<16xf32>
        tpu.vector_store_idx %arg18[%add3A_557], %exp3A_558 : memref<336xf32, #tpu.memory_space<vmem>>[vector<16xi32>], vector<16xf32>,
        %broadcast_in_dim3A_559 = arith.constant 2 : i32
        %broadcast_in_dim3A_560 = vector.broadcast %broadcast_in_dim3A_559 : i32 to vector<16xi32>
        %broadcast_in_dim3A_561 = arith.constant 6 : i32
        %broadcast_in_dim3A_562 = vector.broadcast %broadcast_in_dim3A_561 : i32 to vector<16xi32>
        %gather3A_563 = tpu.vector_load_idx %arg15[%add3A_500, %broadcast_in_dim3A_560] : memref<80x16xf32, #tpu.memory_space<vmem>>[vector<16xi32>, vector<16xi32>], vector<16xf32>,
        %gather3A_564 = tpu.vector_load_idx %arg17[%add3A_500, %broadcast_in_dim3A_562] : memref<80x16xf32, #tpu.memory_space<vmem>>[vector<16xi32>, vector<16xi32>], vector<16xf32>,
        %add3A_565 = arith.addf %gather3A_563, %gather3A_564 : vector<16xf32>
        %mul3A_566 = arith.constant 4 : i32
        %mul3A_567 = vector.broadcast %mul3A_566 : i32 to vector<16xi32>
        %mul3A_568 = arith.muli %add3A_500, %mul3A_567 : vector<16xi32>
        %add3A_569 = arith.constant 2 : i32
        %add3A_570 = vector.broadcast %add3A_569 : i32 to vector<16xi32>
        %add3A_571 = arith.addi %mul3A_568, %add3A_570 : vector<16xi32>
        %gather3A_572 = tpu.vector_load_idx %arg13[%add3A_571] : memref<320xf32, #tpu.memory_space<vmem>>[vector<16xi32>], vector<16xf32>,
        %add3A_573 = arith.addf %add3A_565, %gather3A_572 : vector<16xf32>
        %gt3A_574 = arith.constant 0.000000e+00 : f32
        %gt3A_575 = vector.broadcast %gt3A_574 : f32 to vector<16xf32>
        %gt3A_576 = arith.cmpf ogt, %add3A_573, %gt3A_575 : vector<16xf32>
        %mul3A_577 = arith.constant 0.00999999977 : f32
        %mul3A_578 = vector.broadcast %mul3A_577 : f32 to vector<16xf32>
        %mul3A_579 = arith.mulf %mul3A_578, %add3A_573 : vector<16xf32>
        %select_n3A_580 = arith.select %gt3A_576, %add3A_573, %mul3A_579 : vector<16xi1>, vector<16xf32>
        %mul3A_581 = arith.constant 4 : i32
        %mul3A_582 = vector.broadcast %mul3A_581 : i32 to vector<16xi32>
        %mul3A_583 = arith.muli %add3A_500, %mul3A_582 : vector<16xi32>
        %add3A_584 = arith.constant 2 : i32
        %add3A_585 = vector.broadcast %add3A_584 : i32 to vector<16xi32>
        %add3A_586 = arith.addi %mul3A_583, %add3A_585 : vector<16xi32>
        %exp3A_587 = math.exp %select_n3A_580 : vector<16xf32>
        tpu.vector_store_idx %arg18[%add3A_586], %exp3A_587 : memref<336xf32, #tpu.memory_space<vmem>>[vector<16xi32>], vector<16xf32>,
        %broadcast_in_dim3A_588 = arith.constant 3 : i32
        %broadcast_in_dim3A_589 = vector.broadcast %broadcast_in_dim3A_588 : i32 to vector<16xi32>
        %broadcast_in_dim3A_590 = arith.constant 7 : i32
        %broadcast_in_dim3A_591 = vector.broadcast %broadcast_in_dim3A_590 : i32 to vector<16xi32>
        %gather3A_592 = tpu.vector_load_idx %arg15[%add3A_500, %broadcast_in_dim3A_589] : memref<80x16xf32, #tpu.memory_space<vmem>>[vector<16xi32>, vector<16xi32>], vector<16xf32>,
        %gather3A_593 = tpu.vector_load_idx %arg17[%add3A_500, %broadcast_in_dim3A_591] : memref<80x16xf32, #tpu.memory_space<vmem>>[vector<16xi32>, vector<16xi32>], vector<16xf32>,
        %add3A_594 = arith.addf %gather3A_592, %gather3A_593 : vector<16xf32>
        %mul3A_595 = arith.constant 4 : i32
        %mul3A_596 = vector.broadcast %mul3A_595 : i32 to vector<16xi32>
        %mul3A_597 = arith.muli %add3A_500, %mul3A_596 : vector<16xi32>
        %add3A_598 = arith.constant 3 : i32
        %add3A_599 = vector.broadcast %add3A_598 : i32 to vector<16xi32>
        %add3A_600 = arith.addi %mul3A_597, %add3A_599 : vector<16xi32>
        %gather3A_601 = tpu.vector_load_idx %arg13[%add3A_600] : memref<320xf32, #tpu.memory_space<vmem>>[vector<16xi32>], vector<16xf32>,
        %add3A_602 = arith.addf %add3A_594, %gather3A_601 : vector<16xf32>
        %gt3A_603 = arith.constant 0.000000e+00 : f32
        %gt3A_604 = vector.broadcast %gt3A_603 : f32 to vector<16xf32>
        %gt3A_605 = arith.cmpf ogt, %add3A_602, %gt3A_604 : vector<16xf32>
        %mul3A_606 = arith.constant 0.00999999977 : f32
        %mul3A_607 = vector.broadcast %mul3A_606 : f32 to vector<16xf32>
        %mul3A_608 = arith.mulf %mul3A_607, %add3A_602 : vector<16xf32>
        %select_n3A_609 = arith.select %gt3A_605, %add3A_602, %mul3A_608 : vector<16xi1>, vector<16xf32>
        %mul3A_610 = arith.constant 4 : i32
        %mul3A_611 = vector.broadcast %mul3A_610 : i32 to vector<16xi32>
        %mul3A_612 = arith.muli %add3A_500, %mul3A_611 : vector<16xi32>
        %add3A_613 = arith.constant 3 : i32
        %add3A_614 = vector.broadcast %add3A_613 : i32 to vector<16xi32>
        %add3A_615 = arith.addi %mul3A_612, %add3A_614 : vector<16xi32>
        %exp3A_616 = math.exp %select_n3A_609 : vector<16xf32>
        tpu.vector_store_idx %arg18[%add3A_615], %exp3A_616 : memref<336xf32, #tpu.memory_space<vmem>>[vector<16xi32>], vector<16xf32>,
        %add3A_617 = arith.constant 64 : i32
        %add3A_618 = vector.broadcast %add3A_617 : i32 to vector<16xi32>
        %add3A_619 = arith.addi %iota3A, %add3A_618 : vector<16xi32>
        %broadcast_in_dim3A_620 = arith.constant 0 : i32
        %broadcast_in_dim3A_621 = vector.broadcast %broadcast_in_dim3A_620 : i32 to vector<16xi32>
        %broadcast_in_dim3A_622 = arith.constant 4 : i32
        %broadcast_in_dim3A_623 = vector.broadcast %broadcast_in_dim3A_622 : i32 to vector<16xi32>
        %gather3A_624 = tpu.vector_load_idx %arg15[%add3A_619, %broadcast_in_dim3A_621] : memref<80x16xf32, #tpu.memory_space<vmem>>[vector<16xi32>, vector<16xi32>], vector<16xf32>,
        %gather3A_625 = tpu.vector_load_idx %arg17[%add3A_619, %broadcast_in_dim3A_623] : memref<80x16xf32, #tpu.memory_space<vmem>>[vector<16xi32>, vector<16xi32>], vector<16xf32>,
        %add3A_626 = arith.addf %gather3A_624, %gather3A_625 : vector<16xf32>
        %mul3A_627 = arith.constant 4 : i32
        %mul3A_628 = vector.broadcast %mul3A_627 : i32 to vector<16xi32>
        %mul3A_629 = arith.muli %add3A_619, %mul3A_628 : vector<16xi32>
        %add3A_630 = arith.constant 0 : i32
        %add3A_631 = vector.broadcast %add3A_630 : i32 to vector<16xi32>
        %add3A_632 = arith.addi %mul3A_629, %add3A_631 : vector<16xi32>
        %gather3A_633 = tpu.vector_load_idx %arg13[%add3A_632] : memref<320xf32, #tpu.memory_space<vmem>>[vector<16xi32>], vector<16xf32>,
        %add3A_634 = arith.addf %add3A_626, %gather3A_633 : vector<16xf32>
        %gt3A_635 = arith.constant 0.000000e+00 : f32
        %gt3A_636 = vector.broadcast %gt3A_635 : f32 to vector<16xf32>
        %gt3A_637 = arith.cmpf ogt, %add3A_634, %gt3A_636 : vector<16xf32>
        %mul3A_638 = arith.constant 0.00999999977 : f32
        %mul3A_639 = vector.broadcast %mul3A_638 : f32 to vector<16xf32>
        %mul3A_640 = arith.mulf %mul3A_639, %add3A_634 : vector<16xf32>
        %select_n3A_641 = arith.select %gt3A_637, %add3A_634, %mul3A_640 : vector<16xi1>, vector<16xf32>
        %mul3A_642 = arith.constant 4 : i32
        %mul3A_643 = vector.broadcast %mul3A_642 : i32 to vector<16xi32>
        %mul3A_644 = arith.muli %add3A_619, %mul3A_643 : vector<16xi32>
        %add3A_645 = arith.constant 0 : i32
        %add3A_646 = vector.broadcast %add3A_645 : i32 to vector<16xi32>
        %add3A_647 = arith.addi %mul3A_644, %add3A_646 : vector<16xi32>
        %exp3A_648 = math.exp %select_n3A_641 : vector<16xf32>
        tpu.vector_store_idx %arg18[%add3A_647], %exp3A_648 : memref<336xf32, #tpu.memory_space<vmem>>[vector<16xi32>], vector<16xf32>,
        %broadcast_in_dim3A_649 = arith.constant 1 : i32
        %broadcast_in_dim3A_650 = vector.broadcast %broadcast_in_dim3A_649 : i32 to vector<16xi32>
        %broadcast_in_dim3A_651 = arith.constant 5 : i32
        %broadcast_in_dim3A_652 = vector.broadcast %broadcast_in_dim3A_651 : i32 to vector<16xi32>
        %gather3A_653 = tpu.vector_load_idx %arg15[%add3A_619, %broadcast_in_dim3A_650] : memref<80x16xf32, #tpu.memory_space<vmem>>[vector<16xi32>, vector<16xi32>], vector<16xf32>,
        %gather3A_654 = tpu.vector_load_idx %arg17[%add3A_619, %broadcast_in_dim3A_652] : memref<80x16xf32, #tpu.memory_space<vmem>>[vector<16xi32>, vector<16xi32>], vector<16xf32>,
        %add3A_655 = arith.addf %gather3A_653, %gather3A_654 : vector<16xf32>
        %mul3A_656 = arith.constant 4 : i32
        %mul3A_657 = vector.broadcast %mul3A_656 : i32 to vector<16xi32>
        %mul3A_658 = arith.muli %add3A_619, %mul3A_657 : vector<16xi32>
        %add3A_659 = arith.constant 1 : i32
        %add3A_660 = vector.broadcast %add3A_659 : i32 to vector<16xi32>
        %add3A_661 = arith.addi %mul3A_658, %add3A_660 : vector<16xi32>
        %gather3A_662 = tpu.vector_load_idx %arg13[%add3A_661] : memref<320xf32, #tpu.memory_space<vmem>>[vector<16xi32>], vector<16xf32>,
        %add3A_663 = arith.addf %add3A_655, %gather3A_662 : vector<16xf32>
        %gt3A_664 = arith.constant 0.000000e+00 : f32
        %gt3A_665 = vector.broadcast %gt3A_664 : f32 to vector<16xf32>
        %gt3A_666 = arith.cmpf ogt, %add3A_663, %gt3A_665 : vector<16xf32>
        %mul3A_667 = arith.constant 0.00999999977 : f32
        %mul3A_668 = vector.broadcast %mul3A_667 : f32 to vector<16xf32>
        %mul3A_669 = arith.mulf %mul3A_668, %add3A_663 : vector<16xf32>
        %select_n3A_670 = arith.select %gt3A_666, %add3A_663, %mul3A_669 : vector<16xi1>, vector<16xf32>
        %mul3A_671 = arith.constant 4 : i32
        %mul3A_672 = vector.broadcast %mul3A_671 : i32 to vector<16xi32>
        %mul3A_673 = arith.muli %add3A_619, %mul3A_672 : vector<16xi32>
        %add3A_674 = arith.constant 1 : i32
        %add3A_675 = vector.broadcast %add3A_674 : i32 to vector<16xi32>
        %add3A_676 = arith.addi %mul3A_673, %add3A_675 : vector<16xi32>
        %exp3A_677 = math.exp %select_n3A_670 : vector<16xf32>
        tpu.vector_store_idx %arg18[%add3A_676], %exp3A_677 : memref<336xf32, #tpu.memory_space<vmem>>[vector<16xi32>], vector<16xf32>,
        %broadcast_in_dim3A_678 = arith.constant 2 : i32
        %broadcast_in_dim3A_679 = vector.broadcast %broadcast_in_dim3A_678 : i32 to vector<16xi32>
        %broadcast_in_dim3A_680 = arith.constant 6 : i32
        %broadcast_in_dim3A_681 = vector.broadcast %broadcast_in_dim3A_680 : i32 to vector<16xi32>
        %gather3A_682 = tpu.vector_load_idx %arg15[%add3A_619, %broadcast_in_dim3A_679] : memref<80x16xf32, #tpu.memory_space<vmem>>[vector<16xi32>, vector<16xi32>], vector<16xf32>,
        %gather3A_683 = tpu.vector_load_idx %arg17[%add3A_619, %broadcast_in_dim3A_681] : memref<80x16xf32, #tpu.memory_space<vmem>>[vector<16xi32>, vector<16xi32>], vector<16xf32>,
        %add3A_684 = arith.addf %gather3A_682, %gather3A_683 : vector<16xf32>
        %mul3A_685 = arith.constant 4 : i32
        %mul3A_686 = vector.broadcast %mul3A_685 : i32 to vector<16xi32>
        %mul3A_687 = arith.muli %add3A_619, %mul3A_686 : vector<16xi32>
        %add3A_688 = arith.constant 2 : i32
        %add3A_689 = vector.broadcast %add3A_688 : i32 to vector<16xi32>
        %add3A_690 = arith.addi %mul3A_687, %add3A_689 : vector<16xi32>
        %gather3A_691 = tpu.vector_load_idx %arg13[%add3A_690] : memref<320xf32, #tpu.memory_space<vmem>>[vector<16xi32>], vector<16xf32>,
        %add3A_692 = arith.addf %add3A_684, %gather3A_691 : vector<16xf32>
        %gt3A_693 = arith.constant 0.000000e+00 : f32
        %gt3A_694 = vector.broadcast %gt3A_693 : f32 to vector<16xf32>
        %gt3A_695 = arith.cmpf ogt, %add3A_692, %gt3A_694 : vector<16xf32>
        %mul3A_696 = arith.constant 0.00999999977 : f32
        %mul3A_697 = vector.broadcast %mul3A_696 : f32 to vector<16xf32>
        %mul3A_698 = arith.mulf %mul3A_697, %add3A_692 : vector<16xf32>
        %select_n3A_699 = arith.select %gt3A_695, %add3A_692, %mul3A_698 : vector<16xi1>, vector<16xf32>
        %mul3A_700 = arith.constant 4 : i32
        %mul3A_701 = vector.broadcast %mul3A_700 : i32 to vector<16xi32>
        %mul3A_702 = arith.muli %add3A_619, %mul3A_701 : vector<16xi32>
        %add3A_703 = arith.constant 2 : i32
        %add3A_704 = vector.broadcast %add3A_703 : i32 to vector<16xi32>
        %add3A_705 = arith.addi %mul3A_702, %add3A_704 : vector<16xi32>
        %exp3A_706 = math.exp %select_n3A_699 : vector<16xf32>
        tpu.vector_store_idx %arg18[%add3A_705], %exp3A_706 : memref<336xf32, #tpu.memory_space<vmem>>[vector<16xi32>], vector<16xf32>,
        %broadcast_in_dim3A_707 = arith.constant 3 : i32
        %broadcast_in_dim3A_708 = vector.broadcast %broadcast_in_dim3A_707 : i32 to vector<16xi32>
        %broadcast_in_dim3A_709 = arith.constant 7 : i32
        %broadcast_in_dim3A_710 = vector.broadcast %broadcast_in_dim3A_709 : i32 to vector<16xi32>
        %gather3A_711 = tpu.vector_load_idx %arg15[%add3A_619, %broadcast_in_dim3A_708] : memref<80x16xf32, #tpu.memory_space<vmem>>[vector<16xi32>, vector<16xi32>], vector<16xf32>,
        %gather3A_712 = tpu.vector_load_idx %arg17[%add3A_619, %broadcast_in_dim3A_710] : memref<80x16xf32, #tpu.memory_space<vmem>>[vector<16xi32>, vector<16xi32>], vector<16xf32>,
        %add3A_713 = arith.addf %gather3A_711, %gather3A_712 : vector<16xf32>
        %mul3A_714 = arith.constant 4 : i32
        %mul3A_715 = vector.broadcast %mul3A_714 : i32 to vector<16xi32>
        %mul3A_716 = arith.muli %add3A_619, %mul3A_715 : vector<16xi32>
        %add3A_717 = arith.constant 3 : i32
        %add3A_718 = vector.broadcast %add3A_717 : i32 to vector<16xi32>
        %add3A_719 = arith.addi %mul3A_716, %add3A_718 : vector<16xi32>
        %gather3A_720 = tpu.vector_load_idx %arg13[%add3A_719] : memref<320xf32, #tpu.memory_space<vmem>>[vector<16xi32>], vector<16xf32>,
        %add3A_721 = arith.addf %add3A_713, %gather3A_720 : vector<16xf32>
        %gt3A_722 = arith.constant 0.000000e+00 : f32
        %gt3A_723 = vector.broadcast %gt3A_722 : f32 to vector<16xf32>
        %gt3A_724 = arith.cmpf ogt, %add3A_721, %gt3A_723 : vector<16xf32>
        %mul3A_725 = arith.constant 0.00999999977 : f32
        %mul3A_726 = vector.broadcast %mul3A_725 : f32 to vector<16xf32>
        %mul3A_727 = arith.mulf %mul3A_726, %add3A_721 : vector<16xf32>
        %select_n3A_728 = arith.select %gt3A_724, %add3A_721, %mul3A_727 : vector<16xi1>, vector<16xf32>
        %mul3A_729 = arith.constant 4 : i32
        %mul3A_730 = vector.broadcast %mul3A_729 : i32 to vector<16xi32>
        %mul3A_731 = arith.muli %add3A_619, %mul3A_730 : vector<16xi32>
        %add3A_732 = arith.constant 3 : i32
        %add3A_733 = vector.broadcast %add3A_732 : i32 to vector<16xi32>
        %add3A_734 = arith.addi %mul3A_731, %add3A_733 : vector<16xi32>
        %exp3A_735 = math.exp %select_n3A_728 : vector<16xf32>
        tpu.vector_store_idx %arg18[%add3A_734], %exp3A_735 : memref<336xf32, #tpu.memory_space<vmem>>[vector<16xi32>], vector<16xf32>,
        %parallel_loop3A = arith.constant 0 : i32
        %parallel_loop3A_736 = arith.constant 80 : i32
        %parallel_loop3A_737 = arith.constant 1 : i32
        scf.for %parallel_loop3A_745 = %parallel_loop3A to %parallel_loop3A_736 step %parallel_loop3A_737  : i32 {
          %parallel_loop3A_746 = arith.constant 4 : i32
          %parallel_loop3A_747 = arith.muli %parallel_loop3A_745, %parallel_loop3A_746 : i32
          %parallel_loop3A_748 = arith.index_cast %parallel_loop3A_747 : i32 to index
          %parallel_loop3A_749 = tpu.vector_load %arg18[%parallel_loop3A_748] {strides = array<i32>} : memref<336xf32, #tpu.memory_space<vmem>>, vector<16xf32>,
          %parallel_loop3A_750 = vector.extract_strided_slice %parallel_loop3A_749 {offsets = [0], sizes = [1], strides = [1]} : vector<16xf32> to vector<1xf32>
          %parallel_loop3A_751 = vector.extract %parallel_loop3A_750[0] : f32 from vector<1xf32>
          %parallel_loop3A_752 = arith.index_cast %parallel_loop3A_745 : i32 to index
          %parallel_loop3A_753 = arith.constant 0 : index
          %parallel_loop3A_754 = tpu.vector_load %arg20[%parallel_loop3A_752, %parallel_loop3A_753] {strides = array<i32>} : memref<80x128xf32, #tpu.memory_space<vmem>>, vector<16xf32>,
          %parallel_loop3A_755 = vector.broadcast %parallel_loop3A_751 : f32 to vector<16xf32>
          %parallel_loop3A_756 = arith.mulf %parallel_loop3A_754, %parallel_loop3A_755 : vector<16xf32>
          %parallel_loop3A_757 = arith.index_cast %parallel_loop3A_745 : i32 to index
          %parallel_loop3A_758 = arith.constant 0 : index
          %parallel_loop3A_759 = tpu.vector_load %arg21[%parallel_loop3A_757, %parallel_loop3A_758] {strides = array<i32>} : memref<80x144xf32, #tpu.memory_space<vmem>>, vector<16xf32>,
          tpu.vector_store %arg21[%parallel_loop3A_757, %parallel_loop3A_758], %parallel_loop3A_756 {strides = array<i32>} : memref<80x144xf32, #tpu.memory_space<vmem>>, vector<16xf32>,
          %parallel_loop3A_760 = vector.extract_strided_slice %parallel_loop3A_749 {offsets = [0], sizes = [1], strides = [1]} : vector<16xf32> to vector<1xf32>
          %parallel_loop3A_761 = vector.extract %parallel_loop3A_760[0] : f32 from vector<1xf32>
          %parallel_loop3A_762 = arith.index_cast %parallel_loop3A_745 : i32 to index
          %parallel_loop3A_763 = arith.constant 16 : index
          %parallel_loop3A_764 = tpu.vector_load %arg20[%parallel_loop3A_762, %parallel_loop3A_763] {strides = array<i32>} : memref<80x128xf32, #tpu.memory_space<vmem>>, vector<16xf32>,
          %parallel_loop3A_765 = vector.broadcast %parallel_loop3A_761 : f32 to vector<16xf32>
          %parallel_loop3A_766 = arith.mulf %parallel_loop3A_764, %parallel_loop3A_765 : vector<16xf32>
          %parallel_loop3A_767 = arith.index_cast %parallel_loop3A_745 : i32 to index
          %parallel_loop3A_768 = arith.constant 16 : index
          %parallel_loop3A_769 = tpu.vector_load %arg21[%parallel_loop3A_767, %parallel_loop3A_768] {strides = array<i32>} : memref<80x144xf32, #tpu.memory_space<vmem>>, vector<16xf32>,
          tpu.vector_store %arg21[%parallel_loop3A_767, %parallel_loop3A_768], %parallel_loop3A_766 {strides = array<i32>} : memref<80x144xf32, #tpu.memory_space<vmem>>, vector<16xf32>,
          %parallel_loop3A_770 = vector.extract_strided_slice %parallel_loop3A_749 {offsets = [1], sizes = [1], strides = [1]} : vector<16xf32> to vector<1xf32>
          %parallel_loop3A_771 = vector.extract %parallel_loop3A_770[0] : f32 from vector<1xf32>
          %parallel_loop3A_772 = arith.index_cast %parallel_loop3A_745 : i32 to index
          %parallel_loop3A_773 = arith.constant 32 : index
          %parallel_loop3A_774 = tpu.vector_load %arg20[%parallel_loop3A_772, %parallel_loop3A_773] {strides = array<i32>} : memref<80x128xf32, #tpu.memory_space<vmem>>, vector<16xf32>,
          %parallel_loop3A_775 = vector.broadcast %parallel_loop3A_771 : f32 to vector<16xf32>
          %parallel_loop3A_776 = arith.mulf %parallel_loop3A_774, %parallel_loop3A_775 : vector<16xf32>
          %parallel_loop3A_777 = arith.index_cast %parallel_loop3A_745 : i32 to index
          %parallel_loop3A_778 = arith.constant 32 : index
          %parallel_loop3A_779 = tpu.vector_load %arg21[%parallel_loop3A_777, %parallel_loop3A_778] {strides = array<i32>} : memref<80x144xf32, #tpu.memory_space<vmem>>, vector<16xf32>,
          tpu.vector_store %arg21[%parallel_loop3A_777, %parallel_loop3A_778], %parallel_loop3A_776 {strides = array<i32>} : memref<80x144xf32, #tpu.memory_space<vmem>>, vector<16xf32>,
          %parallel_loop3A_780 = vector.extract_strided_slice %parallel_loop3A_749 {offsets = [1], sizes = [1], strides = [1]} : vector<16xf32> to vector<1xf32>
          %parallel_loop3A_781 = vector.extract %parallel_loop3A_780[0] : f32 from vector<1xf32>
          %parallel_loop3A_782 = arith.index_cast %parallel_loop3A_745 : i32 to index
          %parallel_loop3A_783 = arith.constant 48 : index
          %parallel_loop3A_784 = tpu.vector_load %arg20[%parallel_loop3A_782, %parallel_loop3A_783] {strides = array<i32>} : memref<80x128xf32, #tpu.memory_space<vmem>>, vector<16xf32>,
          %parallel_loop3A_785 = vector.broadcast %parallel_loop3A_781 : f32 to vector<16xf32>
          %parallel_loop3A_786 = arith.mulf %parallel_loop3A_784, %parallel_loop3A_785 : vector<16xf32>
          %parallel_loop3A_787 = arith.index_cast %parallel_loop3A_745 : i32 to index
          %parallel_loop3A_788 = arith.constant 48 : index
          %parallel_loop3A_789 = tpu.vector_load %arg21[%parallel_loop3A_787, %parallel_loop3A_788] {strides = array<i32>} : memref<80x144xf32, #tpu.memory_space<vmem>>, vector<16xf32>,
          tpu.vector_store %arg21[%parallel_loop3A_787, %parallel_loop3A_788], %parallel_loop3A_786 {strides = array<i32>} : memref<80x144xf32, #tpu.memory_space<vmem>>, vector<16xf32>,
          %parallel_loop3A_790 = vector.extract_strided_slice %parallel_loop3A_749 {offsets = [2], sizes = [1], strides = [1]} : vector<16xf32> to vector<1xf32>
          %parallel_loop3A_791 = vector.extract %parallel_loop3A_790[0] : f32 from vector<1xf32>
          %parallel_loop3A_792 = arith.index_cast %parallel_loop3A_745 : i32 to index
          %parallel_loop3A_793 = arith.constant 64 : index
          %parallel_loop3A_794 = tpu.vector_load %arg20[%parallel_loop3A_792, %parallel_loop3A_793] {strides = array<i32>} : memref<80x128xf32, #tpu.memory_space<vmem>>, vector<16xf32>,
          %parallel_loop3A_795 = vector.broadcast %parallel_loop3A_791 : f32 to vector<16xf32>
          %parallel_loop3A_796 = arith.mulf %parallel_loop3A_794, %parallel_loop3A_795 : vector<16xf32>
          %parallel_loop3A_797 = arith.index_cast %parallel_loop3A_745 : i32 to index
          %parallel_loop3A_798 = arith.constant 64 : index
          %parallel_loop3A_799 = tpu.vector_load %arg21[%parallel_loop3A_797, %parallel_loop3A_798] {strides = array<i32>} : memref<80x144xf32, #tpu.memory_space<vmem>>, vector<16xf32>,
          tpu.vector_store %arg21[%parallel_loop3A_797, %parallel_loop3A_798], %parallel_loop3A_796 {strides = array<i32>} : memref<80x144xf32, #tpu.memory_space<vmem>>, vector<16xf32>,
          %parallel_loop3A_800 = vector.extract_strided_slice %parallel_loop3A_749 {offsets = [2], sizes = [1], strides = [1]} : vector<16xf32> to vector<1xf32>
          %parallel_loop3A_801 = vector.extract %parallel_loop3A_800[0] : f32 from vector<1xf32>
          %parallel_loop3A_802 = arith.index_cast %parallel_loop3A_745 : i32 to index
          %parallel_loop3A_803 = arith.constant 80 : index
          %parallel_loop3A_804 = tpu.vector_load %arg20[%parallel_loop3A_802, %parallel_loop3A_803] {strides = array<i32>} : memref<80x128xf32, #tpu.memory_space<vmem>>, vector<16xf32>,
          %parallel_loop3A_805 = vector.broadcast %parallel_loop3A_801 : f32 to vector<16xf32>
          %parallel_loop3A_806 = arith.mulf %parallel_loop3A_804, %parallel_loop3A_805 : vector<16xf32>
          %parallel_loop3A_807 = arith.index_cast %parallel_loop3A_745 : i32 to index
          %parallel_loop3A_808 = arith.constant 80 : index
          %parallel_loop3A_809 = tpu.vector_load %arg21[%parallel_loop3A_807, %parallel_loop3A_808] {strides = array<i32>} : memref<80x144xf32, #tpu.memory_space<vmem>>, vector<16xf32>,
          tpu.vector_store %arg21[%parallel_loop3A_807, %parallel_loop3A_808], %parallel_loop3A_806 {strides = array<i32>} : memref<80x144xf32, #tpu.memory_space<vmem>>, vector<16xf32>,
          %parallel_loop3A_810 = vector.extract_strided_slice %parallel_loop3A_749 {offsets = [3], sizes = [1], strides = [1]} : vector<16xf32> to vector<1xf32>
          %parallel_loop3A_811 = vector.extract %parallel_loop3A_810[0] : f32 from vector<1xf32>
          %parallel_loop3A_812 = arith.index_cast %parallel_loop3A_745 : i32 to index
          %parallel_loop3A_813 = arith.constant 96 : index
          %parallel_loop3A_814 = tpu.vector_load %arg20[%parallel_loop3A_812, %parallel_loop3A_813] {strides = array<i32>} : memref<80x128xf32, #tpu.memory_space<vmem>>, vector<16xf32>,
          %parallel_loop3A_815 = vector.broadcast %parallel_loop3A_811 : f32 to vector<16xf32>
          %parallel_loop3A_816 = arith.mulf %parallel_loop3A_814, %parallel_loop3A_815 : vector<16xf32>
          %parallel_loop3A_817 = arith.index_cast %parallel_loop3A_745 : i32 to index
          %parallel_loop3A_818 = arith.constant 96 : index
          %parallel_loop3A_819 = tpu.vector_load %arg21[%parallel_loop3A_817, %parallel_loop3A_818] {strides = array<i32>} : memref<80x144xf32, #tpu.memory_space<vmem>>, vector<16xf32>,
          tpu.vector_store %arg21[%parallel_loop3A_817, %parallel_loop3A_818], %parallel_loop3A_816 {strides = array<i32>} : memref<80x144xf32, #tpu.memory_space<vmem>>, vector<16xf32>,
          %parallel_loop3A_820 = vector.extract_strided_slice %parallel_loop3A_749 {offsets = [3], sizes = [1], strides = [1]} : vector<16xf32> to vector<1xf32>
          %parallel_loop3A_821 = vector.extract %parallel_loop3A_820[0] : f32 from vector<1xf32>
          %parallel_loop3A_822 = arith.index_cast %parallel_loop3A_745 : i32 to index
          %parallel_loop3A_823 = arith.constant 112 : index
          %parallel_loop3A_824 = tpu.vector_load %arg20[%parallel_loop3A_822, %parallel_loop3A_823] {strides = array<i32>} : memref<80x128xf32, #tpu.memory_space<vmem>>, vector<16xf32>,
          %parallel_loop3A_825 = vector.broadcast %parallel_loop3A_821 : f32 to vector<16xf32>
          %parallel_loop3A_826 = arith.mulf %parallel_loop3A_824, %parallel_loop3A_825 : vector<16xf32>
          %parallel_loop3A_827 = arith.index_cast %parallel_loop3A_745 : i32 to index
          %parallel_loop3A_828 = arith.constant 112 : index
          %parallel_loop3A_829 = tpu.vector_load %arg21[%parallel_loop3A_827, %parallel_loop3A_828] {strides = array<i32>} : memref<80x144xf32, #tpu.memory_space<vmem>>, vector<16xf32>,
          tpu.vector_store %arg21[%parallel_loop3A_827, %parallel_loop3A_828], %parallel_loop3A_826 {strides = array<i32>} : memref<80x144xf32, #tpu.memory_space<vmem>>, vector<16xf32>,
          %parallel_loop3A_830 = arith.constant 4 : i32
          %parallel_loop3A_831 = vector.broadcast %parallel_loop3A_830 : i32 to vector<16xi32>
          %parallel_loop3A_832 = arith.cmpi slt, %iota3A, %parallel_loop3A_831 : vector<16xi32>
          %parallel_loop3A_833 = arith.constant 0.000000e+00 : f32
          %parallel_loop3A_834 = vector.broadcast %parallel_loop3A_833 : f32 to vector<16xf32>
          %parallel_loop3A_835 = arith.select %parallel_loop3A_832, %parallel_loop3A_749, %parallel_loop3A_834 : vector<16xi1>, vector<16xf32>
          %parallel_loop3A_836 = arith.index_cast %parallel_loop3A_745 : i32 to index
          %parallel_loop3A_837 = arith.constant 128 : index
          %parallel_loop3A_838 = tpu.vector_load %arg21[%parallel_loop3A_836, %parallel_loop3A_837] {strides = array<i32>} : memref<80x144xf32, #tpu.memory_space<vmem>>, vector<16xf32>,
          tpu.vector_store %arg21[%parallel_loop3A_836, %parallel_loop3A_837], %parallel_loop3A_835 {strides = array<i32>} : memref<80x144xf32, #tpu.memory_space<vmem>>, vector<16xf32>,
        } {sc.loop_unroll_factor = 4 : i64, sc.parallel_access}
        "tpu.region"() ({
          %run_scoped3A = tpu.sem_alloc : memref<!tpu.dma_semaphore, #tpu.memory_space<semaphore_mem>>
          %dma_start3A_745 = arith.constant 0 : i32
          %dma_start3A_746 = arith.constant 0 : i32
          %dma_start3A_747 = tpu.memref_slice %arg22[%dma_start3A_745, %dma_start3A_746] : memref<10000x144xf32, #tpu.memory_space<vmem_shared>> -> memref<10000x144xf32, #tpu.memory_space<vmem_shared>>
          tpu.enqueue_indirect_dma source(%arg21 : memref<80x144xf32, #tpu.memory_space<vmem>>) target(%dma_start3A_747 : memref<10000x144xf32, #tpu.memory_space<vmem_shared>>) offsets(%arg11 : memref<80xi32, #tpu.memory_space<vmem>>) semaphore(%run_scoped3A : memref<!tpu.dma_semaphore, #tpu.memory_space<semaphore_mem>>) {add = true}
          %dma_wait3A_748 = arith.constant 0 : i32
          %dma_wait3A_749 = arith.constant 0 : i32
          %dma_wait3A_750 = tpu.memref_slice %arg22[%dma_wait3A_748, %dma_wait3A_749] : memref<10000x144xf32, #tpu.memory_space<vmem_shared>> -> memref<10000x144xf32, #tpu.memory_space<vmem_shared>>
          tpu.wait_indirect_dma semaphore(%run_scoped3A : memref<!tpu.dma_semaphore, #tpu.memory_space<semaphore_mem>>) src(%arg21 : memref<80x144xf32, #tpu.memory_space<vmem>>) dst(%dma_wait3A_750 : memref<10000x144xf32, #tpu.memory_space<vmem_shared>>)
          tpu.yield
        }) : () -> ()
        %add3A_738 = arith.constant 2 : i32
        %add3A_739 = arith.addi %scan3A_94, %add3A_738 : i32
        %lt3A_740 = arith.constant 125 : i32
        %lt3A_741 = arith.cmpi slt, %add3A_739, %lt3A_740 : i32
        %convert_element_type3A_742 = arith.extui %lt3A_741 : i1 to i32
        %cond3A_743 = arith.constant 0 : i32
        %cond3A_744 = arith.cmpi ne, %convert_element_type3A_742, %cond3A_743 : i32
        scf.if %cond3A_744 {
          %add3A_745 = arith.constant 2 : i32
          %add3A_746 = arith.addi %scan3A_94, %add3A_745 : i32
          %mul3A_747 = arith.constant 10000 : i32
          %mul3A_748 = arith.muli %add3A, %mul3A_747 : i32
          %mul3A_749 = arith.constant 80 : i32
          %mul3A_750 = arith.muli %add3A_746, %mul3A_749 : i32
          %add3A_751 = arith.addi %mul3A_748, %mul3A_750 : i32
          %dma_start3A_752 = tpu.memref_slice %arg5[%add3A_751] : memref<320000xi32, #tpu.memory_space<hbm>> -> memref<80xi32, #tpu.memory_space<hbm>>
          %dma_start3A_753 = tpu.memref_slice %arg5[%add3A_751] : memref<320000xi32, #tpu.memory_space<hbm>> -> memref<80xi32, #tpu.memory_space<hbm>>
          tpu.enqueue_dma source(%dma_start3A_753 : memref<80xi32, #tpu.memory_space<hbm>>) target(%arg9 : memref<80xi32, #tpu.memory_space<vmem>>) target_semaphore(%arg26 : memref<!tpu.dma_semaphore, #tpu.memory_space<semaphore_mem>>)
          %dma_start3A_754 = tpu.memref_slice %arg6[%add3A_751] : memref<320000xi32, #tpu.memory_space<hbm>> -> memref<80xi32, #tpu.memory_space<hbm>>
          %dma_start3A_755 = tpu.memref_slice %arg6[%add3A_751] : memref<320000xi32, #tpu.memory_space<hbm>> -> memref<80xi32, #tpu.memory_space<hbm>>
          tpu.enqueue_dma source(%dma_start3A_755 : memref<80xi32, #tpu.memory_space<hbm>>) target(%arg11 : memref<80xi32, #tpu.memory_space<vmem>>) target_semaphore(%arg26 : memref<!tpu.dma_semaphore, #tpu.memory_space<semaphore_mem>>)
          %mul3A_756 = arith.constant 4 : i32
          %mul3A_757 = arith.muli %add3A_751, %mul3A_756 : i32
          %dma_start3A_758 = tpu.memref_slice %arg4[%mul3A_757] : memref<1280000xf32, #tpu.memory_space<hbm>> -> memref<320xf32, #tpu.memory_space<hbm>>
          %dma_start3A_759 = tpu.memref_slice %arg4[%mul3A_757] : memref<1280000xf32, #tpu.memory_space<hbm>> -> memref<320xf32, #tpu.memory_space<hbm>>
          tpu.enqueue_dma source(%dma_start3A_759 : memref<320xf32, #tpu.memory_space<hbm>>) target(%arg13 : memref<320xf32, #tpu.memory_space<vmem>>) target_semaphore(%arg26 : memref<!tpu.dma_semaphore, #tpu.memory_space<semaphore_mem>>)
        } else {
        }
      } else {
      }
    }
    %scan3A_87 = arith.constant 125 : i32
    %barrier3A_88 = arith.constant 0 : index
    tpu.barrier barrier_id(%barrier3A_88)
    %mul3A_89 = arith.constant 625 : i32
    %mul3A_90 = arith.muli %arg1, %mul3A_89 : i32
    %mul3A_91 = arith.constant 625 : i32
    %mul3A_92 = arith.muli %arg1, %mul3A_91 : i32
    "tpu.region"() ({
      %run_scoped3A = tpu.sem_alloc : memref<!tpu.dma_semaphore, #tpu.memory_space<semaphore_mem>>
      %dma_start3A_94 = arith.constant 0 : i32
      %dma_start3A_95 = tpu.memref_slice %arg7[%arg0, %mul3A_92, %dma_start3A_94] : memref<2x10000x144xf32, #tpu.memory_space<hbm>> -> memref<1x625x144xf32, #tpu.memory_space<hbm>>
      %dma_start3A_96 = tpu.memref_squeeze %dma_start3A_95 : memref<1x625x144xf32, #tpu.memory_space<hbm>> -> memref<625x144xf32, #tpu.memory_space<hbm>>
      %dma_start3A_97 = arith.constant 0 : i32
      %dma_start3A_98 = tpu.memref_slice %arg22[%mul3A_90, %dma_start3A_97] : memref<10000x144xf32, #tpu.memory_space<vmem_shared>> -> memref<625x144xf32, #tpu.memory_space<vmem_shared>>
      tpu.enqueue_dma source(%dma_start3A_98 : memref<625x144xf32, #tpu.memory_space<vmem_shared>>) target(%dma_start3A_96 : memref<625x144xf32, #tpu.memory_space<hbm>>) target_semaphore(%run_scoped3A : memref<!tpu.dma_semaphore, #tpu.memory_space<semaphore_mem>>)
      %dma_wait3A_99 = arith.constant 0 : i32
      %dma_wait3A_100 = tpu.memref_slice %arg7[%arg0, %mul3A_92, %dma_wait3A_99] : memref<2x10000x144xf32, #tpu.memory_space<hbm>> -> memref<1x625x144xf32, #tpu.memory_space<hbm>>
      %dma_wait3A_101 = tpu.memref_squeeze %dma_wait3A_100 : memref<1x625x144xf32, #tpu.memory_space<hbm>> -> memref<625x144xf32, #tpu.memory_space<hbm>>
      %dma_wait3A_102 = arith.constant 0 : i32
      %dma_wait3A_103 = tpu.memref_slice %arg22[%mul3A_90, %dma_wait3A_102] : memref<10000x144xf32, #tpu.memory_space<vmem_shared>> -> memref<625x144xf32, #tpu.memory_space<vmem_shared>>
      tpu.wait_dma2 semaphore(%run_scoped3A : memref<!tpu.dma_semaphore, #tpu.memory_space<semaphore_mem>>) src(%dma_wait3A_103 : memref<625x144xf32, #tpu.memory_space<vmem_shared>>) dst(%dma_wait3A_101 : memref<625x144xf32, #tpu.memory_space<hbm>>)
      tpu.yield
    }) : () -> ()
    %barrier3A_93 = arith.constant 0 : index
    tpu.barrier barrier_id(%barrier3A_93)
    return
  }
}

module attributes {stable_mosaic.version = 14 : i64} {
  func.func @body(%arg0: i32, %arg1: memref<2000x128xf32, #tpu.memory_space<vmem>>, %arg2: memref<128x128xf32, #tpu.memory_space<vmem>>, %arg3: memref<128x16xf32, #tpu.memory_space<vmem>>, %arg4: memref<2000x128xf32, #tpu.memory_space<vmem>>, %arg5: memref<2000x16xf32, #tpu.memory_space<vmem>>) attributes {dimension_semantics = [#tpu.dimension_semantics<arbitrary>], iteration_bounds = array<i64: 5>, scalar_prefetch = 0 : i64, scratch_operands = 0 : i64, tpu.core_type = #tpu.core_type<tc>, window_params = [{transform_indices = @transform_0, window_bounds = array<i64: 2000, 128>}, {pipeline_mode = #tpu.pipeline_mode<synchronous>, transform_indices = @transform_1, window_bounds = array<i64: 128, 128>}, {pipeline_mode = #tpu.pipeline_mode<synchronous>, transform_indices = @transform_2, window_bounds = array<i64: 128, 16>}, {transform_indices = @transform_3, window_bounds = array<i64: 2000, 128>}, {transform_indices = @transform_4, window_bounds = array<i64: 2000, 16>}]} {
    %get3A = arith.constant 0 : index
    %get3A_0 = arith.constant 0 : index
    %get3A_1 = vector.load %arg1[%get3A, %get3A_0] : memref<2000x128xf32, #tpu.memory_space<vmem>>, vector<2000x128xf32>
    %get3A_2 = arith.constant 0 : index
    %get3A_3 = arith.constant 0 : index
    %get3A_4 = vector.load %arg2[%get3A_2, %get3A_3] : memref<128x128xf32, #tpu.memory_space<vmem>>, vector<128x128xf32>
    %dot_general3A = arith.constant dense<0.000000e+00> : vector<2000x128xf32>
    %dot_general3A_5 = tpu.matmul %get3A_1, %get3A_4, %dot_general3A {dimension_numbers = #tpu.dot_dimension_numbers<[1], [0], [0], [1], [0, 0, 1, 1], [], []>, transpose_lhs_hint = false} : vector<2000x128xf32>, vector<128x128xf32>, vector<2000x128xf32> -> vector<2000x128xf32>
    %swap3A = arith.constant 0 : index
    %swap3A_6 = arith.constant 0 : index
    %swap3A_7 = vector.load %arg4[%swap3A, %swap3A_6] : memref<2000x128xf32, #tpu.memory_space<vmem>>, vector<2000x128xf32>
    tpu.vector_store %arg4[%swap3A, %swap3A_6], %dot_general3A_5 {strides = array<i32>} : memref<2000x128xf32, #tpu.memory_space<vmem>>, vector<2000x128xf32>,
    %get3A_8 = arith.constant 0 : index
    %get3A_9 = arith.constant 0 : index
    %get3A_10 = vector.load %arg3[%get3A_8, %get3A_9] : memref<128x16xf32, #tpu.memory_space<vmem>>, vector<128x16xf32>
    %dot_general3A_11 = arith.constant dense<0.000000e+00> : vector<2000x16xf32>
    %dot_general3A_12 = tpu.matmul %dot_general3A_5, %get3A_10, %dot_general3A_11 {dimension_numbers = #tpu.dot_dimension_numbers<[1], [0], [0], [1], [0, 0, 1, 1], [], []>, transpose_lhs_hint = false} : vector<2000x128xf32>, vector<128x16xf32>, vector<2000x16xf32> -> vector<2000x16xf32>
    %swap3A_13 = arith.constant 0 : index
    %swap3A_14 = arith.constant 0 : index
    %swap3A_15 = vector.load %arg5[%swap3A_13, %swap3A_14] : memref<2000x16xf32, #tpu.memory_space<vmem>>, vector<2000x16xf32>
    tpu.vector_store %arg5[%swap3A_13, %swap3A_14], %dot_general3A_12 {strides = array<i32>} : memref<2000x16xf32, #tpu.memory_space<vmem>>, vector<2000x16xf32>,
    return
  }
  func.func @transform_0(%arg0: i32) -> (i32, i32) {
    %c0_i32 = arith.constant 0 : i32
    %c0_i32_0 = arith.constant 0 : i32
    return %arg0, %c0_i32 : i32, i32
  }
  func.func @transform_1(%arg0: i32) -> (i32, i32) {
    %c0_i32 = arith.constant 0 : i32
    %c0_i32_0 = arith.constant 0 : i32
    %c0_i32_1 = arith.constant 0 : i32
    return %c0_i32, %c0_i32_0 : i32, i32
  }
  func.func @transform_2(%arg0: i32) -> (i32, i32) {
    %c0_i32 = arith.constant 0 : i32
    %c0_i32_0 = arith.constant 0 : i32
    %c0_i32_1 = arith.constant 0 : i32
    return %c0_i32, %c0_i32_0 : i32, i32
  }
  func.func @transform_3(%arg0: i32) -> (i32, i32) {
    %c0_i32 = arith.constant 0 : i32
    %c0_i32_0 = arith.constant 0 : i32
    return %arg0, %c0_i32 : i32, i32
  }
  func.func @transform_4(%arg0: i32) -> (i32, i32) {
    %c0_i32 = arith.constant 0 : i32
    %c0_i32_0 = arith.constant 0 : i32
    return %arg0, %c0_i32 : i32, i32
  }
}

module attributes {stable_mosaic.version = 14 : i64} {
  func.func @body(%arg0: i32, %arg1: memref<16000x16xf32, #tpu.memory_space<vmem>>, %arg2: memref<16x128xf32, #tpu.memory_space<vmem>>, %arg3: memref<1x128xf32, #tpu.memory_space<vmem>>, %arg4: memref<16000x4xf32, #tpu.memory_space<vmem>>) attributes {dimension_semantics = [#tpu.dimension_semantics<arbitrary>], iteration_bounds = array<i64: 20>, scalar_prefetch = 0 : i64, scratch_operands = 0 : i64, tpu.core_type = #tpu.core_type<tc>, window_params = [{transform_indices = @transform_0, window_bounds = array<i64: 16000, 16>}, {pipeline_mode = #tpu.pipeline_mode<synchronous>, transform_indices = @transform_1, window_bounds = array<i64: 16, 128>}, {pipeline_mode = #tpu.pipeline_mode<synchronous>, transform_indices = @transform_2, window_bounds = array<i64: 1, 128>}, {transform_indices = @transform_3, window_bounds = array<i64: 16000, 4>}]} {
    %get3A = arith.constant 0 : index
    %get3A_0 = arith.constant 0 : index
    %get3A_1 = vector.load %arg2[%get3A, %get3A_0] : memref<16x128xf32, #tpu.memory_space<vmem>>, vector<16x128xf32>
    %get3A_2 = arith.constant 0 : index
    %get3A_3 = arith.constant 0 : index
    %get3A_4 = vector.load %arg3[%get3A_2, %get3A_3] : memref<1x128xf32, #tpu.memory_space<vmem>>, vector<1x128xf32>
    %mul3A = vector.broadcast %get3A_4 : vector<1x128xf32> to vector<16x128xf32>
    %mul3A_5 = arith.mulf %get3A_1, %mul3A : vector<16x128xf32>
    %get3A_6 = arith.constant 0 : index
    %get3A_7 = arith.constant 0 : index
    %get3A_8 = vector.load %arg1[%get3A_6, %get3A_7] : memref<16000x16xf32, #tpu.memory_space<vmem>>, vector<16000x16xf32>
    %dot_general3A = arith.constant dense<0.000000e+00> : vector<16000x128xf32>
    %dot_general3A_9 = tpu.matmul %get3A_8, %mul3A_5, %dot_general3A {dimension_numbers = #tpu.dot_dimension_numbers<[1], [0], [0], [1], [0, 0, 1, 1], [], []>, transpose_lhs_hint = false} : vector<16000x16xf32>, vector<16x128xf32>, vector<16000x128xf32> -> vector<16000x128xf32>
    %iota3A = tpu.iota {dimensions = array<i32: 0>} : vector<128x4xi32>
    %iota3A_10 = tpu.iota {dimensions = array<i32: 1>} : vector<128x4xi32>
    %jit3A = arith.constant 32 : i32
    %div3A = vector.broadcast %jit3A : i32 to vector<128x4xi32>
    %div3A_11 = arith.divsi %iota3A, %div3A : vector<128x4xi32>
    %sign3A = arith.constant 0 : i32
    %sign3A_12 = vector.broadcast %sign3A : i32 to vector<128x4xi32>
    %sign3A_13 = arith.cmpi sgt, %iota3A, %sign3A_12 : vector<128x4xi32>
    %sign3A_14 = arith.extui %sign3A_13 : vector<128x4xi1> to vector<128x4xi32>
    %sign3A_15 = arith.constant 0 : i32
    %sign3A_16 = vector.broadcast %sign3A_15 : i32 to vector<128x4xi32>
    %sign3A_17 = arith.cmpi slt, %iota3A, %sign3A_16 : vector<128x4xi32>
    %sign3A_18 = arith.extui %sign3A_17 : vector<128x4xi1> to vector<128x4xi32>
    %sign3A_19 = arith.subi %sign3A_14, %sign3A_18 : vector<128x4xi32>
    %sign3A_20 = arith.constant 0 : i32
    %sign3A_21 = arith.cmpi sgt, %jit3A, %sign3A_20 : i32
    %sign3A_22 = arith.extui %sign3A_21 : i1 to i32
    %sign3A_23 = arith.constant 0 : i32
    %sign3A_24 = arith.cmpi slt, %jit3A, %sign3A_23 : i32
    %sign3A_25 = arith.extui %sign3A_24 : i1 to i32
    %sign3A_26 = arith.subi %sign3A_22, %sign3A_25 : i32
    %ne3A = vector.broadcast %sign3A_26 : i32 to vector<128x4xi32>
    %ne3A_27 = arith.cmpi ne, %sign3A_19, %ne3A : vector<128x4xi32>
    %rem3A = vector.broadcast %jit3A : i32 to vector<128x4xi32>
    %rem3A_28 = arith.remsi %iota3A, %rem3A : vector<128x4xi32>
    %ne3A_29 = arith.constant 0 : i32
    %ne3A_30 = vector.broadcast %ne3A_29 : i32 to vector<128x4xi32>
    %ne3A_31 = arith.cmpi ne, %rem3A_28, %ne3A_30 : vector<128x4xi32>
    %and3A = arith.andi %ne3A_27, %ne3A_31 : vector<128x4xi1>
    %sub3A = arith.constant 1 : i32
    %sub3A_32 = vector.broadcast %sub3A : i32 to vector<128x4xi32>
    %sub3A_33 = arith.subi %div3A_11, %sub3A_32 : vector<128x4xi32>
    %select_n3A = arith.select %and3A, %sub3A_33, %div3A_11 : vector<128x4xi1>, vector<128x4xi32>
    %eq3A = arith.cmpi eq, %select_n3A, %iota3A_10 : vector<128x4xi32>
    %convert_element_type3A = arith.extui %eq3A : vector<128x4xi1> to vector<128x4xi32>
    %convert_element_type3A_34 = arith.sitofp %convert_element_type3A : vector<128x4xi32> to vector<128x4xf32>
    %dot_general3A_35 = arith.constant dense<0.000000e+00> : vector<16000x4xf32>
    %dot_general3A_36 = tpu.matmul %dot_general3A_9, %convert_element_type3A_34, %dot_general3A_35 {dimension_numbers = #tpu.dot_dimension_numbers<[1], [0], [0], [1], [0, 0, 1, 1], [], []>, transpose_lhs_hint = false} : vector<16000x128xf32>, vector<128x4xf32>, vector<16000x4xf32> -> vector<16000x4xf32>
    %swap3A = arith.constant 0 : index
    %swap3A_37 = arith.constant 0 : index
    %swap3A_38 = vector.load %arg4[%swap3A, %swap3A_37] : memref<16000x4xf32, #tpu.memory_space<vmem>>, vector<16000x4xf32>
    tpu.vector_store %arg4[%swap3A, %swap3A_37], %dot_general3A_36 {strides = array<i32>} : memref<16000x4xf32, #tpu.memory_space<vmem>>, vector<16000x4xf32>,
    return
  }
  func.func @transform_0(%arg0: i32) -> (i32, i32) {
    %c0_i32 = arith.constant 0 : i32
    %c0_i32_0 = arith.constant 0 : i32
    return %arg0, %c0_i32 : i32, i32
  }
  func.func @transform_1(%arg0: i32) -> (i32, i32) {
    %c0_i32 = arith.constant 0 : i32
    %c0_i32_0 = arith.constant 0 : i32
    %c0_i32_1 = arith.constant 0 : i32
    return %c0_i32, %c0_i32_0 : i32, i32
  }
  func.func @transform_2(%arg0: i32) -> (i32, i32) {
    %c0_i32 = arith.constant 0 : i32
    %c0_i32_0 = arith.constant 0 : i32
    %c0_i32_1 = arith.constant 0 : i32
    return %c0_i32, %c0_i32_0 : i32, i32
  }
  func.func @transform_3(%arg0: i32) -> (i32, i32) {
    %c0_i32 = arith.constant 0 : i32
    %c0_i32_0 = arith.constant 0 : i32
    return %arg0, %c0_i32 : i32, i32
  }
}

module attributes {stable_mosaic.version = 14 : i64} {
  func.func @body(%arg0: i32, %arg1: memref<2x2000x144xf32, #tpu.memory_space<vmem>>, %arg2: memref<2000x128xf32, #tpu.memory_space<vmem>>) attributes {dimension_semantics = [#tpu.dimension_semantics<arbitrary>], iteration_bounds = array<i64: 5>, scalar_prefetch = 0 : i64, scratch_operands = 0 : i64, tpu.core_type = #tpu.core_type<tc>, window_params = [{transform_indices = @transform_0, window_bounds = array<i64: 2, 2000, 144>}, {transform_indices = @transform_1, window_bounds = array<i64: 2000, 128>}]} {
    %get3A = arith.constant 0 : index
    %get3A_0 = arith.constant 0 : index
    %get3A_1 = arith.constant 0 : index
    %get3A_2 = vector.load %arg1[%get3A, %get3A_0, %get3A_1] : memref<2x2000x144xf32, #tpu.memory_space<vmem>>, vector<1x2000x144xf32>
    %get3A_3 = vector.shape_cast %get3A_2 : vector<1x2000x144xf32> to vector<2000x144xf32>
    %get3A_4 = arith.constant 1 : index
    %get3A_5 = arith.constant 0 : index
    %get3A_6 = arith.constant 0 : index
    %get3A_7 = vector.load %arg1[%get3A_4, %get3A_5, %get3A_6] : memref<2x2000x144xf32, #tpu.memory_space<vmem>>, vector<1x2000x144xf32>
    %get3A_8 = vector.shape_cast %get3A_7 : vector<1x2000x144xf32> to vector<2000x144xf32>
    %add3A = arith.addf %get3A_3, %get3A_8 : vector<2000x144xf32>
    %slice3A = vector.extract_strided_slice %add3A {offsets = [0, 0], sizes = [2000, 128], strides = [1, 1]} : vector<2000x144xf32> to vector<2000x128xf32>
    %slice3A_9 = vector.extract_strided_slice %add3A {offsets = [0, 128], sizes = [2000, 4], strides = [1, 1]} : vector<2000x144xf32> to vector<2000x4xf32>
    %broadcast_in_dim3A = vector.shape_cast %slice3A_9 : vector<2000x4xf32> to vector<2000x4x1xf32>
    %broadcast_in_dim3A_10 = vector.shape_cast %broadcast_in_dim3A : vector<2000x4x1xf32> to vector<2000x4x1xf32>
    %broadcast_in_dim3A_11 = vector.broadcast %broadcast_in_dim3A_10 : vector<2000x4x1xf32> to vector<2000x4x32xf32>
    %reshape3A = vector.shape_cast %broadcast_in_dim3A_11 : vector<2000x4x32xf32> to vector<2000x128xf32>
    %add3A_12 = arith.constant 1.000000e-16 : f32
    %add3A_13 = vector.broadcast %add3A_12 : f32 to vector<2000x128xf32>
    %add3A_14 = arith.addf %reshape3A, %add3A_13 : vector<2000x128xf32>
    %div3A = arith.divf %slice3A, %add3A_14 : vector<2000x128xf32>
    %gt3A = arith.constant 0.000000e+00 : f32
    %gt3A_15 = vector.broadcast %gt3A : f32 to vector<2000x128xf32>
    %gt3A_16 = arith.cmpf ogt, %div3A, %gt3A_15 : vector<2000x128xf32>
    %min3A = arith.constant 0.000000e+00 : f32
    %min3A_17 = vector.broadcast %min3A : f32 to vector<2000x128xf32>
    %min3A_18 = arith.minimumf %div3A, %min3A_17 : vector<2000x128xf32>
    %exp3A = math.exp %min3A_18 : vector<2000x128xf32>
    %sub3A = arith.constant 1.000000e+00 : f32
    %sub3A_19 = vector.broadcast %sub3A : f32 to vector<2000x128xf32>
    %sub3A_20 = arith.subf %exp3A, %sub3A_19 : vector<2000x128xf32>
    %select_n3A = arith.select %gt3A_16, %div3A, %sub3A_20 : vector<2000x128xi1>, vector<2000x128xf32>
    %swap3A = arith.constant 0 : index
    %swap3A_21 = arith.constant 0 : index
    %swap3A_22 = vector.load %arg2[%swap3A, %swap3A_21] : memref<2000x128xf32, #tpu.memory_space<vmem>>, vector<2000x128xf32>
    tpu.vector_store %arg2[%swap3A, %swap3A_21], %select_n3A {strides = array<i32>} : memref<2000x128xf32, #tpu.memory_space<vmem>>, vector<2000x128xf32>,
    return
  }
  func.func @transform_0(%arg0: i32) -> (i32, i32, i32) {
    %c0_i32 = arith.constant 0 : i32
    %c0_i32_0 = arith.constant 0 : i32
    %c0_i32_1 = arith.constant 0 : i32
    return %c0_i32, %arg0, %c0_i32_0 : i32, i32, i32
  }
  func.func @transform_1(%arg0: i32) -> (i32, i32) {
    %c0_i32 = arith.constant 0 : i32
    %c0_i32_0 = arith.constant 0 : i32
    return %arg0, %c0_i32 : i32, i32
  }
}

</mosaic_0001>

<sc_bundles>
// kernel: kernel.6.cloned.1.call-start
scs
__scs_entry_jumppad:
0x0: {  	(pc) =	sbr.rel $0x88, $3  }
0x1: {  	(tag) =	ssettag $0x0;
	lr =	simm.s32 $0x1  }
0x2: {  	[smem:$0x3F99] =	sst lr;
	_ =	strace $0xD0000000  }
0x3: {  	_ = 	snop  }
0x4: {  	_ = 	snop  }
0x5: {  	_ = 	snop  }
0x6: {  	_ = 	snop  }
0x7: {  	_ = 	snop  }
__scs_overlays_trampoline_lowered:
0x8: {  	[smem:$0x3FA8] =	sst s0  }
0x9: {  	[smem:$0x3FA9] =	sst s1  }
0xa: {  	[smem:$0x3FAA] =	sst s2  }
0xb: {  	[smem:$0x3FAB] =	sst s3  }
0xc: {  	[smem:$0x3FAC] =	sst s4  }
0xd: {  	[smem:$0x3FAD] =	sst s5  }
0xe: {  	[smem:$0x3FAE] =	sst s6  }
0xf: {  	[smem:$0x3FAF] =	sst s7  }
0x10: {  	[smem:$0x3FB0] =	sst s8  }
0x11: {  	[smem:$0x3FB1] =	sst s9;
	s0 =	simm.s32 @!p0 $0x0  }
0x12: {  	s1 =	sld [smem:$0x3F97];
	s0 =	simm.s32 @p0 $0x1  }
0x13: {  	[smem:$0x3FB2] =	sst s0;
	s0 =	simm.s32 @!p1 $0x0  }
0x14: {  	s2 =	sld [smem:$0x3F96];
	s0 =	simm.s32 @p1 $0x1  }
0x15: {  	[smem:$0x3FB3] =	sst s0;
	s0 =	simm.s32 @!p2 $0x0  }
0x16: {  	s3 =	sld [smem:$0x3FDB];
	s0 =	simm.s32 @p2 $0x1  }
0x17: {  	s4 =	simm.s32 $0x1BF5;
	[smem:$0x3FB5] =	sst s0  }
0x18: {  	s0 =	sld [smem:$0x3F98];
	_ =	swait.ge [sflag:s4], $0x0  }
0x19: {  	s7 =	sld [smem:$0x3F99]  }
0x1a: {  	s8 =	sadd.s32 $0xFFFFE003, lr  }
0x1b: {  	s9 =	sadd.s32 $0xFFFFFEF7, lr;
	s5 =	simm.s32 $0xFFFFFFFF;
	p2 =	slt.u32 s8, $0xFFFFF086  }
0x1c: {  	p1 =	slt.u32 s9, $0xF7A;
	s5 =	simm.s32 @!p2 $0x0  }
0x1d: {  	s5 =	simm.s32 @p1 $0x1;
	p0 =	seq.s32 s7, s2  }
0x1e: {  	s7 =	smul.u32 @!p0 $0xF7A, s2;
	p2 =	seq.s32 @!p0 s5, $0x0  }
0x1f: {  	s9 =	smul.u32 $0xF7A, s1;
	s8 =	simm.s32 @!p0 $0x1BF5;
	p2 =	por !p2, p0  }
0x20: {  	[sflag:s8] =	ssyncset.s32 @!p0 $0xFFFFF086;
	s6 =	sadd.s32 @!p0 s3, s7;
	s7 =	simm.s32 @!p0 $0x108  }
0x21: {  	s3 =	sadd.s32 s3, s9;
	s6 =	sadd.s32 @!p0 $0x88, s6;
	s7 =	simm.s32 @p2 $0x1082  }
0x22: {  	[simem:s7], [sflag:s8] =	dma.local @!p0 [hbm:s6], $0xF7A  }
0x23: {  	s9 =	sor.u32 $0xD0000000, s2;
	s6 =	simm.s32 $0x108;
	_ =	swait.ge @!p0 [sflag:s8], $0x0  }
0x24: {  	s3 =	sadd.s32 $0x88, s3;
	s6 =	simm.s32 @!p1 $0x1082;
	[sflag:s4] =	ssyncset.s32 $0xFFFFF086  }
0x25: {  	[simem:s6], [sflag:s4] =	dma.local [hbm:s3], $0xF7A  }
0x26: {  	[smem:$0x3F99] =	sst s1;
	(tag) =	ssettag s2;
	_ =	strace s9  }
0x27: {  	s1 =	sld [smem:$0x3FA9]  }
0x28: {  	s2 =	sld [smem:$0x3FAA]  }
0x29: {  	s4 =	sld [smem:$0x3FAC]  }
0x2a: {  	p0 =	seq.s32 s5, $0x0;
	s5 =	sld [smem:$0x3FAD]  }
0x2b: {  	s6 =	sld [smem:$0x3FAE]  }
0x2c: {  	s7 =	sld [smem:$0x3FAF]  }
0x2d: {  	s3 =	simm.s32 $0x108;
	s8 =	sld [smem:$0x3FB0]  }
0x2e: {  	s3 =	simm.s32 @!p0 $0x1082;
	s9 =	sld [smem:$0x3FB1]  }
0x2f: {  	lr =	sadd.s32 s0, s3;
	s0 =	sld [smem:$0x3FA8]  }
0x30: {  	s3 =	sld [smem:$0x3FAB]  }
0x31: {  	[smem:$0x3FB4] =	sst s10  }
0x32: {  	s10 =	sld [smem:$0x3FB2];
	_ =	sdelay $0x3  }
0x33: {  	p0 =	seq.s32 s10, $0x1;
	s10 =	sld [smem:$0x3FB4];
	_ =	sdelay $0x3  }
0x34: {  	[smem:$0x3FB4] =	sst s10  }
0x35: {  	s10 =	sld [smem:$0x3FB3];
	_ =	sdelay $0x3  }
0x36: {  	p1 =	seq.s32 s10, $0x1;
	s10 =	sld [smem:$0x3FB4];
	_ =	sdelay $0x3  }
0x37: {  	[smem:$0x3FB4] =	sst s10  }
0x38: {  	s10 =	sld [smem:$0x3FB5]  }
0x39: {  	_ = 	snop;
	(pc) =	sbr.ind lr, $3  }
0x3a: {  	_ = 	snop  }
0x3b: {  	_ = 	snop  }
0x3c: {  	p2 =	seq.s32 s10, $0x1;
	s10 =	sld [smem:$0x3FB4]  }
0x3d: {  	_ =	shalt  }
0x3e: {  	_ =	shalt  }
0x3f: {  	_ =	shalt  }
0x40: {  	_ =	shalt  }
0x41: {  	_ =	shalt  }
0x42: {  	_ =	shalt  }
0x43: {  	_ =	shalt  }
0x44: {  	_ =	shalt  }
0x45: {  	_ =	shalt  }
0x46: {  	_ =	shalt  }
0x47: {  	_ =	shalt  }
0x48: {  	_ =	shalt  }
0x49: {  	_ =	shalt  }
0x4a: {  	_ =	shalt  }
0x4b: {  	_ =	shalt  }
0x4c: {  	_ =	shalt  }
0x4d: {  	_ =	shalt  }
0x4e: {  	_ =	shalt  }
0x4f: {  	_ =	shalt  }
0x50: {  	_ =	shalt  }
0x51: {  	_ =	shalt  }
0x52: {  	_ =	shalt  }
0x53: {  	_ =	shalt  }
0x54: {  	_ =	shalt  }
0x55: {  	_ =	shalt  }
0x56: {  	_ =	shalt  }
0x57: {  	_ =	shalt  }
0x58: {  	_ =	shalt  }
0x59: {  	_ =	shalt  }
0x5a: {  	_ =	shalt  }
0x5b: {  	_ =	shalt  }
0x5c: {  	_ =	shalt  }
0x5d: {  	_ =	shalt  }
0x5e: {  	_ =	shalt  }
0x5f: {  	_ =	shalt  }
0x60: {  	_ =	shalt  }
0x61: {  	_ =	shalt  }
0x62: {  	_ =	shalt  }
0x63: {  	_ =	shalt  }
0x64: {  	_ =	shalt  }
0x65: {  	_ =	shalt  }
0x66: {  	_ =	shalt  }
0x67: {  	_ =	shalt  }
0x68: {  	_ =	shalt  }
0x69: {  	_ =	shalt  }
0x6a: {  	_ =	shalt  }
0x6b: {  	_ =	shalt  }
0x6c: {  	_ =	shalt  }
0x6d: {  	_ =	shalt  }
0x6e: {  	_ =	shalt  }
0x6f: {  	_ =	shalt  }
0x70: {  	_ =	shalt  }
0x71: {  	_ =	shalt  }
0x72: {  	_ =	shalt  }
0x73: {  	_ =	shalt  }
0x74: {  	_ =	shalt  }
0x75: {  	_ =	shalt  }
0x76: {  	_ =	shalt  }
0x77: {  	_ =	shalt  }
0x78: {  	_ =	shalt  }
0x79: {  	_ =	shalt  }
0x7a: {  	_ =	shalt  }
0x7b: {  	_ =	shalt  }
0x7c: {  	_ =	shalt  }
0x7d: {  	_ =	shalt  }
0x7e: {  	_ =	shalt  }
0x7f: {  	_ =	shalt  }
0x80: {  	_ =	shalt  }
0x81: {  	_ =	shalt  }
0x82: {  	_ =	shalt  }
0x83: {  	_ =	shalt  }
0x84: {  	_ =	shalt  }
0x85: {  	_ =	shalt  }
0x86: {  	_ =	shalt  }
0x87: {  	_ =	shalt  }
.Lfunc_end0:
.L_simem_size_0:
called_computation_lowered:
.L_overlay_start_0:
0x88: {  	s2 =	sld [smem:$0x3FD9]  }
0x89: {  	s3 =	sld [smem:$0x3FFE];
	_ =	sdelay $0x1  }
0x8a: {  	s1 =	srdreg.scid  }
0x8b: {  	s0 =	sand.u32 $0x1, s1  }
0x8c: {  	s17 =	sshll.u32 s0, $0xA;
	s2 =	sadd.s32 s3, s2  }
0x8d: {  	s2 =	sadd.s32 s2, s17  }
0x8e: {  	[smem:$0x3FC0] =	sst s2  }
0x8f: {  	_ = 	snop  }
0x90: {  	s2 =	sld [smem:$0x3FD0];
	(tm) =	ssettm $0x1  }
0x91: {  	s18 =	sld [smem:$0x3FFB];
	_ =	sdelay $0x3  }
0x92: {  	_ =	strace s18  }
0x93: {  	s3 =	sld [smem:$0x3FFC];
	_ =	sdelay $0x3  }
0x94: {  	_ =	strace s3  }
0x95: {  	s3 =	sld [smem:$0x3FFD];
	_ =	sdelay $0x3  }
0x96: {  	_ =	strace s3  }
0x97: {  	_ =	strace $0x8FFFFFFF  }
0x98: {  	s19 =	sld [smem:$0x3FDB];
	_ =	sdelay $0x1  }
0x99: {  	s4 =	simm.s32 $_scs_section_size  }
0x9a: {  	s5 =	simm.s32 $_size__tile_overlayer_lowered;
	s6 =	simm.s32 $_tile_overlayer_lowered  }
0x9b: {  	s22 =	simm.s32 $0x1BFF;
	s21 =	sshll.u32 s6, $0x1;
	s3 =	sadd.s32 s4, s19  }
0x9c: {  	s7 =	simm.s32 $0x0;
	s20 =	sshll.u32 s5, $0x1;
	s5 =	sadd.s32 s21, s3  }
0x9d: {  	[timem:s7], [sflag:s22] =	dma.local [hbm:s5], s20  }
0x9e: {  	_ =	swait.ge [sflag:s22], s20  }
0x9f: {  	s4 =	ssub.s32 $0x0, s20;
	[sflag:s22] =	ssyncset.done $0x0  }
0xa0: {  	[sflag:s22] =	ssyncadd.s32 s4;
	_ =	sdelay $0x1  }
0xa1: {  	s23 =	simm.s32 $0x1B8B  }
0xa2: {  	_ =	swait.ge [sflag:s23], $0x1  }
0xa3: {  	[sflag:s23] =	ssyncset.done $0x0  }
0xa4: {  	s25 =	simm.s32 $0x1B8E;
	s24 =	sld [smem:$0x3FFE];
	[sflag:s23] =	ssyncadd.s32 $0xFFFFFFFF  }
0xa5: {  	s26 =	simm.s32 $execute0_lowered;
	[smem:$0x3FD2] =	sst s25  }
0xa6: {  	s5 =	sshll.u32 s26, $0x1;
	_ =	strace $0x80000046;
	[dreg:$0x1] =	wrdreg $0xFFFFFFFF  }
0xa7: {  	s28 =	simm.s32 $_size_execute0_lowered;
	s3 =	sadd.s32 s3, s5;
	[dreg:$0x0] =	wrdreg $0x0  }
0xa8: {  	s5 =	sshll.u32 s28, $0x1;
	[dreg:$0x2] =	wrdreg s3  }
0xa9: {  	[dreg:$0x3] =	wrdreg s5  }
0xaa: {  	[dreg:$0x4] =	wrdreg $0xC0  }
0xab: {  	_ =	task [dreg:s7], $0x5FFFF  }
0xac: {  	[dreg:$0x1] =	wrdreg $0xFFFFFFFF  }
0xad: {  	[dreg:$0x0] =	wrdreg $0x60  }
0xae: {  	[dreg:$0x2] =	wrdreg s2  }
0xaf: {  	[dreg:$0x3] =	wrdreg s24  }
0xb0: {  	[dreg:$0x4] =	wrdreg $0x96100  }
0xb1: {  	[dreg:$0x5] =	wrdreg $0x9  }
0xb2: {  	_ =	task.clear_ibuf [dreg:s7], $0x6FFFF;
	_ =	strace $0x90000046  }
0xb3: {  	s29 =	simm.s32 $0x9;
	_ =	strace $0x80000048  }
0xb4: {  	_ =	swait.ge [sflag:s29], $0x1  }
0xb5: {  	[sflag:s29] =	ssyncadd.s32 $0xFFFFFFFF  }
0xb6: {  	_ =	strace $0x90000048  }
0xb7: {  	_ =	sfence  }
0xb8: {  	s30 =	sld [smem:$0x0];
	_ =	sdelay $0x2  }
0xb9: {  	s31 =	sshll.u32 s1, $0xD;
	s1 =	sshrl.u32 s1, $0x2  }
0xba: {  	s3 =	sand.u32 $0x4000, s31;
	s1 =	sadd.s32 s1, s30  }
0xbb: {  	s0 =	sor.u32 s3, s0;
	s1 =	sshll.u32 s1, $0x11  }
0xbc: {  	s0 =	sor.u32 s1, s0  }
0xbd: {  	s0 =	sadd.s32 $0x8F2B, s0  }
0xbe: {  	[sflag:s0] =	ssyncadd.remote.s32 $0x1  }
0xbf: {  	_ =	sfence.sel $0xFFFF  }
0xc0: {  	[dreg:$0x0] =	wrdreg $0xFFFFFFFF;
	(pc) =	sbr.abs _section_cstart, $3  }
0xc1: {  	[dreg:$0x1] =	wrdreg $0xFFFFFFFF  }
0xc2: {  	_ =	task.clear_ibuf [dreg:s7], $0x2FFFF;
	_ =	strace $0x9FFFFFFF  }
0xc3: {  	(tm) =	ssettm $0x7FFFFFFF  }
tec
execute0_lowered:
.L_overlay_start_1:
0x0: {  	(tag) =	ssettag $0x1  }
0x1: {  	v0 =	vlaneseq.u32  }
0x2: {  	v3 =	vmul.u32 $0x10, v0;
	_ =	sdelay $0x1  }
0x3: {  	s1 =	rddreg [dreg:$0x0];
	v1 =	vmul.u32 $0x4, v0;
	v0 =	vor.u32 $0x4, v3  }
0x4: {  	s0 =	rddreg [dreg:$0x1];
	s18 =	simm.s32 $0x0;
	[tilespmem:$0x1FD70] =	vst v0;
	v0 =	vor.u32 $0x1, v3  }
0x5: {  	[smem:$0x7FF] =	sst s18;
	[tilespmem:$0x1FD80] =	vst v0;
	v0 =	vor.u32 $0x5, v3  }
0x6: {  	s3 =	rddreg [dreg:$0x2];
	_ =	strace $0x80000047;
	[tilespmem:$0x1FD90] =	vst v0  }
0x7: {  	v0 =	vor.u32 $0x1, v1;
	[tilespmem:$0x1FFE0] =	vst v3  }
0x8: {  	[tilespmem:$0x1FDA0] =	vst v0;
	v0 =	vor.u32 $0x2, v3  }
0x9: {  	[tilespmem:$0x1FDB0] =	vst v0;
	v0 =	vor.u32 $0x6, v3  }
0xa: {  	[tilespmem:$0x1FDC0] =	vst v0;
	v0 =	vor.u32 $0x3, v3  }
0xb: {  	[tilespmem:$0x1FDD0] =	vst v0;
	v0 =	vor.u32 $0x7, v3  }
0xc: {  	[tilespmem:$0x1FDE0] =	vst v0;
	v0 =	vor.u32 $0x100, v3  }
0xd: {  	[tilespmem:$0x1FDF0] =	vst v0;
	v0 =	vor.u32 $0x104, v3  }
0xe: {  	[tilespmem:$0x1FE00] =	vst v0;
	v0 =	vor.u32 $0x101, v3  }
0xf: {  	[tilespmem:$0x1FE10] =	vst v0;
	v0 =	vor.u32 $0x105, v3  }
0x10: {  	[tilespmem:$0x1FE20] =	vst v0;
	v0 =	vor.u32 $0x102, v3  }
0x11: {  	[tilespmem:$0x1FE30] =	vst v0;
	v0 =	vor.u32 $0x106, v3  }
0x12: {  	[tilespmem:$0x1FE40] =	vst v0;
	v0 =	vor.u32 $0x103, v3  }
0x13: {  	[tilespmem:$0x1FE50] =	vst v0;
	v0 =	vor.u32 $0x107, v3  }
0x14: {  	s12 =	stileid.u32;
	[tilespmem:$0x1FE60] =	vst v0;
	v0 =	vor.u32 $0x200, v3  }
0x15: {  	s2 =	srdreg.scid;
	s28 =	simm.s32 $0x5;
	s4 =	smul.u32 $0x15F90, s12;
	[tilespmem:$0x1FE70] =	vst v0;
	v0 =	vor.u32 $0x204, v3  }
0x16: {  	s30 =	simm.s32 $0x140;
	s2 =	sand.u32 $0x1, s2;
	s10 =	smul.u32 $0x57E40, s12;
	[tilespmem:$0x1FE80] =	vst v0;
	v0 =	vor.u32 $0x201, v3  }
0x17: {  	s5 =	sadd.s32 $0x200, s0;
	s6 =	sadd.s32 $0x5200, s0;
	s7 =	smul.u32 $0x15F900, s2;
	[tilespmem:$0x1FE90] =	vst v0;
	v0 =	vor.u32 $0x205, v3  }
0x18: {  	s31 =	ssub.s32 $0x2, s2;
	s2 =	sshll.u32 s2, $0x4;
	s10 =	sshrl.u32 s10, $0x2;
	[tilespmem:$0x1FEA0] =	vst v0;
	v0 =	vor.u32 $0x202, v3  }
0x19: {  	s11 =	sshrl.u32 s31, $0x1;
	s2 =	sor.u32 s12, s2;
	s10 =	sadd.s32 s10, s3;
	[tilespmem:$0x1FEB0] =	vst v0;
	v0 =	vor.u32 $0x206, v3  }
0x1a: {  	s19 =	sadd.s32 s4, s3;
	s12 =	simm.s32 $0x280;
	s13 =	sadd.s32 $0x2D00, s10;
	[tilespmem:$0x1FEC0] =	vst v0;
	v0 =	vor.u32 $0x203, v3  }
0x1b: {  	s8 =	sadd.s32 s4, s7;
	s14 =	sadd.s32 $0x5A00, s10;
	[dreg:$0x6] =	wrdreg s13;
	[tilespmem:$0x1FED0] =	vst v0;
	v0 =	vor.u32 $0x207, v3  }
0x1c: {  	s7 =	sadd.s32 $0x36200, s0;
	s15 =	sadd.s32 $0x8700, s10;
	[dreg:$0x7] =	wrdreg s14;
	[tilespmem:$0x1FEE0] =	vst v0;
	v0 =	vor.u32 $0x300, v3  }
0x1d: {  	s17 =	smul.u32 $0x2710, s2;
	s16 =	sadd.s32 $0xB400, s10;
	[dreg:$0x8] =	wrdreg s15;
	[tilespmem:$0x1FEF0] =	vst v0;
	v0 =	vor.u32 $0x304, v3  }
0x1e: {  	s2 =	smul.u32 $0x1388, s2;
	s20 =	sadd.s32 $0xE100, s10;
	[dreg:$0x9] =	wrdreg s16;
	[tilespmem:$0x1FF00] =	vst v0;
	v0 =	vor.u32 $0x301, v3  }
0x1f: {  	s9 =	sshrl.u32 s8, $0x3;
	s21 =	sadd.s32 $0x10E00, s10;
	[dreg:$0xa] =	wrdreg s20;
	[tilespmem:$0x1FF10] =	vst v0;
	v0 =	vor.u32 $0x305, v3  }
0x20: {  	s8 =	sadd.s32 $0x2C400, s0;
	s10 =	sadd.s32 $0x13B00, s10;
	[dreg:$0xb] =	wrdreg s21;
	[tilespmem:$0x1FF20] =	vst v0;
	v0 =	vor.u32 $0x302, v3  }
0x21: {  	s0 =	sadd.s32 s9, s0;
	s9 =	ssub.s32 s31, s11;
	[dreg:$0xc] =	wrdreg s10;
	[tilespmem:$0x1FF30] =	vst v0;
	v0 =	vor.u32 $0x306, v3  }
0x22: {  	s22 =	sshrl.u32 s17, $0x3;
	s23 =	sadd.s32 $0x50, s17;
	s2 =	sadd.s32 s6, s2;
	[tilespmem:$0x1FF40] =	vst v0;
	v0 =	vor.u32 $0x303, v3  }
0x23: {  	v2 =	vimm.f32 $0.0e+00;
	s11 =	simm.s32 $0xF0;
	s13 =	simm.s32 $0x2;
	[dreg:$0x5] =	wrdreg s19;
	[tilespmem:$0x1FF50] =	vst v0;
	v0 =	vor.u32 $0x307, v3  }
0x24: {  	vm0 =	vmmov $0xf;
	v9 =	vor.u32 $0x2, v1;
	s14 =	simm.s32 $0x8C0;
	s24 =	sadd.s32 s7, s22;
	[dreg:$0xf] =	wrdreg s2;
	[tilespmem:$0x1FF60] =	vst v0;
	v0 =	vor.u32 $0x400, v3  }
0x25: {  	v15 =	vor.u32 $0x40, v1;
	v18 =	vor.u32 $0x41, v1;
	s15 =	simm.s32 $0x12C0;
	s10 =	sadd.s32 s8, s22;
	[dreg:$0xd] =	wrdreg s24;
	[tilespmem:$0x1FF70] =	vst v0;
	v0 =	vor.u32 $0x404, v3  }
0x26: {  	v21 =	vor.u32 $0x42, v1;
	v24 =	vor.u32 $0x43, v1;
	s16 =	simm.s32 $0x17C0;
	s0 =	sadd.s32 $0x40000, s0;
	[dreg:$0xe] =	wrdreg s10;
	[tilespmem:$0x1FF80] =	vst v0;
	v0 =	vor.u32 $0x401, v3  }
0x27: {  	v27 =	vor.u32 $0x80, v1;
	v30 =	vor.u32 $0x81, v1;
	s25 =	sshrl.u32 s23, $0x3;
	s31 =	smax.u32 s9, $0x1;
	[dreg:$0x13] =	wrdreg s0;
	[tilespmem:$0x1FF90] =	vst v0;
	v0 =	vor.u32 $0x405, v3  }
.Ltmp0:
0x28: {  	v33 =	vor.u32 $0x82, v1;
	v36 =	vor.u32 $0x83, v1;
	s26 =	sadd.s32 s7, s25;
	[dreg:$0x14] =	wrdreg s31;
	[tilespmem:$0x1FFA0] =	vst v0;
	v0 =	vor.u32 $0x402, v3;
	(pc) =	sbr.rel .LBB2_1-.Ltmp0, $4  }
0x29: {  	v39 =	vor.u32 $0xC0, v1;
	v42 =	vor.u32 $0xC1, v1;
	s29 =	sshrl.u32 s23, $0x1;
	s10 =	sadd.s32 s8, s25;
	[dreg:$0x10] =	wrdreg s26;
	[tilespmem:$0x1FFB0] =	vst v0;
	v0 =	vor.u32 $0x406, v3  }
0x2a: {  	v45 =	vor.u32 $0xC2, v1;
	v48 =	vor.u32 $0xC3, v1;
	s23 =	sadd.s32 $0xA0, s17;
	s2 =	sadd.s32 s6, s29;
	[dreg:$0x11] =	wrdreg s10;
	[tilespmem:$0x1FFC0] =	vst v0;
	v0 =	vor.u32 $0x403, v3  }
0x2b: {  	v51 =	vor.u32 $0x100, v1;
	v54 =	vor.u32 $0x101, v1;
	s17 =	simm.s32 $0x1;
	s0 =	simm.s32 $0x50;
	[dreg:$0x12] =	wrdreg s2;
	[tilespmem:$0x1FFD0] =	vst v0;
	v0 =	vor.u32 $0x407, v3  }
0x2c: {  	v12 =	vor.u32 $0x3, v1;
	v57 =	vor.u32 $0x102, v1;
	v60 =	vor.u32 $0x103, v1;
	s26 =	simm.s32 $0x6910;
	s2 =	simm.s32 $0x3C0;
	s10 =	simm.s32 $0xDC0;
	[tilespmem:$0x1FFF0] =	vst v0  }
.LBB2_12:
0x2d: {  	s4 =	stileid.u32;
	[bflag:$0x0] =	sbarrier.arrive $0xFFFF  }
0x2e: {  	s4 =	sshll.u32 s4, $0x6;
	s19 =	rddreg [dreg:$0x5]  }
0x2f: {  	s18 =	rddreg [dreg:$0x13];
	s4 =	sor.u32 $0x1C05, s4;
	s9 =	sshrl.u32 s19, $0x3  }
0x30: {  	[hbm:s18], [sflag:s4] =	dma.local [spmem:s9], $0x2BF2  }
0x31: {  	_ =	swait.ge [sflag:s28], $0x2BF2  }
0x32: {  	s29 =	rddreg [dreg:$0x4]  }
0x33: {  	s31 =	rddreg [dreg:$0x14];
	s18 =	sadd.s32 $0x1, s29  }
0x34: {  	p0 =	sne.s32 s18, s31  }
.Ltmp1:
0x35: {  	_ = 	snop;
	(pc) =	sbr.rel @!p0 .LBB2_13-.Ltmp1, $3  }
0x36: {  	[sflag:s28] =	ssyncset.done $0x0  }
0x37: {  	[sflag:s28] =	ssyncadd.s32 $0xFFFFD40E  }
0x38: {  	[bflag:$0x0] =	sbarrier.arrive $0xFFFF;
	_ =	sdelay $0x1  }
.LBB2_1:
0x39: {  	[dreg:$0x4] =	wrdreg s18;
	s4 =	simm.s32 $0x0;
	s9 =	simm.s32 $0x240  }
.LBB2_2:
0x3a: {  	p0 =	sne.s32 s9, $0xB1C0;
	[tilespmem:s4+$0x6990] =	vst v2  }
0x3b: {  	[tilespmem:s4+$0x6910] =	vst v2  }
0x3c: {  	[tilespmem:s4+$0x6920] =	vst v2  }
0x3d: {  	[tilespmem:s4+$0x6930] =	vst v2  }
.Ltmp2:
0x3e: {  	[tilespmem:s4+$0x6940] =	vst v2;
	(pc) =	sbr.rel @p0 .LBB2_2-.Ltmp2, $4  }
0x3f: {  	[tilespmem:s4+$0x6950] =	vst v2  }
0x40: {  	[tilespmem:s4+$0x6960] =	vst v2  }
0x41: {  	[tilespmem:s4+$0x6970] =	vst v2  }
0x42: {  	[tilespmem:s4+$0x6980] =	vst v2;
	s4 =	sshra.s32 s9, $0x2;
	s9 =	sadd.s32 $0x240, s9  }
0x43: {  	[tilespmem:s4+$0x6990] =	vst v2  }
0x44: {  	[tilespmem:s4+$0x6910] =	vst v2  }
0x45: {  	[tilespmem:s4+$0x6920] =	vst v2  }
0x46: {  	[tilespmem:s4+$0x6930] =	vst v2  }
0x47: {  	[tilespmem:s4+$0x6940] =	vst v2  }
0x48: {  	[tilespmem:s4+$0x6950] =	vst v2  }
0x49: {  	[tilespmem:s4+$0x6960] =	vst v2  }
0x4a: {  	[tilespmem:s4+$0x6970] =	vst v2  }
0x4b: {  	[tilespmem:s4+$0x6980] =	vst v2  }
0x4c: {  	[spmem:s19] =	stream.linear.scatter [tilespmem:s26], [sflag:$0x5], $0x2D00, $0x38;
	[tilespmem:$0x1F5A0] =	vst v63  }
0x4d: {  	_ =	swait.ge [sflag:s28], $0x2D00  }
0x4e: {  	[sflag:s28] =	ssyncset.done $0x0  }
0x4f: {  	s22 =	rddreg [dreg:$0x6];
	[sflag:s28] =	ssyncadd.s32 $0xFFFFD300  }
0x50: {  	[spmem:s22] =	stream.linear.scatter [tilespmem:s26], [sflag:$0x5], $0x2D00, $0x38;
	[tilespmem:$0x1F5A0] =	vst v63  }
0x51: {  	_ =	swait.ge [sflag:s28], $0x2D00  }
0x52: {  	[sflag:s28] =	ssyncset.done $0x0  }
0x53: {  	s24 =	rddreg [dreg:$0x7];
	[sflag:s28] =	ssyncadd.s32 $0xFFFFD300  }
0x54: {  	[spmem:s24] =	stream.linear.scatter [tilespmem:s26], [sflag:$0x5], $0x2D00, $0x38;
	[tilespmem:$0x1F5A0] =	vst v63  }
0x55: {  	_ =	swait.ge [sflag:s28], $0x2D00  }
0x56: {  	[sflag:s28] =	ssyncset.done $0x0  }
0x57: {  	s25 =	rddreg [dreg:$0x8];
	[sflag:s28] =	ssyncadd.s32 $0xFFFFD300  }
0x58: {  	[spmem:s25] =	stream.linear.scatter [tilespmem:s26], [sflag:$0x5], $0x2D00, $0x38;
	[tilespmem:$0x1F5A0] =	vst v63  }
0x59: {  	_ =	swait.ge [sflag:s28], $0x2D00  }
0x5a: {  	[sflag:s28] =	ssyncset.done $0x0  }
0x5b: {  	s29 =	rddreg [dreg:$0x9];
	[sflag:s28] =	ssyncadd.s32 $0xFFFFD300  }
0x5c: {  	[spmem:s29] =	stream.linear.scatter [tilespmem:s26], [sflag:$0x5], $0x2D00, $0x38;
	[tilespmem:$0x1F5A0] =	vst v63  }
0x5d: {  	_ =	swait.ge [sflag:s28], $0x2D00  }
0x5e: {  	[sflag:s28] =	ssyncset.done $0x0  }
0x5f: {  	s31 =	rddreg [dreg:$0xa];
	[sflag:s28] =	ssyncadd.s32 $0xFFFFD300  }
0x60: {  	[spmem:s31] =	stream.linear.scatter [tilespmem:s26], [sflag:$0x5], $0x2D00, $0x38;
	[tilespmem:$0x1F5A0] =	vst v63  }
0x61: {  	_ =	swait.ge [sflag:s28], $0x2D00  }
0x62: {  	[sflag:s28] =	ssyncset.done $0x0  }
0x63: {  	s9 =	rddreg [dreg:$0xb];
	[sflag:s28] =	ssyncadd.s32 $0xFFFFD300  }
0x64: {  	[spmem:s9] =	stream.linear.scatter [tilespmem:s26], [sflag:$0x5], $0x2D00, $0x38;
	[tilespmem:$0x1F5A0] =	vst v63  }
0x65: {  	_ =	swait.ge [sflag:s28], $0x2D00  }
0x66: {  	[sflag:s28] =	ssyncset.done $0x0  }
0x67: {  	s18 =	rddreg [dreg:$0xc];
	[sflag:s28] =	ssyncadd.s32 $0xFFFFD300  }
0x68: {  	[spmem:s18] =	stream.linear.scatter [tilespmem:s26], [sflag:$0x5], $0x2490, $0x38;
	[tilespmem:$0x1F5A0] =	vst v63  }
0x69: {  	_ =	swait.ge [sflag:s28], $0x2490  }
0x6a: {  	[sflag:s28] =	ssyncset.done $0x0  }
0x6b: {  	[sflag:s28] =	ssyncadd.s32 $0xFFFFDB70  }
0x6c: {  	[bflag:$0x0] =	sbarrier.arrive $0xFFFF  }
0x6d: {  	s18 =	simm.s32 $0x0;
	s19 =	rddreg [dreg:$0xd]  }
0x6e: {  	[tilespmem:s18], [sflag:$0x3] =	stream.linear.gather [hbm4b:s19+s18], $0x50, $0x38;
	[tilespmem:$0x1F5A0] =	vst v63  }
0x6f: {  	s9 =	simm.s32 $0xA0;
	s20 =	rddreg [dreg:$0xe]  }
0x70: {  	[tilespmem:s9], [sflag:$0x3] =	stream.linear.gather [hbm4b:s20+s18], $0x50, $0x38;
	[tilespmem:$0x1F5A0] =	vst v63  }
0x71: {  	s22 =	simm.s32 $0x3;
	s21 =	rddreg [dreg:$0xf]  }
0x72: {  	[tilespmem:s30], [sflag:$0x3] =	stream.linear.gather [hbm4b:s21+s18], $0x140, $0x38;
	[tilespmem:$0x1F5A0] =	vst v63  }
0x73: {  	_ =	swait.ge [sflag:s22], $0x50  }
0x74: {  	[sflag:s22] =	ssyncset.done $0x0  }
0x75: {  	[sflag:s22] =	ssyncadd.s32 $0xFFFFFFB0  }
0x76: {  	_ =	swait.ge [sflag:s22], $0x50  }
0x77: {  	[sflag:s22] =	ssyncset.done $0x0  }
0x78: {  	[sflag:s22] =	ssyncadd.s32 $0xFFFFFFB0  }
0x79: {  	_ =	swait.ge [sflag:s22], $0x140  }
0x7a: {  	[sflag:s22] =	ssyncset.done $0x0  }
0x7b: {  	[sflag:s22] =	ssyncadd.s32 $0xFFFFFEC0  }
0x7c: {  	[tilespmem:s2], [sflag:$0x1] =	stream.indirect.gather [hbm4b:s5+s0], $0x10, s18, s0, $0xb8;
	[tilespmem:$0x1F5A0] =	vst v63  }
0x7d: {  	_ = 	snop  }
0x7e: {  	[tilespmem:s10], [sflag:$0x1] =	stream.indirect.gather [hbm4b:s5+s0], $0x10, s9, s0, $0xb8;
	[tilespmem:$0x1F5A0] =	vst v63  }
0x7f: {  	s24 =	simm.s32 $0x1910  }
0x80: {  	[tilespmem:s24], [sflag:$0x1] =	stream.indirect.gather [hbm4b:s1+s0], $0x80, s18, s0, $0xb8;
	[tilespmem:$0x1F5A0] =	vst v63  }
0x81: {  	s25 =	rddreg [dreg:$0x10]  }
0x82: {  	[tilespmem:s0], [sflag:$0x4] =	stream.linear.gather [hbm4b:s25+s18], $0x50, $0x38;
	[tilespmem:$0x1F5A0] =	vst v63  }
.Ltmp3:
0x83: {  	_ = 	snop;
	(pc) =	sbr.rel .LBB2_4-.Ltmp3, $4  }
0x84: {  	s29 =	rddreg [dreg:$0x11]  }
0x85: {  	[tilespmem:s11], [sflag:$0x4] =	stream.linear.gather [hbm4b:s29+s18], $0x50, $0x38;
	[tilespmem:$0x1F5A0] =	vst v63  }
0x86: {  	s31 =	rddreg [dreg:$0x12]  }
0x87: {  	[tilespmem:s12], [sflag:$0x4] =	stream.linear.gather [hbm4b:s31+s18], $0x140, $0x38;
	[tilespmem:$0x1F5A0] =	vst v63  }
.LBB2_11:
0x88: {  	s18 =	sadd.s32 $0x1, s18  }
0x89: {  	p0 =	sne.s32 s18, $0x7D  }
.Ltmp4:
0x8a: {  	_ = 	snop;
	(pc) =	sbr.rel @!p0 .LBB2_12-.Ltmp4, $1  }
0x8b: {  	_ =	sdelay $0x3  }
.LBB2_4:
0x8c: {  	s19 =	sand.u32 $0x1, s18  }
0x8d: {  	p0 =	seq.s32 s19, $0x1  }
.Ltmp5:
0x8e: {  	_ = 	snop;
	(pc) =	sbr.rel @p0 .LBB2_8-.Ltmp5, $1  }
0x8f: {  	_ =	sdelay $0x3  }
0x90: {  	_ =	swait.ge [sflag:s17], $0x500  }
0x91: {  	[sflag:s17] =	ssyncset.done $0x0  }
0x92: {  	[sflag:s17] =	ssyncadd.s32 $0xFFFFFB00  }
0x93: {  	_ =	swait.ge [sflag:s17], $0x500  }
0x94: {  	[sflag:s17] =	ssyncset.done $0x0  }
0x95: {  	[sflag:s17] =	ssyncadd.s32 $0xFFFFFB00  }
0x96: {  	_ =	swait.ge [sflag:s17], $0x2800  }
0x97: {  	p0 =	seq.s32 s18, $0x7C;
	[sflag:s17] =	ssyncset.done $0x0  }
0x98: {  	s4 =	simm.s32 @!p0 $0x4;
	[sflag:s17] =	ssyncadd.s32 $0xFFFFD800  }
0x99: {  	_ =	swait.ge @!p0 [sflag:s4], $0x50  }
0x9a: {  	[sflag:s4] =	ssyncset.done @!p0 $0x0  }
0x9b: {  	[sflag:s4] =	ssyncadd.s32 @!p0 $0xFFFFFFB0  }
0x9c: {  	_ =	swait.ge @!p0 [sflag:s4], $0x50  }
0x9d: {  	[sflag:s4] =	ssyncset.done @!p0 $0x0  }
0x9e: {  	[sflag:s4] =	ssyncadd.s32 @!p0 $0xFFFFFFB0  }
0x9f: {  	_ =	swait.ge @!p0 [sflag:s4], $0x140  }
0xa0: {  	v0 =	vld [tilespmem:$0x1FFE0]  }
0xa1: {  	[sflag:s4] =	ssyncset.done @!p0 $0x0;
	v3 =	vld [tilespmem:$0x1FD70]  }
0xa2: {  	s9 =	simm.s32 @!p0 $0x8C0;
	[sflag:s4] =	ssyncadd.s32 @!p0 $0xFFFFFEC0;
	s4 =	simm.s32 @!p0 $0x50  }
0xa3: {  	[tilespmem:s9], [sflag:$0x2] =	stream.indirect.gather @!p0 [hbm4b:s5+s4], $0x10, s4, s4, $0xb8;
	[tilespmem:$0x1F5A0] =	vst v63  }
0xa4: {  	s20 =	simm.s32 @!p0 $0x12C0;
	s9 =	simm.s32 @!p0 $0xF0  }
0xa5: {  	[tilespmem:s20], [sflag:$0x2] =	stream.indirect.gather @!p0 [hbm4b:s5+s4], $0x10, s9, s4, $0xb8;
	[tilespmem:$0x1F5A0] =	vst v63  }
0xa6: {  	s9 =	simm.s32 @!p0 $0x4110  }
0xa7: {  	[tilespmem:s9], [sflag:$0x2] =	stream.indirect.gather @!p0 [hbm4b:s1+s4], $0x80, s4, s4, $0xb8;
	[tilespmem:$0x1F5A0] =	vst v63  }
0xa8: {  	v0 =	vld.idx.msk [tilespmem:v0+s2+$0x0], $0xffff  }
0xa9: {  	v3 =	vld.idx.msk [tilespmem:v3+s10+$0x0], $0xffff;
	_ =	sdelay $0x1  }
0xaa: {  	v4 =	vld.idx.msk [tilespmem:v1+s30+$0x0], $0xffff;
	_ =	sdelay $0x2  }
0xab: {  	v0 =	vadd.f32 v3, v0;
	_ =	sdelay $0x1  }
0xac: {  	v0 =	vadd.f32 v4, v0;
	_ =	sdelay $0x1  }
0xad: {  	v3 =	vmul.f32 $9.999999770e-03, v0  }
0xae: {  	vm1 =	vgt.f32 v0, $0.0e+00  }
0xaf: {  	v0 =	vsel vm1, v0, v3  }
0xb0: {  	v0 =	vmul.f32 $1.442695020e+00, v0;
	_ =	sdelay $0x1  }
0xb1: {  	(erf) = vpow2.f32 v0;
	_ =	sdelay $0x8  }
0xb2: {  	v3 =	vld [tilespmem:$0x1FD90];
	v0 =	vpop (erf)  }
0xb3: {  	[tilespmem:v1+s16+$0x0] =	vst.idx.msk $0xffff, v0;
	v0 =	vld [tilespmem:$0x1FD80];
	_ =	sdelay $0x1  }
0xb4: {  	v5 =	vld [tilespmem:$0x1FDA0];
	_ =	sdelay $0x4  }
0xb5: {  	v3 =	vld.idx.msk [tilespmem:v3+s10+$0x0], $0xffff  }
0xb6: {  	v0 =	vld.idx.msk [tilespmem:v0+s2+$0x0], $0xffff;
	_ =	sdelay $0x1  }
0xb7: {  	v4 =	vld.idx.msk [tilespmem:v5+s30+$0x0], $0xffff;
	_ =	sdelay $0x2  }
0xb8: {  	v0 =	vadd.f32 v3, v0;
	_ =	sdelay $0x1  }
0xb9: {  	v0 =	vadd.f32 v4, v0;
	_ =	sdelay $0x1  }
0xba: {  	v3 =	vmul.f32 $9.999999770e-03, v0  }
0xbb: {  	vm1 =	vgt.f32 v0, $0.0e+00  }
0xbc: {  	v0 =	vsel vm1, v0, v3  }
0xbd: {  	v0 =	vmul.f32 $1.442695020e+00, v0;
	_ =	sdelay $0x1  }
0xbe: {  	(erf) = vpow2.f32 v0;
	_ =	sdelay $0x8  }
0xbf: {  	v3 =	vld [tilespmem:$0x1FDC0];
	v0 =	vpop (erf)  }
0xc0: {  	[tilespmem:v5+s16+$0x0] =	vst.idx.msk $0xffff, v0;
	v0 =	vld [tilespmem:$0x1FDB0];
	_ =	sdelay $0x6  }
0xc1: {  	v3 =	vld.idx.msk [tilespmem:v3+s10+$0x0], $0xffff  }
0xc2: {  	v0 =	vld.idx.msk [tilespmem:v0+s2+$0x0], $0xffff;
	_ =	sdelay $0x1  }
0xc3: {  	v4 =	vld.idx.msk [tilespmem:v9+s30+$0x0], $0xffff;
	_ =	sdelay $0x2  }
0xc4: {  	v0 =	vadd.f32 v3, v0;
	_ =	sdelay $0x1  }
0xc5: {  	v0 =	vadd.f32 v4, v0;
	_ =	sdelay $0x1  }
0xc6: {  	v3 =	vmul.f32 $9.999999770e-03, v0  }
0xc7: {  	vm1 =	vgt.f32 v0, $0.0e+00  }
0xc8: {  	v0 =	vsel vm1, v0, v3  }
0xc9: {  	v0 =	vmul.f32 $1.442695020e+00, v0;
	_ =	sdelay $0x1  }
0xca: {  	(erf) = vpow2.f32 v0;
	_ =	sdelay $0x8  }
0xcb: {  	v3 =	vld [tilespmem:$0x1FDE0];
	v0 =	vpop (erf)  }
0xcc: {  	[tilespmem:v9+s16+$0x0] =	vst.idx.msk $0xffff, v0;
	v0 =	vld [tilespmem:$0x1FDD0];
	_ =	sdelay $0x6  }
0xcd: {  	v3 =	vld.idx.msk [tilespmem:v3+s10+$0x0], $0xffff  }
0xce: {  	v0 =	vld.idx.msk [tilespmem:v0+s2+$0x0], $0xffff;
	_ =	sdelay $0x1  }
0xcf: {  	v4 =	vld.idx.msk [tilespmem:v12+s30+$0x0], $0xffff;
	_ =	sdelay $0x2  }
0xd0: {  	v0 =	vadd.f32 v3, v0;
	_ =	sdelay $0x1  }
0xd1: {  	v0 =	vadd.f32 v4, v0;
	_ =	sdelay $0x1  }
0xd2: {  	v3 =	vmul.f32 $9.999999770e-03, v0  }
0xd3: {  	vm1 =	vgt.f32 v0, $0.0e+00  }
0xd4: {  	v0 =	vsel vm1, v0, v3  }
0xd5: {  	v0 =	vmul.f32 $1.442695020e+00, v0;
	_ =	sdelay $0x1  }
0xd6: {  	(erf) = vpow2.f32 v0;
	_ =	sdelay $0x8  }
0xd7: {  	v3 =	vld [tilespmem:$0x1FE00];
	v0 =	vpop (erf)  }
0xd8: {  	[tilespmem:v12+s16+$0x0] =	vst.idx.msk $0xffff, v0;
	v0 =	vld [tilespmem:$0x1FDF0];
	_ =	sdelay $0x6  }
0xd9: {  	v3 =	vld.idx.msk [tilespmem:v3+s10+$0x0], $0xffff  }
0xda: {  	v0 =	vld.idx.msk [tilespmem:v0+s2+$0x0], $0xffff;
	_ =	sdelay $0x1  }
0xdb: {  	v4 =	vld.idx.msk [tilespmem:v15+s30+$0x0], $0xffff;
	_ =	sdelay $0x2  }
0xdc: {  	v0 =	vadd.f32 v3, v0;
	_ =	sdelay $0x1  }
0xdd: {  	v0 =	vadd.f32 v4, v0;
	_ =	sdelay $0x1  }
0xde: {  	v3 =	vmul.f32 $9.999999770e-03, v0  }
0xdf: {  	vm1 =	vgt.f32 v0, $0.0e+00  }
0xe0: {  	v0 =	vsel vm1, v0, v3  }
0xe1: {  	v0 =	vmul.f32 $1.442695020e+00, v0;
	_ =	sdelay $0x1  }
0xe2: {  	(erf) = vpow2.f32 v0;
	_ =	sdelay $0x8  }
0xe3: {  	v3 =	vld [tilespmem:$0x1FE20];
	v0 =	vpop (erf)  }
0xe4: {  	[tilespmem:v15+s16+$0x0] =	vst.idx.msk $0xffff, v0;
	v0 =	vld [tilespmem:$0x1FE10];
	_ =	sdelay $0x6  }
0xe5: {  	v3 =	vld.idx.msk [tilespmem:v3+s10+$0x0], $0xffff  }
0xe6: {  	v0 =	vld.idx.msk [tilespmem:v0+s2+$0x0], $0xffff;
	_ =	sdelay $0x1  }
0xe7: {  	v4 =	vld.idx.msk [tilespmem:v18+s30+$0x0], $0xffff;
	_ =	sdelay $0x2  }
0xe8: {  	v0 =	vadd.f32 v3, v0;
	_ =	sdelay $0x1  }
0xe9: {  	v0 =	vadd.f32 v4, v0;
	_ =	sdelay $0x1  }
0xea: {  	v3 =	vmul.f32 $9.999999770e-03, v0  }
0xeb: {  	vm1 =	vgt.f32 v0, $0.0e+00  }
0xec: {  	v0 =	vsel vm1, v0, v3  }
0xed: {  	v0 =	vmul.f32 $1.442695020e+00, v0;
	_ =	sdelay $0x1  }
0xee: {  	(erf) = vpow2.f32 v0;
	_ =	sdelay $0x8  }
0xef: {  	v3 =	vld [tilespmem:$0x1FE40];
	v0 =	vpop (erf)  }
0xf0: {  	[tilespmem:v18+s16+$0x0] =	vst.idx.msk $0xffff, v0;
	v0 =	vld [tilespmem:$0x1FE30];
	_ =	sdelay $0x6  }
0xf1: {  	v3 =	vld.idx.msk [tilespmem:v3+s10+$0x0], $0xffff  }
0xf2: {  	v0 =	vld.idx.msk [tilespmem:v0+s2+$0x0], $0xffff;
	_ =	sdelay $0x1  }
0xf3: {  	v4 =	vld.idx.msk [tilespmem:v21+s30+$0x0], $0xffff;
	_ =	sdelay $0x2  }
0xf4: {  	v0 =	vadd.f32 v3, v0;
	_ =	sdelay $0x1  }
0xf5: {  	v0 =	vadd.f32 v4, v0;
	_ =	sdelay $0x1  }
0xf6: {  	v3 =	vmul.f32 $9.999999770e-03, v0  }
0xf7: {  	vm1 =	vgt.f32 v0, $0.0e+00  }
0xf8: {  	v0 =	vsel vm1, v0, v3  }
0xf9: {  	v0 =	vmul.f32 $1.442695020e+00, v0;
	_ =	sdelay $0x1  }
0xfa: {  	(erf) = vpow2.f32 v0;
	_ =	sdelay $0x8  }
0xfb: {  	v3 =	vld [tilespmem:$0x1FE60];
	v0 =	vpop (erf)  }
0xfc: {  	[tilespmem:v21+s16+$0x0] =	vst.idx.msk $0xffff, v0;
	v0 =	vld [tilespmem:$0x1FE50];
	_ =	sdelay $0x6  }
0xfd: {  	v3 =	vld.idx.msk [tilespmem:v3+s10+$0x0], $0xffff  }
0xfe: {  	v0 =	vld.idx.msk [tilespmem:v0+s2+$0x0], $0xffff;
	_ =	sdelay $0x1  }
0xff: {  	v4 =	vld.idx.msk [tilespmem:v24+s30+$0x0], $0xffff;
	_ =	sdelay $0x2  }
0x100: {  	v0 =	vadd.f32 v3, v0;
	_ =	sdelay $0x1  }
0x101: {  	v0 =	vadd.f32 v4, v0;
	_ =	sdelay $0x1  }
0x102: {  	v3 =	vmul.f32 $9.999999770e-03, v0  }
0x103: {  	vm1 =	vgt.f32 v0, $0.0e+00  }
0x104: {  	v0 =	vsel vm1, v0, v3  }
0x105: {  	v0 =	vmul.f32 $1.442695020e+00, v0;
	_ =	sdelay $0x1  }
0x106: {  	(erf) = vpow2.f32 v0;
	_ =	sdelay $0x8  }
0x107: {  	v3 =	vld [tilespmem:$0x1FE80];
	v0 =	vpop (erf)  }
0x108: {  	[tilespmem:v24+s16+$0x0] =	vst.idx.msk $0xffff, v0;
	v0 =	vld [tilespmem:$0x1FE70];
	_ =	sdelay $0x6  }
0x109: {  	v3 =	vld.idx.msk [tilespmem:v3+s10+$0x0], $0xffff  }
0x10a: {  	v0 =	vld.idx.msk [tilespmem:v0+s2+$0x0], $0xffff;
	_ =	sdelay $0x1  }
0x10b: {  	v4 =	vld.idx.msk [tilespmem:v27+s30+$0x0], $0xffff;
	_ =	sdelay $0x2  }
0x10c: {  	v0 =	vadd.f32 v3, v0;
	_ =	sdelay $0x1  }
0x10d: {  	v0 =	vadd.f32 v4, v0;
	_ =	sdelay $0x1  }
0x10e: {  	v3 =	vmul.f32 $9.999999770e-03, v0  }
0x10f: {  	vm1 =	vgt.f32 v0, $0.0e+00  }
0x110: {  	v0 =	vsel vm1, v0, v3  }
0x111: {  	v0 =	vmul.f32 $1.442695020e+00, v0;
	_ =	sdelay $0x1  }
0x112: {  	(erf) = vpow2.f32 v0;
	_ =	sdelay $0x8  }
0x113: {  	v3 =	vld [tilespmem:$0x1FEA0];
	v0 =	vpop (erf)  }
0x114: {  	[tilespmem:v27+s16+$0x0] =	vst.idx.msk $0xffff, v0;
	v0 =	vld [tilespmem:$0x1FE90];
	_ =	sdelay $0x6  }
0x115: {  	v3 =	vld.idx.msk [tilespmem:v3+s10+$0x0], $0xffff  }
0x116: {  	v0 =	vld.idx.msk [tilespmem:v0+s2+$0x0], $0xffff;
	_ =	sdelay $0x1  }
0x117: {  	v4 =	vld.idx.msk [tilespmem:v30+s30+$0x0], $0xffff;
	_ =	sdelay $0x2  }
0x118: {  	v0 =	vadd.f32 v3, v0;
	_ =	sdelay $0x1  }
0x119: {  	v0 =	vadd.f32 v4, v0;
	_ =	sdelay $0x1  }
0x11a: {  	v3 =	vmul.f32 $9.999999770e-03, v0  }
0x11b: {  	vm1 =	vgt.f32 v0, $0.0e+00  }
0x11c: {  	v0 =	vsel vm1, v0, v3  }
0x11d: {  	v0 =	vmul.f32 $1.442695020e+00, v0;
	_ =	sdelay $0x1  }
0x11e: {  	(erf) = vpow2.f32 v0;
	_ =	sdelay $0x8  }
0x11f: {  	v3 =	vld [tilespmem:$0x1FEC0];
	v0 =	vpop (erf)  }
0x120: {  	[tilespmem:v30+s16+$0x0] =	vst.idx.msk $0xffff, v0;
	v0 =	vld [tilespmem:$0x1FEB0];
	_ =	sdelay $0x6  }
0x121: {  	v3 =	vld.idx.msk [tilespmem:v3+s10+$0x0], $0xffff  }
0x122: {  	v0 =	vld.idx.msk [tilespmem:v0+s2+$0x0], $0xffff;
	_ =	sdelay $0x1  }
0x123: {  	v4 =	vld.idx.msk [tilespmem:v33+s30+$0x0], $0xffff;
	_ =	sdelay $0x2  }
0x124: {  	v0 =	vadd.f32 v3, v0;
	_ =	sdelay $0x1  }
0x125: {  	v0 =	vadd.f32 v4, v0;
	_ =	sdelay $0x1  }
0x126: {  	v3 =	vmul.f32 $9.999999770e-03, v0  }
0x127: {  	vm1 =	vgt.f32 v0, $0.0e+00  }
0x128: {  	v0 =	vsel vm1, v0, v3  }
0x129: {  	v0 =	vmul.f32 $1.442695020e+00, v0;
	_ =	sdelay $0x1  }
0x12a: {  	(erf) = vpow2.f32 v0;
	_ =	sdelay $0x8  }
0x12b: {  	v3 =	vld [tilespmem:$0x1FEE0];
	v0 =	vpop (erf)  }
0x12c: {  	[tilespmem:v33+s16+$0x0] =	vst.idx.msk $0xffff, v0;
	v0 =	vld [tilespmem:$0x1FED0];
	_ =	sdelay $0x6  }
0x12d: {  	v3 =	vld.idx.msk [tilespmem:v3+s10+$0x0], $0xffff  }
0x12e: {  	v0 =	vld.idx.msk [tilespmem:v0+s2+$0x0], $0xffff;
	_ =	sdelay $0x1  }
0x12f: {  	v4 =	vld.idx.msk [tilespmem:v36+s30+$0x0], $0xffff;
	_ =	sdelay $0x2  }
0x130: {  	v0 =	vadd.f32 v3, v0;
	_ =	sdelay $0x1  }
0x131: {  	v0 =	vadd.f32 v4, v0;
	_ =	sdelay $0x1  }
0x132: {  	v3 =	vmul.f32 $9.999999770e-03, v0  }
0x133: {  	vm1 =	vgt.f32 v0, $0.0e+00  }
0x134: {  	v0 =	vsel vm1, v0, v3  }
0x135: {  	v0 =	vmul.f32 $1.442695020e+00, v0;
	_ =	sdelay $0x1  }
0x136: {  	(erf) = vpow2.f32 v0;
	_ =	sdelay $0x8  }
0x137: {  	v3 =	vld [tilespmem:$0x1FF00];
	v0 =	vpop (erf)  }
0x138: {  	[tilespmem:v36+s16+$0x0] =	vst.idx.msk $0xffff, v0;
	v0 =	vld [tilespmem:$0x1FEF0];
	_ =	sdelay $0x6  }
0x139: {  	v3 =	vld.idx.msk [tilespmem:v3+s10+$0x0], $0xffff  }
0x13a: {  	v0 =	vld.idx.msk [tilespmem:v0+s2+$0x0], $0xffff;
	_ =	sdelay $0x1  }
0x13b: {  	v4 =	vld.idx.msk [tilespmem:v39+s30+$0x0], $0xffff;
	_ =	sdelay $0x2  }
0x13c: {  	v0 =	vadd.f32 v3, v0;
	_ =	sdelay $0x1  }
0x13d: {  	v0 =	vadd.f32 v4, v0;
	_ =	sdelay $0x1  }
0x13e: {  	v3 =	vmul.f32 $9.999999770e-03, v0  }
0x13f: {  	vm1 =	vgt.f32 v0, $0.0e+00  }
0x140: {  	v0 =	vsel vm1, v0, v3  }
0x141: {  	v0 =	vmul.f32 $1.442695020e+00, v0;
	_ =	sdelay $0x1  }
0x142: {  	(erf) = vpow2.f32 v0;
	_ =	sdelay $0x8  }
0x143: {  	v3 =	vld [tilespmem:$0x1FF20];
	v0 =	vpop (erf)  }
0x144: {  	[tilespmem:v39+s16+$0x0] =	vst.idx.msk $0xffff, v0;
	v0 =	vld [tilespmem:$0x1FF10];
	_ =	sdelay $0x6  }
0x145: {  	v3 =	vld.idx.msk [tilespmem:v3+s10+$0x0], $0xffff  }
0x146: {  	v0 =	vld.idx.msk [tilespmem:v0+s2+$0x0], $0xffff;
	_ =	sdelay $0x1  }
0x147: {  	v4 =	vld.idx.msk [tilespmem:v42+s30+$0x0], $0xffff;
	_ =	sdelay $0x2  }
0x148: {  	v0 =	vadd.f32 v3, v0;
	_ =	sdelay $0x1  }
0x149: {  	v0 =	vadd.f32 v4, v0;
	_ =	sdelay $0x1  }
0x14a: {  	v3 =	vmul.f32 $9.999999770e-03, v0  }
0x14b: {  	vm1 =	vgt.f32 v0, $0.0e+00  }
0x14c: {  	v0 =	vsel vm1, v0, v3  }
0x14d: {  	v0 =	vmul.f32 $1.442695020e+00, v0;
	_ =	sdelay $0x1  }
0x14e: {  	(erf) = vpow2.f32 v0;
	_ =	sdelay $0x8  }
0x14f: {  	v3 =	vld [tilespmem:$0x1FF40];
	v0 =	vpop (erf)  }
0x150: {  	[tilespmem:v42+s16+$0x0] =	vst.idx.msk $0xffff, v0;
	v0 =	vld [tilespmem:$0x1FF30];
	_ =	sdelay $0x6  }
0x151: {  	v3 =	vld.idx.msk [tilespmem:v3+s10+$0x0], $0xffff  }
0x152: {  	v0 =	vld.idx.msk [tilespmem:v0+s2+$0x0], $0xffff;
	_ =	sdelay $0x1  }
0x153: {  	v4 =	vld.idx.msk [tilespmem:v45+s30+$0x0], $0xffff;
	_ =	sdelay $0x2  }
0x154: {  	v0 =	vadd.f32 v3, v0;
	_ =	sdelay $0x1  }
0x155: {  	v0 =	vadd.f32 v4, v0;
	_ =	sdelay $0x1  }
0x156: {  	v3 =	vmul.f32 $9.999999770e-03, v0  }
0x157: {  	vm1 =	vgt.f32 v0, $0.0e+00  }
0x158: {  	v0 =	vsel vm1, v0, v3  }
0x159: {  	v0 =	vmul.f32 $1.442695020e+00, v0;
	_ =	sdelay $0x1  }
0x15a: {  	(erf) = vpow2.f32 v0;
	_ =	sdelay $0x8  }
0x15b: {  	v3 =	vld [tilespmem:$0x1FF60];
	v0 =	vpop (erf)  }
0x15c: {  	[tilespmem:v45+s16+$0x0] =	vst.idx.msk $0xffff, v0;
	v0 =	vld [tilespmem:$0x1FF50];
	_ =	sdelay $0x6  }
0x15d: {  	v3 =	vld.idx.msk [tilespmem:v3+s10+$0x0], $0xffff  }
0x15e: {  	v0 =	vld.idx.msk [tilespmem:v0+s2+$0x0], $0xffff;
	_ =	sdelay $0x1  }
0x15f: {  	v4 =	vld.idx.msk [tilespmem:v48+s30+$0x0], $0xffff;
	_ =	sdelay $0x2  }
0x160: {  	v0 =	vadd.f32 v3, v0;
	_ =	sdelay $0x1  }
0x161: {  	v0 =	vadd.f32 v4, v0;
	_ =	sdelay $0x1  }
0x162: {  	v3 =	vmul.f32 $9.999999770e-03, v0  }
0x163: {  	vm1 =	vgt.f32 v0, $0.0e+00  }
0x164: {  	v0 =	vsel vm1, v0, v3  }
0x165: {  	v0 =	vmul.f32 $1.442695020e+00, v0;
	_ =	sdelay $0x1  }
0x166: {  	(erf) = vpow2.f32 v0;
	_ =	sdelay $0x8  }
0x167: {  	v3 =	vld [tilespmem:$0x1FF80];
	v0 =	vpop (erf)  }
0x168: {  	[tilespmem:v48+s16+$0x0] =	vst.idx.msk $0xffff, v0;
	v0 =	vld [tilespmem:$0x1FF70];
	_ =	sdelay $0x6  }
0x169: {  	v3 =	vld.idx.msk [tilespmem:v3+s10+$0x0], $0xffff  }
0x16a: {  	v0 =	vld.idx.msk [tilespmem:v0+s2+$0x0], $0xffff;
	_ =	sdelay $0x1  }
0x16b: {  	v4 =	vld.idx.msk [tilespmem:v51+s30+$0x0], $0xffff;
	_ =	sdelay $0x2  }
0x16c: {  	v0 =	vadd.f32 v3, v0;
	_ =	sdelay $0x1  }
0x16d: {  	v0 =	vadd.f32 v4, v0;
	_ =	sdelay $0x1  }
0x16e: {  	v3 =	vmul.f32 $9.999999770e-03, v0  }
0x16f: {  	vm1 =	vgt.f32 v0, $0.0e+00  }
0x170: {  	v0 =	vsel vm1, v0, v3  }
0x171: {  	v0 =	vmul.f32 $1.442695020e+00, v0;
	_ =	sdelay $0x1  }
0x172: {  	(erf) = vpow2.f32 v0;
	_ =	sdelay $0x8  }
0x173: {  	v3 =	vld [tilespmem:$0x1FFA0];
	v0 =	vpop (erf)  }
0x174: {  	[tilespmem:v51+s16+$0x0] =	vst.idx.msk $0xffff, v0;
	v0 =	vld [tilespmem:$0x1FF90];
	_ =	sdelay $0x6  }
0x175: {  	v3 =	vld.idx.msk [tilespmem:v3+s10+$0x0], $0xffff  }
0x176: {  	v0 =	vld.idx.msk [tilespmem:v0+s2+$0x0], $0xffff;
	_ =	sdelay $0x1  }
0x177: {  	v4 =	vld.idx.msk [tilespmem:v54+s30+$0x0], $0xffff;
	_ =	sdelay $0x2  }
0x178: {  	v0 =	vadd.f32 v3, v0;
	_ =	sdelay $0x1  }
0x179: {  	v0 =	vadd.f32 v4, v0;
	_ =	sdelay $0x1  }
0x17a: {  	v3 =	vmul.f32 $9.999999770e-03, v0  }
0x17b: {  	vm1 =	vgt.f32 v0, $0.0e+00  }
0x17c: {  	v0 =	vsel vm1, v0, v3  }
0x17d: {  	v0 =	vmul.f32 $1.442695020e+00, v0;
	_ =	sdelay $0x1  }
0x17e: {  	(erf) = vpow2.f32 v0;
	_ =	sdelay $0x8  }
0x17f: {  	v3 =	vld [tilespmem:$0x1FFC0];
	v0 =	vpop (erf)  }
0x180: {  	[tilespmem:v54+s16+$0x0] =	vst.idx.msk $0xffff, v0;
	v0 =	vld [tilespmem:$0x1FFB0];
	_ =	sdelay $0x6  }
0x181: {  	v3 =	vld.idx.msk [tilespmem:v3+s10+$0x0], $0xffff  }
0x182: {  	v0 =	vld.idx.msk [tilespmem:v0+s2+$0x0], $0xffff;
	_ =	sdelay $0x1  }
0x183: {  	v4 =	vld.idx.msk [tilespmem:v57+s30+$0x0], $0xffff;
	_ =	sdelay $0x2  }
0x184: {  	v0 =	vadd.f32 v3, v0;
	_ =	sdelay $0x1  }
0x185: {  	v0 =	vadd.f32 v4, v0;
	_ =	sdelay $0x1  }
0x186: {  	v3 =	vmul.f32 $9.999999770e-03, v0  }
0x187: {  	vm1 =	vgt.f32 v0, $0.0e+00  }
0x188: {  	v0 =	vsel vm1, v0, v3  }
0x189: {  	v0 =	vmul.f32 $1.442695020e+00, v0;
	_ =	sdelay $0x1  }
0x18a: {  	(erf) = vpow2.f32 v0;
	_ =	sdelay $0x8  }
0x18b: {  	v3 =	vld [tilespmem:$0x1FFF0];
	v0 =	vpop (erf)  }
0x18c: {  	[tilespmem:v57+s16+$0x0] =	vst.idx.msk $0xffff, v0;
	v0 =	vld [tilespmem:$0x1FFD0];
	_ =	sdelay $0x6  }
0x18d: {  	v3 =	vld.idx.msk [tilespmem:v3+s10+$0x0], $0xffff  }
0x18e: {  	v0 =	vld.idx.msk [tilespmem:v0+s2+$0x0], $0xffff;
	_ =	sdelay $0x1  }
0x18f: {  	v4 =	vld.idx.msk [tilespmem:v60+s30+$0x0], $0xffff;
	_ =	sdelay $0x2  }
0x190: {  	v0 =	vadd.f32 v3, v0;
	_ =	sdelay $0x1  }
0x191: {  	v0 =	vadd.f32 v4, v0;
	_ =	sdelay $0x1  }
0x192: {  	v3 =	vmul.f32 $9.999999770e-03, v0  }
0x193: {  	vm1 =	vgt.f32 v0, $0.0e+00  }
0x194: {  	v0 =	vsel vm1, v0, v3  }
0x195: {  	v0 =	vmul.f32 $1.442695020e+00, v0;
	_ =	sdelay $0x1  }
0x196: {  	(erf) = vpow2.f32 v0;
	_ =	sdelay $0x8  }
0x197: {  	v0 =	vpop (erf)  }
0x198: {  	s22 =	simm.s32 $0x17C8;
	[tilespmem:v60+s16+$0x0] =	vst.idx.msk $0xffff, v0  }
0x199: {  	v5 =	vld [tilespmem:s22+$0x4]  }
0x19a: {  	s9 =	simm.s32 $0x1A10  }
0x19b: {  	v0 =	vld [tilespmem:s9+$0x80];
	_ =	sdelay $0x1  }
0x19c: {  	v7 =	vld [tilespmem:s22+$0xFFFFFFF8]  }
0x19d: {  	v4 =	vld [tilespmem:s22+$0xFFFFFFFC];
	v10 =	vbroadcast v5, $0x0  }
0x19e: {  	v8 =	vld [tilespmem:s9+$0xFFFFFF00]  }
0x19f: {  	v3 =	vld [tilespmem:s22+$0x0];
	v0 =	vmul.f32 v10, v0  }
0x1a0: {  	s20 =	simm.s32 $0x6A30;
	v11 =	vld [tilespmem:s9+$0xFFFFFF80]  }
0x1a1: {  	v13 =	vld [tilespmem:s9+$0x0];
	v14 =	vbroadcast v7, $0x0;
	[tilespmem:s20+$0x90] =	vst v0  }
0x1a2: {  	v0 =	vld [tilespmem:s9+$0x90]  }
0x1a3: {  	v8 =	vmul.f32 v14, v8  }
0x1a4: {  	v16 =	vbroadcast v4, $0x0;
	v17 =	vbroadcast v3, $0x0  }
0x1a5: {  	[tilespmem:s20+$0xFFFFFEE0] =	vst v8  }
0x1a6: {  	v11 =	vmul.f32 v16, v11;
	v8 =	vmul.f32 v17, v13;
	v13 =	vld [tilespmem:s9+$0xFFFFFF10]  }
0x1a7: {  	v0 =	vmul.f32 v0, v10  }
0x1a8: {  	[tilespmem:s20+$0xFFFFFF70] =	vst v11  }
0x1a9: {  	v11 =	vld [tilespmem:s9+$0xFFFFFF90];
	[tilespmem:s20+$0xA0] =	vst v0  }
0x1aa: {  	[tilespmem:s20+$0x0] =	vst v8;
	v0 =	vld [tilespmem:s9+$0xA0]  }
0x1ab: {  	v8 =	vld [tilespmem:s9+$0x10];
	v10 =	vmul.f32 v13, v14;
	_ =	sdelay $0x1  }
0x1ac: {  	[tilespmem:s20+$0xFFFFFEF0] =	vst v10;
	v10 =	vbroadcast v5, $0x1  }
0x1ad: {  	s25 =	simm.s32 $0x17E8;
	v11 =	vmul.f32 v11, v16  }
0x1ae: {  	v61 =	vld [tilespmem:s25+$0x4];
	v0 =	vmul.f32 v0, v10  }
0x1af: {  	v8 =	vmul.f32 v8, v17;
	[tilespmem:s20+$0xFFFFFF80] =	vst v11;
	v13 =	vld [tilespmem:s9+$0xFFFFFF20]  }
0x1b0: {  	v11 =	vld [tilespmem:s9+$0xFFFFFFA0];
	[tilespmem:s20+$0xB0] =	vst v0  }
0x1b1: {  	[tilespmem:s20+$0x10] =	vst v8;
	v0 =	vld [tilespmem:s9+$0xB0]  }
0x1b2: {  	v14 =	vld [tilespmem:s9+$0x20]  }
0x1b3: {  	s22 =	simm.s32 $0x1C10;
	v40 =	vld [tilespmem:s25+$0x0];
	v8 =	vbroadcast v7, $0x1  }
0x1b4: {  	v22 =	vld [tilespmem:s22+$0x80];
	v16 =	vbroadcast v4, $0x1  }
0x1b5: {  	s24 =	simm.s32 $0x17D8;
	v28 =	vld [tilespmem:s22+$0xFFFFFF00];
	v17 =	vbroadcast v3, $0x1;
	v13 =	vmul.f32 v13, v8  }
0x1b6: {  	v11 =	vmul.f32 v11, v16;
	v10 =	vmul.f32 v0, v10;
	v0 =	vld [tilespmem:s24+$0x4]  }
0x1b7: {  	[tilespmem:s20+$0xFFFFFF00] =	vst v13;
	v13 =	vmul.f32 v14, v17;
	v14 =	vld [tilespmem:s24+$0xFFFFFFFC]  }
0x1b8: {  	[tilespmem:s20+$0xFFFFFF90] =	vst v11;
	v19 =	vld [tilespmem:s9+$0xFFFFFF30]  }
0x1b9: {  	v11 =	vld [tilespmem:s9+$0xFFFFFFB0];
	[tilespmem:s20+$0xC0] =	vst v10  }
0x1ba: {  	v23 =	vld [tilespmem:s9+$0xC0]  }
0x1bb: {  	[tilespmem:s20+$0x20] =	vst v13;
	v10 =	vld [tilespmem:s24+$0xFFFFFFF8];
	v25 =	vbroadcast v0, $0x0  }
0x1bc: {  	v20 =	vld [tilespmem:s9+$0x30]  }
0x1bd: {  	v26 =	vbroadcast v5, $0x2;
	v13 =	vld [tilespmem:s24+$0x0];
	v22 =	vmul.f32 v25, v22  }
0x1be: {  	s21 =	simm.s32 $0x6C70;
	v8 =	vmul.f32 v19, v8;
	v19 =	vld [tilespmem:s22+$0xFFFFFF80]  }
0x1bf: {  	v29 =	vld [tilespmem:s22+$0x0];
	v23 =	vmul.f32 v23, v26;
	[tilespmem:s21+$0x90] =	vst v22  }
0x1c0: {  	v11 =	vmul.f32 v11, v16;
	[tilespmem:s20+$0xFFFFFF10] =	vst v8;
	v8 =	vbroadcast v10, $0x0;
	v16 =	vld [tilespmem:s22+$0x90]  }
0x1c1: {  	v17 =	vmul.f32 v20, v17;
	v20 =	vbroadcast v14, $0x0;
	v22 =	vld [tilespmem:s9+$0xFFFFFF40];
	[tilespmem:s20+$0xD0] =	vst v23  }
0x1c2: {  	[tilespmem:s20+$0xFFFFFFA0] =	vst v11;
	v28 =	vmul.f32 v8, v28;
	v23 =	vbroadcast v13, $0x0;
	v11 =	vld [tilespmem:s9+$0xD0]  }
0x1c3: {  	[tilespmem:s20+$0x30] =	vst v17;
	v17 =	vld [tilespmem:s9+$0xFFFFFFC0];
	v19 =	vmul.f32 v20, v19  }
0x1c4: {  	v31 =	vbroadcast v7, $0x2;
	v32 =	vld [tilespmem:s9+$0x40];
	[tilespmem:s21+$0xFFFFFEE0] =	vst v28;
	v29 =	vmul.f32 v23, v29  }
0x1c5: {  	[tilespmem:s21+$0xFFFFFF70] =	vst v19;
	v28 =	vld [tilespmem:s22+$0xFFFFFF10];
	v16 =	vmul.f32 v16, v25  }
0x1c6: {  	v19 =	vbroadcast v4, $0x2;
	v22 =	vmul.f32 v22, v31;
	[tilespmem:s21+$0x0] =	vst v29;
	v25 =	vld [tilespmem:s22+$0xFFFFFF90]  }
0x1c7: {  	v29 =	vbroadcast v3, $0x2;
	v11 =	vmul.f32 v11, v26;
	v26 =	vld [tilespmem:s22+$0x10];
	[tilespmem:s21+$0xA0] =	vst v16  }
0x1c8: {  	[tilespmem:s20+$0xFFFFFF20] =	vst v22;
	v16 =	vmul.f32 v17, v19;
	v17 =	vld [tilespmem:s22+$0xA0]  }
0x1c9: {  	v22 =	vld [tilespmem:s9+$0xFFFFFF50];
	[tilespmem:s20+$0xE0] =	vst v11;
	v11 =	vmul.f32 v32, v29  }
0x1ca: {  	v8 =	vmul.f32 v28, v8;
	v49 =	vld [tilespmem:s9+$0xE0];
	[tilespmem:s20+$0xFFFFFFB0] =	vst v16  }
0x1cb: {  	v16 =	vld [tilespmem:s9+$0xFFFFFFD0];
	[tilespmem:s20+$0x40] =	vst v11;
	v11 =	vmul.f32 v25, v20;
	v20 =	vbroadcast v0, $0x1  }
0x1cc: {  	[tilespmem:s21+$0xFFFFFEF0] =	vst v8;
	v25 =	vld [tilespmem:s9+$0x50];
	v8 =	vmul.f32 v26, v23  }
0x1cd: {  	v23 =	vbroadcast v5, $0x3;
	v26 =	vld [tilespmem:s22+$0xFFFFFF20];
	[tilespmem:s21+$0xFFFFFF80] =	vst v11;
	v11 =	vmul.f32 v17, v20  }
0x1ce: {  	v17 =	vld [tilespmem:s22+$0xFFFFFFA0];
	[tilespmem:s21+$0x10] =	vst v8;
	v8 =	vmul.f32 v22, v31  }
0x1cf: {  	v22 =	vmul.f32 v49, v23;
	v28 =	vld [tilespmem:s22+$0x20];
	[tilespmem:s21+$0xB0] =	vst v11  }
0x1d0: {  	v11 =	vbroadcast v10, $0x1;
	v16 =	vmul.f32 v16, v19;
	[tilespmem:s20+$0xFFFFFF30] =	vst v8;
	v19 =	vld [tilespmem:s22+$0xB0]  }
0x1d1: {  	v8 =	vbroadcast v14, $0x1;
	[tilespmem:s20+$0xF0] =	vst v22;
	v22 =	vmul.f32 v25, v29;
	v25 =	vld [tilespmem:s9+$0xFFFFFF60]  }
0x1d2: {  	v29 =	vbroadcast v13, $0x1;
	v31 =	vld [tilespmem:s9+$0xF0];
	[tilespmem:s20+$0xFFFFFFC0] =	vst v16;
	v16 =	vmul.f32 v26, v11  }
0x1d3: {  	v43 =	vld [tilespmem:s25+$0xFFFFFFF8];
	[tilespmem:s20+$0x50] =	vst v22;
	v17 =	vmul.f32 v17, v8  }
0x1d4: {  	v34 =	vbroadcast v7, $0x3;
	v35 =	vld [tilespmem:s9+$0x60];
	[tilespmem:s21+$0xFFFFFF00] =	vst v16;
	v16 =	vmul.f32 v28, v29  }
0x1d5: {  	v28 =	vld [tilespmem:s22+$0xFFFFFF30];
	[tilespmem:s21+$0xFFFFFF90] =	vst v17;
	v17 =	vmul.f32 v19, v20  }
0x1d6: {  	v19 =	vld [tilespmem:s22+$0xFFFFFFB0];
	[tilespmem:s21+$0x20] =	vst v16;
	v16 =	vmul.f32 v25, v34  }
0x1d7: {  	v50 =	vbroadcast v3, $0x3;
	v20 =	vld [tilespmem:s22+$0x30];
	v23 =	vmul.f32 v31, v23;
	[tilespmem:s21+$0xC0] =	vst v17  }
0x1d8: {  	s24 =	simm.s32 $0x1E10;
	[tilespmem:s20+$0xFFFFFF40] =	vst v16;
	v17 =	vld [tilespmem:s22+$0xC0]  }
0x1d9: {  	v52 =	vld [tilespmem:s24+$0x80];
	[tilespmem:s20+$0x100] =	vst v23;
	v23 =	vmul.f32 v35, v50  }
0x1da: {  	v25 =	vld [tilespmem:s9+$0xFFFFFF70];
	v11 =	vmul.f32 v28, v11  }
0x1db: {  	v26 =	vld [tilespmem:s9+$0xFFFFFFE0];
	v31 =	vbroadcast v0, $0x2;
	[tilespmem:s20+$0x60] =	vst v23;
	v8 =	vmul.f32 v19, v8  }
0x1dc: {  	v22 =	vld [tilespmem:s25+$0xFFFFFFFC];
	v23 =	vbroadcast v61, $0x0;
	[tilespmem:s21+$0xFFFFFF10] =	vst v11;
	v11 =	vmul.f32 v20, v29  }
0x1dd: {  	v19 =	vld [tilespmem:s24+$0xFFFFFF00];
	[tilespmem:s21+$0xFFFFFFA0] =	vst v8;
	v17 =	vmul.f32 v17, v31  }
0x1de: {  	v16 =	vbroadcast v4, $0x3;
	v8 =	vld [tilespmem:s24+$0xFFFFFF80];
	v20 =	vmul.f32 v23, v52;
	[tilespmem:s21+$0x30] =	vst v11  }
0x1df: {  	s25 =	simm.s32 $0x6EB0;
	v11 =	vmul.f32 v25, v34;
	v25 =	vld [tilespmem:s24+$0x0];
	[tilespmem:s21+$0xD0] =	vst v17  }
0x1e0: {  	v26 =	vmul.f32 v26, v16;
	[tilespmem:s25+$0x90] =	vst v20;
	v17 =	vld [tilespmem:s22+$0xD0]  }
0x1e1: {  	v20 =	vld [tilespmem:s22+$0xFFFFFF40];
	[tilespmem:s20+$0xFFFFFF50] =	vst v11;
	v11 =	vbroadcast v43, $0x0  }
0x1e2: {  	v5 =	vnsel vm0, $0x0, v5;
	v28 =	vbroadcast v22, $0x0;
	[tilespmem:s20+$0xFFFFFFD0] =	vst v26;
	v26 =	vld [tilespmem:s24+$0x90]  }
0x1e3: {  	v7 =	vnsel vm0, $0x0, v7;
	[tilespmem:s20+$0x110] =	vst v5;
	v46 =	vld [tilespmem:s9+$0x70];
	v19 =	vmul.f32 v11, v19  }
0x1e4: {  	[tilespmem:s20+$0xFFFFFF60] =	vst v7;
	v29 =	vbroadcast v40, $0x0;
	v7 =	vld [tilespmem:s22+$0xFFFFFFC0];
	v5 =	vmul.f32 v28, v8  }
0x1e5: {  	v8 =	vbroadcast v10, $0x2;
	[tilespmem:s25+$0xFFFFFEE0] =	vst v19;
	v17 =	vmul.f32 v17, v31;
	v31 =	vld [tilespmem:s22+$0x40]  }
0x1e6: {  	v53 =	vbroadcast v14, $0x2;
	v25 =	vmul.f32 v29, v25;
	[tilespmem:s25+$0xFFFFFF70] =	vst v5;
	v55 =	vld [tilespmem:s24+$0xFFFFFF10]  }
0x1e7: {  	v20 =	vmul.f32 v20, v8;
	v5 =	vmul.f32 v26, v23;
	v26 =	vld [tilespmem:s24+$0xFFFFFF90];
	[tilespmem:s21+$0xE0] =	vst v17  }
0x1e8: {  	v23 =	vbroadcast v13, $0x2;
	[tilespmem:s25+$0x0] =	vst v25;
	v19 =	vld [tilespmem:s22+$0xE0]  }
0x1e9: {  	v7 =	vmul.f32 v7, v53;
	v25 =	vld [tilespmem:s24+$0x10];
	[tilespmem:s21+$0xFFFFFF20] =	vst v20  }
0x1ea: {  	[tilespmem:s25+$0xA0] =	vst v5;
	v20 =	vld [tilespmem:s22+$0xFFFFFF50];
	v5 =	vmul.f32 v31, v23  }
0x1eb: {  	v37 =	vbroadcast v0, $0x3;
	[tilespmem:s21+$0xFFFFFFB0] =	vst v7;
	v11 =	vmul.f32 v55, v11;
	v31 =	vld [tilespmem:s24+$0xA0]  }
0x1ec: {  	v17 =	vld [tilespmem:s9+$0xFFFFFFF0];
	[tilespmem:s21+$0x40] =	vst v5;
	v5 =	vmul.f32 v26, v28  }
0x1ed: {  	[tilespmem:s25+$0xFFFFFEF0] =	vst v11;
	v7 =	vmul.f32 v19, v37;
	v19 =	vld [tilespmem:s22+$0xFFFFFFD0]  }
0x1ee: {  	v62 =	vbroadcast v14, $0x3;
	v26 =	vbroadcast v61, $0x1;
	v28 =	vld [tilespmem:s22+$0x50];
	[tilespmem:s25+$0xFFFFFF80] =	vst v5  }
0x1ef: {  	v63 =	vbroadcast v13, $0x3;
	v56 =	vld [tilespmem:s24+$0xFFFFFF20];
	[tilespmem:s21+$0xF0] =	vst v7;
	v7 =	vmul.f32 v25, v29  }
0x1f0: {  	v32 =	vmul.f32 v46, v50;
	v5 =	vmul.f32 v31, v26;
	v31 =	vld [tilespmem:s24+$0xFFFFFFA0]  }
0x1f1: {  	v11 =	vbroadcast v10, $0x3;
	v25 =	vld [tilespmem:s22+$0xF0];
	[tilespmem:s25+$0x10] =	vst v7;
	v7 =	vmul.f32 v20, v8  }
0x1f2: {  	v29 =	vbroadcast v43, $0x1;
	[tilespmem:s25+$0xB0] =	vst v5;
	v20 =	vld [tilespmem:s24+$0x20];
	v8 =	vmul.f32 v19, v53  }
0x1f3: {  	v5 =	vnsel vm0, $0x0, v4;
	v58 =	vld [tilespmem:s24+$0xB0];
	v4 =	vmul.f32 v28, v23;
	v28 =	vbroadcast v22, $0x1;
	[tilespmem:s21+$0xFFFFFF30] =	vst v7  }
0x1f4: {  	v35 =	vmul.f32 v56, v29;
	v7 =	vnsel vm0, $0x0, v3;
	v3 =	vnsel vm0, $0x0, v14;
	v38 =	vld [tilespmem:s22+$0xFFFFFF60];
	[tilespmem:s21+$0xFFFFFFC0] =	vst v8  }
0x1f5: {  	v8 =	vnsel vm0, $0x0, v0;
	v0 =	vbroadcast v40, $0x1;
	[tilespmem:s21+$0x50] =	vst v4;
	v14 =	vmul.f32 v31, v28;
	v41 =	vld [tilespmem:s22+$0xFFFFFFE0]  }
0x1f6: {  	v19 =	vbroadcast v22, $0x2;
	[tilespmem:s25+$0xFFFFFF00] =	vst v35;
	v23 =	vmul.f32 v25, v37;
	v44 =	vld [tilespmem:s22+$0x60]  }
0x1f7: {  	v4 =	vnsel vm0, $0x0, v13;
	v31 =	vmul.f32 v17, v16;
	[tilespmem:s25+$0xFFFFFF90] =	vst v14;
	v13 =	vmul.f32 v20, v0  }
0x1f8: {  	v16 =	vbroadcast v22, $0x3;
	v37 =	vld [tilespmem:s24+$0xFFFFFF30];
	[tilespmem:s21+$0x100] =	vst v23;
	v14 =	vmul.f32 v58, v26  }
0x1f9: {  	v17 =	vnsel vm0, $0x0, v40;
	v25 =	vbroadcast v43, $0x2;
	v35 =	vld [tilespmem:s24+$0xFFFFFFB0];
	[tilespmem:s25+$0x20] =	vst v13;
	v59 =	vmul.f32 v38, v11  }
0x1fa: {  	v20 =	vnsel vm0, $0x0, v10;
	v23 =	vbroadcast v40, $0x2;
	[tilespmem:s25+$0xC0] =	vst v14;
	v38 =	vld [tilespmem:s24+$0x30];
	v47 =	vmul.f32 v41, v62  }
0x1fb: {  	s29 =	simm.s32 $0x17F8;
	v10 =	vnsel vm0, $0x0, v61;
	v14 =	vbroadcast v40, $0x3;
	v41 =	vld [tilespmem:s24+$0xC0];
	v40 =	vmul.f32 v44, v63;
	[tilespmem:s21+$0xFFFFFF40] =	vst v59  }
0x1fc: {  	s31 =	simm.s32 $0x1E10;
	s4 =	simm.s32 $0x8;
	s9 =	simm.s32 $0x6EB0;
	v26 =	vbroadcast v43, $0x3;
	v13 =	vnsel vm0, $0x0, v22;
	v22 =	vnsel vm0, $0x0, v43;
	[tilespmem:s21+$0xFFFFFFD0] =	vst v47;
	v34 =	vld [tilespmem:s22+$0xFFFFFF70]  }
.LBB2_6:
0x1fd: {  	v43 =	vld [tilespmem:s29+$0x4];
	s4 =	sadd.s32 $0x4, s4;
	v29 =	vmul.f32 v37, v29;
	[tilespmem:s21+$0x60] =	vst v40  }
0x1fe: {  	s24 =	sadd.s32 $0x200, s24;
	v37 =	vld [tilespmem:s29+$0xFFFFFFFC];
	p0 =	slt.u32 s4, $0x4C;
	v28 =	vmul.f32 v35, v28;
	v35 =	vbroadcast v61, $0x2;
	[tilespmem:s20+$0xFFFFFFE0] =	vst v31  }
0x1ff: {  	v31 =	vld [tilespmem:s24+$0x80];
	[tilespmem:s25+$0xFFFFFF10] =	vst v29;
	v0 =	vmul.f32 v38, v0  }
0x200: {  	v38 =	vld [tilespmem:s29+$0x0];
	[tilespmem:s25+$0xFFFFFFA0] =	vst v28;
	v28 =	vmul.f32 v41, v35  }
0x201: {  	v40 =	vld [tilespmem:s29+$0xFFFFFFF8];
	[tilespmem:s25+$0x30] =	vst v0;
	v0 =	vmul.f32 v34, v11;
	v11 =	vmov v26  }
0x202: {  	v26 =	vld [tilespmem:s24+$0xFFFFFF00];
	v34 =	vbroadcast v43, $0x0;
	v41 =	vnsel vm0, $0x0, v43;
	[tilespmem:s25+$0xD0] =	vst v28  }
0x203: {  	v44 =	vbroadcast v37, $0x0;
	v28 =	vbroadcast v37, $0x1;
	v46 =	vnsel vm0, $0x0, v37;
	v47 =	vld [tilespmem:s31+$0xD0];
	[tilespmem:s21+$0xFFFFFF50] =	vst v0  }
0x204: {  	v50 =	vbroadcast v37, $0x2;
	v49 =	vld [tilespmem:s24+$0xFFFFFF80];
	v31 =	vmul.f32 v34, v31;
	[tilespmem:s20+$0x70] =	vst v32  }
0x205: {  	s25 =	sadd.s32 $0x240, s25;
	v32 =	vld [tilespmem:s24+$0x0];
	v52 =	vbroadcast v38, $0x0;
	v0 =	vbroadcast v38, $0x1;
	v53 =	vnsel vm0, $0x0, v38;
	[tilespmem:s21+$0xFFFFFF60] =	vst v20;
	v20 =	vmovc v22  }
0x206: {  	v55 =	vbroadcast v40, $0x0;
	v29 =	vbroadcast v40, $0x1;
	v22 =	vnsel vm0, $0x0, v40;
	[tilespmem:s25+$0x90] =	vst v31;
	v31 =	vld [tilespmem:s31+$0xFFFFFF40]  }
0x207: {  	v58 =	vbroadcast v38, $0x2;
	v56 =	vbroadcast v40, $0x2;
	v59 =	vld [tilespmem:s24+$0x90];
	[tilespmem:s20+$0xFFFFFFF0] =	vst v5;
	v5 =	vmovc v3;
	v3 =	vmovc v13;
	v13 =	vmov v46  }
0x208: {  	v46 =	vmul.f32 v55, v26;
	v6 =	vld [tilespmem:s31+$0xFFFFFFC0];
	v35 =	vmul.f32 v47, v35;
	[tilespmem:s20+$0x80] =	vst v7;
	v7 =	vmovc v4;
	v4 =	vmov v17;
	s20 =	smov.u32 s21;
	s21 =	smov.u32 s9;
	s9 =	smov.u32 s25  }
0x209: {  	v26 =	vbroadcast v40, $0x3;
	v17 =	vmovc v53;
	v40 =	vmul.f32 v44, v49;
	v47 =	vld [tilespmem:s31+$0x40];
	[tilespmem:s20+$0x110] =	vst v8;
	v8 =	vmovc v10;
	v10 =	vmov v41  }
0x20a: {  	v37 =	vbroadcast v37, $0x3;
	v32 =	vmul.f32 v52, v32;
	[tilespmem:s21+$0xE0] =	vst v35;
	v35 =	vld [tilespmem:s22+$0xFFFFFFF0]  }
0x20b: {  	[tilespmem:s25+$0xFFFFFEE0] =	vst v46;
	v46 =	vbroadcast v38, $0x3;
	v31 =	vmul.f32 v31, v25;
	v38 =	vld [tilespmem:s31+$0xE0]  }
0x20c: {  	v41 =	vld [tilespmem:s24+$0xFFFFFF10];
	[tilespmem:s25+$0xFFFFFF70] =	vst v40;
	v34 =	vmul.f32 v59, v34  }
0x20d: {  	v40 =	vld [tilespmem:s24+$0xFFFFFF90];
	[tilespmem:s25+$0x0] =	vst v32;
	v6 =	vmul.f32 v6, v19  }
0x20e: {  	v32 =	vld [tilespmem:s24+$0x10];
	[tilespmem:s25+$0xA0] =	vst v34;
	v34 =	vmul.f32 v47, v23;
	v47 =	vbroadcast v61, $0x3;
	v61 =	vmov v43  }
0x20f: {  	v43 =	vld [tilespmem:s24+$0xA0];
	[tilespmem:s21+$0xFFFFFF20] =	vst v31;
	v31 =	vmul.f32 v35, v62;
	v62 =	vmov v16;
	v16 =	vmov v37  }
0x210: {  	v35 =	vld [tilespmem:s31+$0xFFFFFF50];
	[tilespmem:s21+$0xFFFFFFB0] =	vst v6;
	v6 =	vmul.f32 v38, v47  }
0x211: {  	v37 =	vmul.f32 v41, v55;
	v38 =	vld [tilespmem:s31+$0xFFFFFFD0];
	[tilespmem:s21+$0x40] =	vst v34  }
0x212: {  	v34 =	vmul.f32 v40, v44;
	v40 =	vbroadcast v61, $0x1;
	v41 =	vld [tilespmem:s31+$0x50];
	[tilespmem:s21+$0xF0] =	vst v6  }
0x213: {  	[tilespmem:s25+$0xFFFFFEF0] =	vst v37;
	v6 =	vmul.f32 v32, v52;
	v32 =	vld [tilespmem:s31+$0xF0]  }
0x214: {  	v37 =	vld [tilespmem:s24+$0xFFFFFF20];
	[tilespmem:s25+$0xFFFFFF80] =	vst v34;
	v34 =	vmul.f32 v43, v40  }
0x215: {  	v43 =	vld [tilespmem:s24+$0xFFFFFFA0];
	[tilespmem:s25+$0x10] =	vst v6;
	v6 =	vmul.f32 v35, v25;
	v25 =	vmov v56  }
0x216: {  	v35 =	vld [tilespmem:s24+$0x20];
	[tilespmem:s25+$0xB0] =	vst v34;
	v34 =	vmul.f32 v38, v19;
	v19 =	vmov v50  }
0x217: {  	v38 =	vld [tilespmem:s24+$0xB0];
	[tilespmem:s21+$0xFFFFFF30] =	vst v6;
	v6 =	vmul.f32 v41, v23;
	v23 =	vmov v58  }
0x218: {  	v41 =	vld [tilespmem:s31+$0xFFFFFF60];
	[tilespmem:s21+$0xFFFFFFC0] =	vst v34;
	v32 =	vmul.f32 v32, v47  }
0x219: {  	v34 =	vmul.f32 v37, v29;
	v44 =	vld [tilespmem:s31+$0xFFFFFFE0];
	[tilespmem:s21+$0x50] =	vst v6  }
0x21a: {  	v6 =	vmul.f32 v43, v28;
	v43 =	vld [tilespmem:s31+$0x60];
	[tilespmem:s21+$0x100] =	vst v32  }
0x21b: {  	[tilespmem:s25+$0xFFFFFF00] =	vst v34;
	v32 =	vmul.f32 v35, v0;
	v47 =	vld [tilespmem:s22+$0x70];
	s22 =	smov.u32 s31;
	s31 =	smov.u32 s24  }
.Ltmp6:
0x21c: {  	v37 =	vld [tilespmem:s24+$0xFFFFFF30];
	[tilespmem:s25+$0xFFFFFF90] =	vst v6;
	v6 =	vmul.f32 v38, v40;
	(pc) =	sbr.rel @p0 .LBB2_6-.Ltmp6, $4  }
0x21d: {  	v35 =	vld [tilespmem:s24+$0xFFFFFFB0];
	[tilespmem:s25+$0x20] =	vst v32;
	v32 =	vmul.f32 v41, v11  }
0x21e: {  	v38 =	vld [tilespmem:s24+$0x30];
	[tilespmem:s25+$0xC0] =	vst v6;
	v6 =	vmul.f32 v44, v62  }
0x21f: {  	v41 =	vld [tilespmem:s24+$0xC0];
	[tilespmem:s21+$0xFFFFFF40] =	vst v32;
	v40 =	vmul.f32 v43, v14  }
0x220: {  	s29 =	sadd.s32 $0x10, s29;
	v34 =	vld [tilespmem:s22+$0xFFFFFF70];
	[tilespmem:s21+$0xFFFFFFD0] =	vst v6;
	v32 =	vmul.f32 v47, v63;
	v63 =	vmov v14;
	v14 =	vmov v46  }
0x221: {  	v6 =	vmul.f32 v37, v29;
	_ =	sdelay $0x1  }
0x222: {  	[tilespmem:s25+$0xFFFFFF10] =	vst v6  }
0x223: {  	v29 =	vbroadcast v61, $0x2;
	v6 =	vld [tilespmem:s31+$0xFFFFFF40];
	_ =	sdelay $0x1  }
0x224: {  	v53 =	vmul.f32 v41, v29  }
0x225: {  	v28 =	vmul.f32 v35, v28  }
0x226: {  	v0 =	vmul.f32 v38, v0;
	[tilespmem:s25+$0xD0] =	vst v53  }
0x227: {  	[tilespmem:s25+$0xFFFFFFA0] =	vst v28;
	v28 =	vld [tilespmem:s31+$0xD0];
	v6 =	vmul.f32 v6, v25  }
0x228: {  	[tilespmem:s25+$0x30] =	vst v0;
	v0 =	vld [tilespmem:s31+$0xFFFFFFC0]  }
0x229: {  	v55 =	vld [tilespmem:s31+$0x40];
	[tilespmem:s9+$0xFFFFFF20] =	vst v6  }
0x22a: {  	v6 =	vld [tilespmem:s31+$0xFFFFFF50]  }
0x22b: {  	[tilespmem:s21+$0x60] =	vst v40  }
0x22c: {  	[tilespmem:s20+$0xFFFFFFE0] =	vst v31;
	v28 =	vmul.f32 v28, v29  }
0x22d: {  	[tilespmem:s21+$0xFFFFFF60] =	vst v20;
	v0 =	vmul.f32 v0, v19  }
0x22e: {  	[tilespmem:s9+$0xE0] =	vst v28;
	v28 =	vmul.f32 v55, v23  }
0x22f: {  	[tilespmem:s9+$0xFFFFFFB0] =	vst v0;
	v29 =	vld [tilespmem:s31+$0xE0];
	v6 =	vmul.f32 v6, v25  }
0x230: {  	v0 =	vld [tilespmem:s31+$0xFFFFFFD0];
	[tilespmem:s9+$0x40] =	vst v28  }
0x231: {  	v25 =	vld [tilespmem:s31+$0x50];
	[tilespmem:s9+$0xFFFFFF30] =	vst v6  }
0x232: {  	[tilespmem:s20+$0xFFFFFFF0] =	vst v5;
	v11 =	vmul.f32 v34, v11;
	v28 =	vbroadcast v61, $0x3;
	v6 =	vld [tilespmem:s31+$0xFFFFFF60]  }
0x233: {  	[tilespmem:s20+$0x80] =	vst v7  }
0x234: {  	[tilespmem:s21+$0xFFFFFF50] =	vst v11;
	v11 =	vmul.f32 v29, v28  }
0x235: {  	[tilespmem:s21+$0x110] =	vst v8;
	v0 =	vmul.f32 v0, v19  }
0x236: {  	v20 =	vld [tilespmem:s22+$0xFFFFFFF0];
	[tilespmem:s9+$0xF0] =	vst v11;
	v11 =	vmul.f32 v25, v23  }
0x237: {  	v59 =	vld [tilespmem:s22+$0x70];
	[tilespmem:s9+$0xFFFFFFC0] =	vst v0;
	v6 =	vmul.f32 v6, v26  }
0x238: {  	v0 =	vld [tilespmem:s31+$0xFFFFFFE0];
	[tilespmem:s9+$0x50] =	vst v11  }
0x239: {  	v11 =	vld [tilespmem:s31+$0x60];
	[tilespmem:s9+$0xFFFFFF40] =	vst v6  }
0x23a: {  	[tilespmem:s21+$0xFFFFFFF0] =	vst v3;
	v56 =	vld [tilespmem:s31+$0xFFFFFF70]  }
0x23b: {  	[tilespmem:s20+$0x70] =	vst v32;
	v8 =	vmul.f32 v20, v62  }
0x23c: {  	[tilespmem:s21+$0x80] =	vst v4;
	v62 =	vmul.f32 v59, v63  }
0x23d: {  	[tilespmem:s21+$0xFFFFFFE0] =	vst v8;
	v0 =	vmul.f32 v0, v16  }
0x23e: {  	[tilespmem:s21+$0x70] =	vst v62;
	v19 =	vld [tilespmem:s31+$0xF0];
	v61 =	vmul.f32 v11, v14  }
0x23f: {  	[tilespmem:s9+$0xFFFFFFD0] =	vst v0;
	v0 =	vmul.f32 v56, v26  }
0x240: {  	v63 =	vld [tilespmem:s31+$0xFFFFFFF0];
	[tilespmem:s9+$0x60] =	vst v61  }
0x241: {  	[tilespmem:s9+$0xFFFFFF50] =	vst v0;
	v0 =	vld [tilespmem:s31+$0x70]  }
0x242: {  	[tilespmem:s9+$0x110] =	vst v10  }
0x243: {  	v58 =	vmul.f32 v19, v28;
	[tilespmem:s9+$0xFFFFFF60] =	vst v22  }
0x244: {  	[tilespmem:s9+$0xFFFFFFF0] =	vst v13  }
0x245: {  	[tilespmem:s9+$0x100] =	vst v58;
	v3 =	vmul.f32 v63, v16  }
0x246: {  	[tilespmem:s9+$0x80] =	vst v17;
	v0 =	vmul.f32 v0, v14  }
0x247: {  	p0 =	sgt.u32 s18, $0x7A;
	[tilespmem:s9+$0xFFFFFFE0] =	vst v3  }
0x248: {  	s4 =	smul.u32 @!p0 $0x50, s18;
	s31 =	simm.s32 $0xA0;
	[tilespmem:s9+$0x70] =	vst v0  }
0x249: {  	[spmem:s3] =	stream.indirect.scatter.add.f32 [tilespmem:s26], [sflag:$0x5], $0x90, s31, s0, $0xb8;
	[tilespmem:$0x1F5A0] =	vst v63  }
0x24a: {  	s4 =	sadd.s32 @!p0 s4, s23;
	_ =	swait.ge [sflag:s28], $0x2D00  }
0x24b: {  	s9 =	sshrl.u32 @!p0 s4, $0x3;
	[sflag:s28] =	ssyncset.done $0x0  }
0x24c: {  	s21 =	simm.s32 @!p0 $0x0;
	s20 =	sadd.s32 @!p0 s7, s9;
	[sflag:s28] =	ssyncadd.s32 $0xFFFFD300  }
0x24d: {  	[tilespmem:s21], [sflag:$0x3] =	stream.linear.gather @!p0 [hbm4b:s20+s21], $0x50, $0x38;
	[tilespmem:$0x1F5A0] =	vst v63  }
0x24e: {  	s4 =	sshrl.u32 @!p0 s4, $0x1;
	s9 =	sadd.s32 @!p0 s8, s9;
	s20 =	simm.s32 @!p0 $0xA0  }
0x24f: {  	[tilespmem:s20], [sflag:$0x3] =	stream.linear.gather @!p0 [hbm4b:s9+s21], $0x50, $0x38;
	[tilespmem:$0x1F5A0] =	vst v63  }
0x250: {  	s4 =	sadd.s32 @!p0 s6, s4;
	s9 =	simm.s32 @!p0 $0x140  }
0x251: {  	[tilespmem:s9], [sflag:$0x3] =	stream.linear.gather @!p0 [hbm4b:s4+s21], $0x140, $0x38;
	[tilespmem:$0x1F5A0] =	vst v63  }
0x252: {  	p0 =	seq.s32 s19, $0x0  }
.Ltmp7:
0x253: {  	_ = 	snop;
	(pc) =	sbr.rel @p0 .LBB2_11-.Ltmp7, $1  }
0x254: {  	_ =	sdelay $0x3  }
.LBB2_8:
0x255: {  	_ =	swait.ge [sflag:s13], $0x500  }
0x256: {  	[sflag:s13] =	ssyncset.done $0x0  }
0x257: {  	[sflag:s13] =	ssyncadd.s32 $0xFFFFFB00  }
0x258: {  	_ =	swait.ge [sflag:s13], $0x500  }
0x259: {  	[sflag:s13] =	ssyncset.done $0x0  }
0x25a: {  	[sflag:s13] =	ssyncadd.s32 $0xFFFFFB00  }
0x25b: {  	_ =	swait.ge [sflag:s13], $0x2800  }
0x25c: {  	p0 =	seq.s32 s18, $0x7C;
	[sflag:s13] =	ssyncset.done $0x0  }
0x25d: {  	s4 =	simm.s32 @!p0 $0x3;
	[sflag:s13] =	ssyncadd.s32 $0xFFFFD800  }
0x25e: {  	_ =	swait.ge @!p0 [sflag:s4], $0x50  }
0x25f: {  	[sflag:s4] =	ssyncset.done @!p0 $0x0  }
0x260: {  	[sflag:s4] =	ssyncadd.s32 @!p0 $0xFFFFFFB0  }
0x261: {  	_ =	swait.ge @!p0 [sflag:s4], $0x50  }
0x262: {  	[sflag:s4] =	ssyncset.done @!p0 $0x0  }
0x263: {  	[sflag:s4] =	ssyncadd.s32 @!p0 $0xFFFFFFB0  }
0x264: {  	_ =	swait.ge @!p0 [sflag:s4], $0x140  }
0x265: {  	v0 =	vld [tilespmem:$0x1FFE0]  }
0x266: {  	s9 =	simm.s32 @!p0 $0x0;
	[sflag:s4] =	ssyncset.done @!p0 $0x0;
	v3 =	vld [tilespmem:$0x1FD70]  }
0x267: {  	s19 =	simm.s32 @!p0 $0x3C0;
	[sflag:s4] =	ssyncadd.s32 @!p0 $0xFFFFFEC0;
	s4 =	simm.s32 @!p0 $0x50  }
0x268: {  	[tilespmem:s19], [sflag:$0x1] =	stream.indirect.gather @!p0 [hbm4b:s5+s4], $0x10, s9, s4, $0xb8;
	[tilespmem:$0x1F5A0] =	vst v63  }
0x269: {  	s20 =	simm.s32 @!p0 $0xDC0;
	s19 =	simm.s32 @!p0 $0xA0  }
0x26a: {  	[tilespmem:s20], [sflag:$0x1] =	stream.indirect.gather @!p0 [hbm4b:s5+s4], $0x10, s19, s4, $0xb8;
	[tilespmem:$0x1F5A0] =	vst v63  }
0x26b: {  	s19 =	simm.s32 @!p0 $0x1910  }
0x26c: {  	[tilespmem:s19], [sflag:$0x1] =	stream.indirect.gather @!p0 [hbm4b:s1+s4], $0x80, s9, s4, $0xb8;
	[tilespmem:$0x1F5A0] =	vst v63  }
0x26d: {  	v0 =	vld.idx.msk [tilespmem:v0+s14+$0x0], $0xffff  }
0x26e: {  	v3 =	vld.idx.msk [tilespmem:v3+s15+$0x0], $0xffff;
	_ =	sdelay $0x1  }
0x26f: {  	v4 =	vld.idx.msk [tilespmem:v1+s12+$0x0], $0xffff;
	_ =	sdelay $0x2  }
0x270: {  	v0 =	vadd.f32 v3, v0;
	_ =	sdelay $0x1  }
0x271: {  	v0 =	vadd.f32 v4, v0;
	_ =	sdelay $0x1  }
0x272: {  	v3 =	vmul.f32 $9.999999770e-03, v0  }
0x273: {  	vm1 =	vgt.f32 v0, $0.0e+00  }
0x274: {  	v0 =	vsel vm1, v0, v3  }
0x275: {  	v0 =	vmul.f32 $1.442695020e+00, v0;
	_ =	sdelay $0x1  }
0x276: {  	(erf) = vpow2.f32 v0;
	_ =	sdelay $0x8  }
0x277: {  	v3 =	vld [tilespmem:$0x1FD90];
	v0 =	vpop (erf)  }
0x278: {  	[tilespmem:v1+s16+$0x0] =	vst.idx.msk $0xffff, v0;
	v0 =	vld [tilespmem:$0x1FD80];
	_ =	sdelay $0x1  }
0x279: {  	v5 =	vld [tilespmem:$0x1FDA0];
	_ =	sdelay $0x4  }
0x27a: {  	v3 =	vld.idx.msk [tilespmem:v3+s15+$0x0], $0xffff  }
0x27b: {  	v0 =	vld.idx.msk [tilespmem:v0+s14+$0x0], $0xffff;
	_ =	sdelay $0x1  }
0x27c: {  	v4 =	vld.idx.msk [tilespmem:v5+s12+$0x0], $0xffff;
	_ =	sdelay $0x2  }
0x27d: {  	v0 =	vadd.f32 v3, v0;
	_ =	sdelay $0x1  }
0x27e: {  	v0 =	vadd.f32 v4, v0;
	_ =	sdelay $0x1  }
0x27f: {  	v3 =	vmul.f32 $9.999999770e-03, v0  }
0x280: {  	vm1 =	vgt.f32 v0, $0.0e+00  }
0x281: {  	v0 =	vsel vm1, v0, v3  }
0x282: {  	v0 =	vmul.f32 $1.442695020e+00, v0;
	_ =	sdelay $0x1  }
0x283: {  	(erf) = vpow2.f32 v0;
	_ =	sdelay $0x8  }
0x284: {  	v3 =	vld [tilespmem:$0x1FDC0];
	v0 =	vpop (erf)  }
0x285: {  	[tilespmem:v5+s16+$0x0] =	vst.idx.msk $0xffff, v0;
	v0 =	vld [tilespmem:$0x1FDB0];
	_ =	sdelay $0x6  }
0x286: {  	v3 =	vld.idx.msk [tilespmem:v3+s15+$0x0], $0xffff  }
0x287: {  	v0 =	vld.idx.msk [tilespmem:v0+s14+$0x0], $0xffff;
	_ =	sdelay $0x1  }
0x288: {  	v4 =	vld.idx.msk [tilespmem:v9+s12+$0x0], $0xffff;
	_ =	sdelay $0x2  }
0x289: {  	v0 =	vadd.f32 v3, v0;
	_ =	sdelay $0x1  }
0x28a: {  	v0 =	vadd.f32 v4, v0;
	_ =	sdelay $0x1  }
0x28b: {  	v3 =	vmul.f32 $9.999999770e-03, v0  }
0x28c: {  	vm1 =	vgt.f32 v0, $0.0e+00  }
0x28d: {  	v0 =	vsel vm1, v0, v3  }
0x28e: {  	v0 =	vmul.f32 $1.442695020e+00, v0;
	_ =	sdelay $0x1  }
0x28f: {  	(erf) = vpow2.f32 v0;
	_ =	sdelay $0x8  }
0x290: {  	v3 =	vld [tilespmem:$0x1FDE0];
	v0 =	vpop (erf)  }
0x291: {  	[tilespmem:v9+s16+$0x0] =	vst.idx.msk $0xffff, v0;
	v0 =	vld [tilespmem:$0x1FDD0];
	_ =	sdelay $0x6  }
0x292: {  	v3 =	vld.idx.msk [tilespmem:v3+s15+$0x0], $0xffff  }
0x293: {  	v0 =	vld.idx.msk [tilespmem:v0+s14+$0x0], $0xffff;
	_ =	sdelay $0x1  }
0x294: {  	v4 =	vld.idx.msk [tilespmem:v12+s12+$0x0], $0xffff;
	_ =	sdelay $0x2  }
0x295: {  	v0 =	vadd.f32 v3, v0;
	_ =	sdelay $0x1  }
0x296: {  	v0 =	vadd.f32 v4, v0;
	_ =	sdelay $0x1  }
0x297: {  	v3 =	vmul.f32 $9.999999770e-03, v0  }
0x298: {  	vm1 =	vgt.f32 v0, $0.0e+00  }
0x299: {  	v0 =	vsel vm1, v0, v3  }
0x29a: {  	v0 =	vmul.f32 $1.442695020e+00, v0;
	_ =	sdelay $0x1  }
0x29b: {  	(erf) = vpow2.f32 v0;
	_ =	sdelay $0x8  }
0x29c: {  	v3 =	vld [tilespmem:$0x1FE00];
	v0 =	vpop (erf)  }
0x29d: {  	[tilespmem:v12+s16+$0x0] =	vst.idx.msk $0xffff, v0;
	v0 =	vld [tilespmem:$0x1FDF0];
	_ =	sdelay $0x6  }
0x29e: {  	v3 =	vld.idx.msk [tilespmem:v3+s15+$0x0], $0xffff  }
0x29f: {  	v0 =	vld.idx.msk [tilespmem:v0+s14+$0x0], $0xffff;
	_ =	sdelay $0x1  }
0x2a0: {  	v4 =	vld.idx.msk [tilespmem:v15+s12+$0x0], $0xffff;
	_ =	sdelay $0x2  }
0x2a1: {  	v0 =	vadd.f32 v3, v0;
	_ =	sdelay $0x1  }
0x2a2: {  	v0 =	vadd.f32 v4, v0;
	_ =	sdelay $0x1  }
0x2a3: {  	v3 =	vmul.f32 $9.999999770e-03, v0  }
0x2a4: {  	vm1 =	vgt.f32 v0, $0.0e+00  }
0x2a5: {  	v0 =	vsel vm1, v0, v3  }
0x2a6: {  	v0 =	vmul.f32 $1.442695020e+00, v0;
	_ =	sdelay $0x1  }
0x2a7: {  	(erf) = vpow2.f32 v0;
	_ =	sdelay $0x8  }
0x2a8: {  	v3 =	vld [tilespmem:$0x1FE20];
	v0 =	vpop (erf)  }
0x2a9: {  	[tilespmem:v15+s16+$0x0] =	vst.idx.msk $0xffff, v0;
	v0 =	vld [tilespmem:$0x1FE10];
	_ =	sdelay $0x6  }
0x2aa: {  	v3 =	vld.idx.msk [tilespmem:v3+s15+$0x0], $0xffff  }
0x2ab: {  	v0 =	vld.idx.msk [tilespmem:v0+s14+$0x0], $0xffff;
	_ =	sdelay $0x1  }
0x2ac: {  	v4 =	vld.idx.msk [tilespmem:v18+s12+$0x0], $0xffff;
	_ =	sdelay $0x2  }
0x2ad: {  	v0 =	vadd.f32 v3, v0;
	_ =	sdelay $0x1  }
0x2ae: {  	v0 =	vadd.f32 v4, v0;
	_ =	sdelay $0x1  }
0x2af: {  	v3 =	vmul.f32 $9.999999770e-03, v0  }
0x2b0: {  	vm1 =	vgt.f32 v0, $0.0e+00  }
0x2b1: {  	v0 =	vsel vm1, v0, v3  }
0x2b2: {  	v0 =	vmul.f32 $1.442695020e+00, v0;
	_ =	sdelay $0x1  }
0x2b3: {  	(erf) = vpow2.f32 v0;
	_ =	sdelay $0x8  }
0x2b4: {  	v3 =	vld [tilespmem:$0x1FE40];
	v0 =	vpop (erf)  }
0x2b5: {  	[tilespmem:v18+s16+$0x0] =	vst.idx.msk $0xffff, v0;
	v0 =	vld [tilespmem:$0x1FE30];
	_ =	sdelay $0x6  }
0x2b6: {  	v3 =	vld.idx.msk [tilespmem:v3+s15+$0x0], $0xffff  }
0x2b7: {  	v0 =	vld.idx.msk [tilespmem:v0+s14+$0x0], $0xffff;
	_ =	sdelay $0x1  }
0x2b8: {  	v4 =	vld.idx.msk [tilespmem:v21+s12+$0x0], $0xffff;
	_ =	sdelay $0x2  }
0x2b9: {  	v0 =	vadd.f32 v3, v0;
	_ =	sdelay $0x1  }
0x2ba: {  	v0 =	vadd.f32 v4, v0;
	_ =	sdelay $0x1  }
0x2bb: {  	v3 =	vmul.f32 $9.999999770e-03, v0  }
0x2bc: {  	vm1 =	vgt.f32 v0, $0.0e+00  }
0x2bd: {  	v0 =	vsel vm1, v0, v3  }
0x2be: {  	v0 =	vmul.f32 $1.442695020e+00, v0;
	_ =	sdelay $0x1  }
0x2bf: {  	(erf) = vpow2.f32 v0;
	_ =	sdelay $0x8  }
0x2c0: {  	v3 =	vld [tilespmem:$0x1FE60];
	v0 =	vpop (erf)  }
0x2c1: {  	[tilespmem:v21+s16+$0x0] =	vst.idx.msk $0xffff, v0;
	v0 =	vld [tilespmem:$0x1FE50];
	_ =	sdelay $0x6  }
0x2c2: {  	v3 =	vld.idx.msk [tilespmem:v3+s15+$0x0], $0xffff  }
0x2c3: {  	v0 =	vld.idx.msk [tilespmem:v0+s14+$0x0], $0xffff;
	_ =	sdelay $0x1  }
0x2c4: {  	v4 =	vld.idx.msk [tilespmem:v24+s12+$0x0], $0xffff;
	_ =	sdelay $0x2  }
0x2c5: {  	v0 =	vadd.f32 v3, v0;
	_ =	sdelay $0x1  }
0x2c6: {  	v0 =	vadd.f32 v4, v0;
	_ =	sdelay $0x1  }
0x2c7: {  	v3 =	vmul.f32 $9.999999770e-03, v0  }
0x2c8: {  	vm1 =	vgt.f32 v0, $0.0e+00  }
0x2c9: {  	v0 =	vsel vm1, v0, v3  }
0x2ca: {  	v0 =	vmul.f32 $1.442695020e+00, v0;
	_ =	sdelay $0x1  }
0x2cb: {  	(erf) = vpow2.f32 v0;
	_ =	sdelay $0x8  }
0x2cc: {  	v3 =	vld [tilespmem:$0x1FE80];
	v0 =	vpop (erf)  }
0x2cd: {  	[tilespmem:v24+s16+$0x0] =	vst.idx.msk $0xffff, v0;
	v0 =	vld [tilespmem:$0x1FE70];
	_ =	sdelay $0x6  }
0x2ce: {  	v3 =	vld.idx.msk [tilespmem:v3+s15+$0x0], $0xffff  }
0x2cf: {  	v0 =	vld.idx.msk [tilespmem:v0+s14+$0x0], $0xffff;
	_ =	sdelay $0x1  }
0x2d0: {  	v4 =	vld.idx.msk [tilespmem:v27+s12+$0x0], $0xffff;
	_ =	sdelay $0x2  }
0x2d1: {  	v0 =	vadd.f32 v3, v0;
	_ =	sdelay $0x1  }
0x2d2: {  	v0 =	vadd.f32 v4, v0;
	_ =	sdelay $0x1  }
0x2d3: {  	v3 =	vmul.f32 $9.999999770e-03, v0  }
0x2d4: {  	vm1 =	vgt.f32 v0, $0.0e+00  }
0x2d5: {  	v0 =	vsel vm1, v0, v3  }
0x2d6: {  	v0 =	vmul.f32 $1.442695020e+00, v0;
	_ =	sdelay $0x1  }
0x2d7: {  	(erf) = vpow2.f32 v0;
	_ =	sdelay $0x8  }
0x2d8: {  	v3 =	vld [tilespmem:$0x1FEA0];
	v0 =	vpop (erf)  }
0x2d9: {  	[tilespmem:v27+s16+$0x0] =	vst.idx.msk $0xffff, v0;
	v0 =	vld [tilespmem:$0x1FE90];
	_ =	sdelay $0x6  }
0x2da: {  	v3 =	vld.idx.msk [tilespmem:v3+s15+$0x0], $0xffff  }
0x2db: {  	v0 =	vld.idx.msk [tilespmem:v0+s14+$0x0], $0xffff;
	_ =	sdelay $0x1  }
0x2dc: {  	v4 =	vld.idx.msk [tilespmem:v30+s12+$0x0], $0xffff;
	_ =	sdelay $0x2  }
0x2dd: {  	v0 =	vadd.f32 v3, v0;
	_ =	sdelay $0x1  }
0x2de: {  	v0 =	vadd.f32 v4, v0;
	_ =	sdelay $0x1  }
0x2df: {  	v3 =	vmul.f32 $9.999999770e-03, v0  }
0x2e0: {  	vm1 =	vgt.f32 v0, $0.0e+00  }
0x2e1: {  	v0 =	vsel vm1, v0, v3  }
0x2e2: {  	v0 =	vmul.f32 $1.442695020e+00, v0;
	_ =	sdelay $0x1  }
0x2e3: {  	(erf) = vpow2.f32 v0;
	_ =	sdelay $0x8  }
0x2e4: {  	v3 =	vld [tilespmem:$0x1FEC0];
	v0 =	vpop (erf)  }
0x2e5: {  	[tilespmem:v30+s16+$0x0] =	vst.idx.msk $0xffff, v0;
	v0 =	vld [tilespmem:$0x1FEB0];
	_ =	sdelay $0x6  }
0x2e6: {  	v3 =	vld.idx.msk [tilespmem:v3+s15+$0x0], $0xffff  }
0x2e7: {  	v0 =	vld.idx.msk [tilespmem:v0+s14+$0x0], $0xffff;
	_ =	sdelay $0x1  }
0x2e8: {  	v4 =	vld.idx.msk [tilespmem:v33+s12+$0x0], $0xffff;
	_ =	sdelay $0x2  }
0x2e9: {  	v0 =	vadd.f32 v3, v0;
	_ =	sdelay $0x1  }
0x2ea: {  	v0 =	vadd.f32 v4, v0;
	_ =	sdelay $0x1  }
0x2eb: {  	v3 =	vmul.f32 $9.999999770e-03, v0  }
0x2ec: {  	vm1 =	vgt.f32 v0, $0.0e+00  }
0x2ed: {  	v0 =	vsel vm1, v0, v3  }
0x2ee: {  	v0 =	vmul.f32 $1.442695020e+00, v0;
	_ =	sdelay $0x1  }
0x2ef: {  	(erf) = vpow2.f32 v0;
	_ =	sdelay $0x8  }
0x2f0: {  	v3 =	vld [tilespmem:$0x1FEE0];
	v0 =	vpop (erf)  }
0x2f1: {  	[tilespmem:v33+s16+$0x0] =	vst.idx.msk $0xffff, v0;
	v0 =	vld [tilespmem:$0x1FED0];
	_ =	sdelay $0x6  }
0x2f2: {  	v3 =	vld.idx.msk [tilespmem:v3+s15+$0x0], $0xffff  }
0x2f3: {  	v0 =	vld.idx.msk [tilespmem:v0+s14+$0x0], $0xffff;
	_ =	sdelay $0x1  }
0x2f4: {  	v4 =	vld.idx.msk [tilespmem:v36+s12+$0x0], $0xffff;
	_ =	sdelay $0x2  }
0x2f5: {  	v0 =	vadd.f32 v3, v0;
	_ =	sdelay $0x1  }
0x2f6: {  	v0 =	vadd.f32 v4, v0;
	_ =	sdelay $0x1  }
0x2f7: {  	v3 =	vmul.f32 $9.999999770e-03, v0  }
0x2f8: {  	vm1 =	vgt.f32 v0, $0.0e+00  }
0x2f9: {  	v0 =	vsel vm1, v0, v3  }
0x2fa: {  	v0 =	vmul.f32 $1.442695020e+00, v0;
	_ =	sdelay $0x1  }
0x2fb: {  	(erf) = vpow2.f32 v0;
	_ =	sdelay $0x8  }
0x2fc: {  	v3 =	vld [tilespmem:$0x1FF00];
	v0 =	vpop (erf)  }
0x2fd: {  	[tilespmem:v36+s16+$0x0] =	vst.idx.msk $0xffff, v0;
	v0 =	vld [tilespmem:$0x1FEF0];
	_ =	sdelay $0x6  }
0x2fe: {  	v3 =	vld.idx.msk [tilespmem:v3+s15+$0x0], $0xffff  }
0x2ff: {  	v0 =	vld.idx.msk [tilespmem:v0+s14+$0x0], $0xffff;
	_ =	sdelay $0x1  }
0x300: {  	v4 =	vld.idx.msk [tilespmem:v39+s12+$0x0], $0xffff;
	_ =	sdelay $0x2  }
0x301: {  	v0 =	vadd.f32 v3, v0;
	_ =	sdelay $0x1  }
0x302: {  	v0 =	vadd.f32 v4, v0;
	_ =	sdelay $0x1  }
0x303: {  	v3 =	vmul.f32 $9.999999770e-03, v0  }
0x304: {  	vm1 =	vgt.f32 v0, $0.0e+00  }
0x305: {  	v0 =	vsel vm1, v0, v3  }
0x306: {  	v0 =	vmul.f32 $1.442695020e+00, v0;
	_ =	sdelay $0x1  }
0x307: {  	(erf) = vpow2.f32 v0;
	_ =	sdelay $0x8  }
0x308: {  	v3 =	vld [tilespmem:$0x1FF20];
	v0 =	vpop (erf)  }
0x309: {  	[tilespmem:v39+s16+$0x0] =	vst.idx.msk $0xffff, v0;
	v0 =	vld [tilespmem:$0x1FF10];
	_ =	sdelay $0x6  }
0x30a: {  	v3 =	vld.idx.msk [tilespmem:v3+s15+$0x0], $0xffff  }
0x30b: {  	v0 =	vld.idx.msk [tilespmem:v0+s14+$0x0], $0xffff;
	_ =	sdelay $0x1  }
0x30c: {  	v4 =	vld.idx.msk [tilespmem:v42+s12+$0x0], $0xffff;
	_ =	sdelay $0x2  }
0x30d: {  	v0 =	vadd.f32 v3, v0;
	_ =	sdelay $0x1  }
0x30e: {  	v0 =	vadd.f32 v4, v0;
	_ =	sdelay $0x1  }
0x30f: {  	v3 =	vmul.f32 $9.999999770e-03, v0  }
0x310: {  	vm1 =	vgt.f32 v0, $0.0e+00  }
0x311: {  	v0 =	vsel vm1, v0, v3  }
0x312: {  	v0 =	vmul.f32 $1.442695020e+00, v0;
	_ =	sdelay $0x1  }
0x313: {  	(erf) = vpow2.f32 v0;
	_ =	sdelay $0x8  }
0x314: {  	v3 =	vld [tilespmem:$0x1FF40];
	v0 =	vpop (erf)  }
0x315: {  	[tilespmem:v42+s16+$0x0] =	vst.idx.msk $0xffff, v0;
	v0 =	vld [tilespmem:$0x1FF30];
	_ =	sdelay $0x6  }
0x316: {  	v3 =	vld.idx.msk [tilespmem:v3+s15+$0x0], $0xffff  }
0x317: {  	v0 =	vld.idx.msk [tilespmem:v0+s14+$0x0], $0xffff;
	_ =	sdelay $0x1  }
0x318: {  	v4 =	vld.idx.msk [tilespmem:v45+s12+$0x0], $0xffff;
	_ =	sdelay $0x2  }
0x319: {  	v0 =	vadd.f32 v3, v0;
	_ =	sdelay $0x1  }
0x31a: {  	v0 =	vadd.f32 v4, v0;
	_ =	sdelay $0x1  }
0x31b: {  	v3 =	vmul.f32 $9.999999770e-03, v0  }
0x31c: {  	vm1 =	vgt.f32 v0, $0.0e+00  }
0x31d: {  	v0 =	vsel vm1, v0, v3  }
0x31e: {  	v0 =	vmul.f32 $1.442695020e+00, v0;
	_ =	sdelay $0x1  }
0x31f: {  	(erf) = vpow2.f32 v0;
	_ =	sdelay $0x8  }
0x320: {  	v3 =	vld [tilespmem:$0x1FF60];
	v0 =	vpop (erf)  }
0x321: {  	[tilespmem:v45+s16+$0x0] =	vst.idx.msk $0xffff, v0;
	v0 =	vld [tilespmem:$0x1FF50];
	_ =	sdelay $0x6  }
0x322: {  	v3 =	vld.idx.msk [tilespmem:v3+s15+$0x0], $0xffff  }
0x323: {  	v0 =	vld.idx.msk [tilespmem:v0+s14+$0x0], $0xffff;
	_ =	sdelay $0x1  }
0x324: {  	v4 =	vld.idx.msk [tilespmem:v48+s12+$0x0], $0xffff;
	_ =	sdelay $0x2  }
0x325: {  	v0 =	vadd.f32 v3, v0;
	_ =	sdelay $0x1  }
0x326: {  	v0 =	vadd.f32 v4, v0;
	_ =	sdelay $0x1  }
0x327: {  	v3 =	vmul.f32 $9.999999770e-03, v0  }
0x328: {  	vm1 =	vgt.f32 v0, $0.0e+00  }
0x329: {  	v0 =	vsel vm1, v0, v3  }
0x32a: {  	v0 =	vmul.f32 $1.442695020e+00, v0;
	_ =	sdelay $0x1  }
0x32b: {  	(erf) = vpow2.f32 v0;
	_ =	sdelay $0x8  }
0x32c: {  	v3 =	vld [tilespmem:$0x1FF80];
	v0 =	vpop (erf)  }
0x32d: {  	[tilespmem:v48+s16+$0x0] =	vst.idx.msk $0xffff, v0;
	v0 =	vld [tilespmem:$0x1FF70];
	_ =	sdelay $0x6  }
0x32e: {  	v3 =	vld.idx.msk [tilespmem:v3+s15+$0x0], $0xffff  }
0x32f: {  	v0 =	vld.idx.msk [tilespmem:v0+s14+$0x0], $0xffff;
	_ =	sdelay $0x1  }
0x330: {  	v4 =	vld.idx.msk [tilespmem:v51+s12+$0x0], $0xffff;
	_ =	sdelay $0x2  }
0x331: {  	v0 =	vadd.f32 v3, v0;
	_ =	sdelay $0x1  }
0x332: {  	v0 =	vadd.f32 v4, v0;
	_ =	sdelay $0x1  }
0x333: {  	v3 =	vmul.f32 $9.999999770e-03, v0  }
0x334: {  	vm1 =	vgt.f32 v0, $0.0e+00  }
0x335: {  	v0 =	vsel vm1, v0, v3  }
0x336: {  	v0 =	vmul.f32 $1.442695020e+00, v0;
	_ =	sdelay $0x1  }
0x337: {  	(erf) = vpow2.f32 v0;
	_ =	sdelay $0x8  }
0x338: {  	v3 =	vld [tilespmem:$0x1FFA0];
	v0 =	vpop (erf)  }
0x339: {  	[tilespmem:v51+s16+$0x0] =	vst.idx.msk $0xffff, v0;
	v0 =	vld [tilespmem:$0x1FF90];
	_ =	sdelay $0x6  }
0x33a: {  	v3 =	vld.idx.msk [tilespmem:v3+s15+$0x0], $0xffff  }
0x33b: {  	v0 =	vld.idx.msk [tilespmem:v0+s14+$0x0], $0xffff;
	_ =	sdelay $0x1  }
0x33c: {  	v4 =	vld.idx.msk [tilespmem:v54+s12+$0x0], $0xffff;
	_ =	sdelay $0x2  }
0x33d: {  	v0 =	vadd.f32 v3, v0;
	_ =	sdelay $0x1  }
0x33e: {  	v0 =	vadd.f32 v4, v0;
	_ =	sdelay $0x1  }
0x33f: {  	v3 =	vmul.f32 $9.999999770e-03, v0  }
0x340: {  	vm1 =	vgt.f32 v0, $0.0e+00  }
0x341: {  	v0 =	vsel vm1, v0, v3  }
0x342: {  	v0 =	vmul.f32 $1.442695020e+00, v0;
	_ =	sdelay $0x1  }
0x343: {  	(erf) = vpow2.f32 v0;
	_ =	sdelay $0x8  }
0x344: {  	v3 =	vld [tilespmem:$0x1FFC0];
	v0 =	vpop (erf)  }
0x345: {  	[tilespmem:v54+s16+$0x0] =	vst.idx.msk $0xffff, v0;
	v0 =	vld [tilespmem:$0x1FFB0];
	_ =	sdelay $0x6  }
0x346: {  	v3 =	vld.idx.msk [tilespmem:v3+s15+$0x0], $0xffff  }
0x347: {  	v0 =	vld.idx.msk [tilespmem:v0+s14+$0x0], $0xffff;
	_ =	sdelay $0x1  }
0x348: {  	v4 =	vld.idx.msk [tilespmem:v57+s12+$0x0], $0xffff;
	_ =	sdelay $0x2  }
0x349: {  	v0 =	vadd.f32 v3, v0;
	_ =	sdelay $0x1  }
0x34a: {  	v0 =	vadd.f32 v4, v0;
	_ =	sdelay $0x1  }
0x34b: {  	v3 =	vmul.f32 $9.999999770e-03, v0  }
0x34c: {  	vm1 =	vgt.f32 v0, $0.0e+00  }
0x34d: {  	v0 =	vsel vm1, v0, v3  }
0x34e: {  	v0 =	vmul.f32 $1.442695020e+00, v0;
	_ =	sdelay $0x1  }
0x34f: {  	(erf) = vpow2.f32 v0;
	_ =	sdelay $0x8  }
0x350: {  	v3 =	vld [tilespmem:$0x1FFF0];
	v0 =	vpop (erf)  }
0x351: {  	[tilespmem:v57+s16+$0x0] =	vst.idx.msk $0xffff, v0;
	v0 =	vld [tilespmem:$0x1FFD0];
	_ =	sdelay $0x6  }
0x352: {  	v3 =	vld.idx.msk [tilespmem:v3+s15+$0x0], $0xffff  }
0x353: {  	v0 =	vld.idx.msk [tilespmem:v0+s14+$0x0], $0xffff;
	_ =	sdelay $0x1  }
0x354: {  	v4 =	vld.idx.msk [tilespmem:v60+s12+$0x0], $0xffff;
	_ =	sdelay $0x2  }
0x355: {  	v0 =	vadd.f32 v3, v0;
	_ =	sdelay $0x1  }
0x356: {  	v0 =	vadd.f32 v4, v0;
	_ =	sdelay $0x1  }
0x357: {  	v3 =	vmul.f32 $9.999999770e-03, v0  }
0x358: {  	vm1 =	vgt.f32 v0, $0.0e+00  }
0x359: {  	v0 =	vsel vm1, v0, v3  }
0x35a: {  	v0 =	vmul.f32 $1.442695020e+00, v0;
	_ =	sdelay $0x1  }
0x35b: {  	(erf) = vpow2.f32 v0;
	_ =	sdelay $0x8  }
0x35c: {  	v0 =	vpop (erf)  }
0x35d: {  	s24 =	simm.s32 $0x17C8;
	[tilespmem:v60+s16+$0x0] =	vst.idx.msk $0xffff, v0  }
0x35e: {  	v5 =	vld [tilespmem:s24+$0x4]  }
0x35f: {  	s9 =	simm.s32 $0x4210  }
0x360: {  	v0 =	vld [tilespmem:s9+$0x80];
	_ =	sdelay $0x1  }
0x361: {  	v7 =	vld [tilespmem:s24+$0xFFFFFFF8]  }
0x362: {  	v4 =	vld [tilespmem:s24+$0xFFFFFFFC];
	v8 =	vbroadcast v5, $0x0  }
0x363: {  	v6 =	vld [tilespmem:s9+$0xFFFFFF00]  }
0x364: {  	v3 =	vld [tilespmem:s24+$0x0];
	v0 =	vmul.f32 v8, v0  }
0x365: {  	s19 =	simm.s32 $0x6A30;
	v10 =	vld [tilespmem:s9+$0xFFFFFF80]  }
0x366: {  	v11 =	vld [tilespmem:s9+$0x0];
	v13 =	vbroadcast v7, $0x0;
	[tilespmem:s19+$0x90] =	vst v0  }
0x367: {  	v0 =	vld [tilespmem:s9+$0x90]  }
0x368: {  	v6 =	vmul.f32 v13, v6  }
0x369: {  	v14 =	vbroadcast v4, $0x0;
	v16 =	vbroadcast v3, $0x0  }
0x36a: {  	[tilespmem:s19+$0xFFFFFEE0] =	vst v6  }
0x36b: {  	v10 =	vmul.f32 v14, v10;
	v6 =	vmul.f32 v16, v11;
	v11 =	vld [tilespmem:s9+$0xFFFFFF10]  }
0x36c: {  	v0 =	vmul.f32 v0, v8  }
0x36d: {  	[tilespmem:s19+$0xFFFFFF70] =	vst v10  }
0x36e: {  	v10 =	vld [tilespmem:s9+$0xFFFFFF90];
	[tilespmem:s19+$0xA0] =	vst v0  }
0x36f: {  	v0 =	vld [tilespmem:s9+$0xA0]  }
0x370: {  	[tilespmem:s19+$0x0] =	vst v6;
	v8 =	vmul.f32 v11, v13  }
0x371: {  	v6 =	vld [tilespmem:s9+$0x10]  }
0x372: {  	[tilespmem:s19+$0xFFFFFEF0] =	vst v8;
	v8 =	vbroadcast v5, $0x1  }
0x373: {  	v10 =	vmul.f32 v10, v14  }
0x374: {  	v0 =	vmul.f32 v0, v8  }
0x375: {  	[tilespmem:s19+$0xFFFFFF80] =	vst v10;
	v11 =	vld [tilespmem:s9+$0xFFFFFF20]  }
0x376: {  	v6 =	vmul.f32 v6, v16;
	v10 =	vld [tilespmem:s9+$0xFFFFFFA0];
	[tilespmem:s19+$0xB0] =	vst v0  }
0x377: {  	s21 =	simm.s32 $0x4410;
	v0 =	vld [tilespmem:s9+$0xB0]  }
0x378: {  	v26 =	vld [tilespmem:s21+$0xFFFFFF00];
	[tilespmem:s19+$0x10] =	vst v6;
	v6 =	vbroadcast v7, $0x1  }
0x379: {  	v28 =	vld [tilespmem:s21+$0x0];
	v16 =	vbroadcast v4, $0x1  }
0x37a: {  	s25 =	simm.s32 $0x17D8;
	v13 =	vld [tilespmem:s9+$0x20];
	v11 =	vmul.f32 v11, v6  }
0x37b: {  	v14 =	vld [tilespmem:s25+$0xFFFFFFFC];
	v10 =	vmul.f32 v10, v16  }
0x37c: {  	[tilespmem:s19+$0xFFFFFF00] =	vst v11;
	v8 =	vmul.f32 v0, v8;
	v0 =	vld [tilespmem:s25+$0x4]  }
0x37d: {  	v17 =	vbroadcast v3, $0x1;
	[tilespmem:s19+$0xFFFFFF90] =	vst v10;
	v10 =	vld [tilespmem:s25+$0xFFFFFFF8]  }
0x37e: {  	[tilespmem:s19+$0xC0] =	vst v8;
	v8 =	vld [tilespmem:s21+$0x80]  }
0x37f: {  	v11 =	vmul.f32 v13, v17;
	v19 =	vld [tilespmem:s9+$0xFFFFFF30]  }
0x380: {  	v22 =	vld [tilespmem:s9+$0xC0]  }
0x381: {  	v20 =	vld [tilespmem:s9+$0xFFFFFFB0];
	[tilespmem:s19+$0x20] =	vst v11;
	v23 =	vbroadcast v0, $0x0  }
0x382: {  	v11 =	vld [tilespmem:s9+$0x30]  }
0x383: {  	v25 =	vbroadcast v5, $0x2;
	v13 =	vld [tilespmem:s25+$0x0];
	v8 =	vmul.f32 v23, v8  }
0x384: {  	s31 =	simm.s32 $0x17E8;
	s20 =	simm.s32 $0x6C70;
	v6 =	vmul.f32 v19, v6;
	v19 =	vld [tilespmem:s21+$0xFFFFFF80]  }
0x385: {  	v61 =	vld [tilespmem:s31+$0x4];
	v22 =	vmul.f32 v22, v25;
	[tilespmem:s20+$0x90] =	vst v8  }
0x386: {  	[tilespmem:s19+$0xFFFFFF10] =	vst v6;
	v6 =	vbroadcast v10, $0x0;
	v8 =	vmul.f32 v20, v16;
	v16 =	vld [tilespmem:s21+$0x90]  }
0x387: {  	v11 =	vmul.f32 v11, v17;
	v17 =	vbroadcast v14, $0x0;
	v20 =	vld [tilespmem:s9+$0xFFFFFF40];
	[tilespmem:s19+$0xD0] =	vst v22  }
0x388: {  	v26 =	vmul.f32 v6, v26;
	v22 =	vbroadcast v13, $0x0;
	[tilespmem:s19+$0xFFFFFFA0] =	vst v8;
	v8 =	vld [tilespmem:s9+$0xD0]  }
0x389: {  	[tilespmem:s19+$0x30] =	vst v11;
	v19 =	vmul.f32 v17, v19;
	v11 =	vld [tilespmem:s9+$0xFFFFFFC0]  }
0x38a: {  	v29 =	vbroadcast v7, $0x2;
	v31 =	vld [tilespmem:s9+$0x40];
	[tilespmem:s20+$0xFFFFFEE0] =	vst v26;
	v28 =	vmul.f32 v22, v28  }
0x38b: {  	v26 =	vld [tilespmem:s21+$0xFFFFFF10];
	[tilespmem:s20+$0xFFFFFF70] =	vst v19;
	v16 =	vmul.f32 v16, v23  }
0x38c: {  	v19 =	vbroadcast v4, $0x2;
	v20 =	vmul.f32 v20, v29;
	[tilespmem:s20+$0x0] =	vst v28;
	v23 =	vld [tilespmem:s21+$0xFFFFFF90]  }
0x38d: {  	v28 =	vbroadcast v3, $0x2;
	v8 =	vmul.f32 v8, v25;
	v25 =	vld [tilespmem:s21+$0x10];
	[tilespmem:s20+$0xA0] =	vst v16  }
0x38e: {  	[tilespmem:s19+$0xFFFFFF20] =	vst v20;
	v11 =	vmul.f32 v11, v19;
	v16 =	vld [tilespmem:s21+$0xA0]  }
0x38f: {  	v20 =	vld [tilespmem:s9+$0xFFFFFF50];
	[tilespmem:s19+$0xE0] =	vst v8;
	v8 =	vmul.f32 v31, v28  }
0x390: {  	v6 =	vmul.f32 v26, v6;
	v31 =	vld [tilespmem:s9+$0xE0];
	[tilespmem:s19+$0xFFFFFFB0] =	vst v11  }
0x391: {  	v11 =	vld [tilespmem:s9+$0xFFFFFFD0];
	[tilespmem:s19+$0x40] =	vst v8;
	v8 =	vmul.f32 v23, v17;
	v17 =	vbroadcast v0, $0x1  }
0x392: {  	[tilespmem:s20+$0xFFFFFEF0] =	vst v6;
	v23 =	vld [tilespmem:s9+$0x50];
	v6 =	vmul.f32 v25, v22  }
0x393: {  	v22 =	vbroadcast v5, $0x3;
	v25 =	vld [tilespmem:s21+$0xFFFFFF20];
	[tilespmem:s20+$0xFFFFFF80] =	vst v8;
	v8 =	vmul.f32 v16, v17  }
0x394: {  	v16 =	vld [tilespmem:s21+$0xFFFFFFA0];
	[tilespmem:s20+$0x10] =	vst v6;
	v6 =	vmul.f32 v20, v29  }
0x395: {  	v20 =	vmul.f32 v31, v22;
	v26 =	vld [tilespmem:s21+$0x20];
	[tilespmem:s20+$0xB0] =	vst v8  }
0x396: {  	v8 =	vbroadcast v10, $0x1;
	v11 =	vmul.f32 v11, v19;
	[tilespmem:s19+$0xFFFFFF30] =	vst v6;
	v19 =	vld [tilespmem:s21+$0xB0]  }
0x397: {  	v6 =	vbroadcast v14, $0x1;
	[tilespmem:s19+$0xF0] =	vst v20;
	v20 =	vmul.f32 v23, v28;
	v23 =	vld [tilespmem:s9+$0xFFFFFF60]  }
0x398: {  	v28 =	vbroadcast v13, $0x1;
	v29 =	vld [tilespmem:s9+$0xF0];
	[tilespmem:s19+$0xFFFFFFC0] =	vst v11;
	v11 =	vmul.f32 v25, v8  }
0x399: {  	v25 =	vld [tilespmem:s9+$0xFFFFFFE0];
	[tilespmem:s19+$0x50] =	vst v20;
	v16 =	vmul.f32 v16, v6  }
0x39a: {  	v31 =	vld [tilespmem:s9+$0x60];
	[tilespmem:s20+$0xFFFFFF00] =	vst v11;
	v11 =	vmul.f32 v26, v28  }
0x39b: {  	v20 =	vbroadcast v7, $0x3;
	v26 =	vld [tilespmem:s21+$0xFFFFFF30];
	[tilespmem:s20+$0xFFFFFF90] =	vst v16;
	v16 =	vmul.f32 v19, v17  }
0x39c: {  	v17 =	vld [tilespmem:s21+$0xFFFFFFB0];
	[tilespmem:s20+$0x20] =	vst v11  }
0x39d: {  	v11 =	vmul.f32 v23, v20;
	v19 =	vld [tilespmem:s21+$0x30];
	[tilespmem:s20+$0xC0] =	vst v16;
	v16 =	vbroadcast v4, $0x3  }
0x39e: {  	v29 =	vmul.f32 v29, v22;
	v23 =	vld [tilespmem:s21+$0xC0]  }
0x39f: {  	v40 =	vld [tilespmem:s31+$0x0];
	v32 =	vbroadcast v3, $0x3;
	[tilespmem:s19+$0xFFFFFF40] =	vst v11;
	v25 =	vmul.f32 v25, v16  }
0x3a0: {  	s22 =	simm.s32 $0x4610;
	v34 =	vbroadcast v0, $0x2;
	v11 =	vld [tilespmem:s9+$0xFFFFFF70];
	[tilespmem:s19+$0x100] =	vst v29;
	v8 =	vmul.f32 v26, v8  }
0x3a1: {  	v29 =	vmul.f32 v31, v32;
	v31 =	vld [tilespmem:s22+$0x80];
	v6 =	vmul.f32 v17, v6;
	[tilespmem:s19+$0xFFFFFFD0] =	vst v25  }
0x3a2: {  	v43 =	vld [tilespmem:s31+$0xFFFFFFF8];
	[tilespmem:s20+$0xFFFFFF10] =	vst v8;
	v8 =	vmul.f32 v19, v28  }
0x3a3: {  	v22 =	vld [tilespmem:s31+$0xFFFFFFFC];
	[tilespmem:s20+$0xFFFFFFA0] =	vst v6;
	v23 =	vmul.f32 v23, v34  }
0x3a4: {  	v17 =	vld [tilespmem:s22+$0xFFFFFF00];
	v25 =	vbroadcast v61, $0x0;
	[tilespmem:s20+$0x30] =	vst v8  }
0x3a5: {  	v6 =	vld [tilespmem:s22+$0xFFFFFF80];
	v8 =	vmul.f32 v11, v20;
	[tilespmem:s20+$0xD0] =	vst v23  }
0x3a6: {  	[tilespmem:s19+$0x60] =	vst v29;
	v23 =	vmul.f32 v25, v31;
	v19 =	vld [tilespmem:s21+$0xD0]  }
0x3a7: {  	s24 =	simm.s32 $0x6EB0;
	v46 =	vld [tilespmem:s9+$0x70];
	[tilespmem:s19+$0xFFFFFF50] =	vst v8;
	v8 =	vbroadcast v43, $0x0  }
0x3a8: {  	v5 =	vnsel vm0, $0x0, v5;
	v26 =	vbroadcast v22, $0x0;
	v11 =	vld [tilespmem:s22+$0x0];
	[tilespmem:s24+$0x90] =	vst v23  }
0x3a9: {  	[tilespmem:s19+$0x110] =	vst v5;
	v7 =	vnsel vm0, $0x0, v7;
	v17 =	vmul.f32 v8, v17;
	v23 =	vld [tilespmem:s22+$0x90]  }
0x3aa: {  	[tilespmem:s19+$0xFFFFFF60] =	vst v7;
	v20 =	vld [tilespmem:s21+$0xFFFFFF40];
	v5 =	vmul.f32 v26, v6  }
0x3ab: {  	v28 =	vbroadcast v40, $0x0;
	v29 =	vld [tilespmem:s21+$0x40];
	[tilespmem:s24+$0xFFFFFEE0] =	vst v17;
	v19 =	vmul.f32 v19, v34  }
0x3ac: {  	v7 =	vld [tilespmem:s21+$0xFFFFFFC0];
	[tilespmem:s24+$0xFFFFFF70] =	vst v5  }
0x3ad: {  	v11 =	vmul.f32 v28, v11;
	v56 =	vld [tilespmem:s22+$0xFFFFFF10];
	[tilespmem:s20+$0xE0] =	vst v19;
	v19 =	vbroadcast v10, $0x2  }
0x3ae: {  	v5 =	vmul.f32 v23, v25;
	v23 =	vbroadcast v13, $0x2;
	v25 =	vld [tilespmem:s22+$0xFFFFFF90]  }
0x3af: {  	v31 =	vbroadcast v14, $0x2;
	[tilespmem:s24+$0x0] =	vst v11;
	v17 =	vld [tilespmem:s21+$0xE0];
	v20 =	vmul.f32 v20, v19  }
0x3b0: {  	v11 =	vld [tilespmem:s22+$0x10];
	[tilespmem:s24+$0xA0] =	vst v5;
	v5 =	vmul.f32 v29, v23  }
0x3b1: {  	v7 =	vmul.f32 v7, v31;
	v29 =	vld [tilespmem:s22+$0xA0];
	[tilespmem:s20+$0xFFFFFF20] =	vst v20  }
0x3b2: {  	v35 =	vbroadcast v0, $0x3;
	v8 =	vmul.f32 v56, v8;
	[tilespmem:s20+$0x40] =	vst v5;
	v20 =	vld [tilespmem:s21+$0xFFFFFF50]  }
0x3b3: {  	[tilespmem:s20+$0xFFFFFFB0] =	vst v7;
	v5 =	vmul.f32 v25, v26;
	v25 =	vld [tilespmem:s21+$0x50]  }
0x3b4: {  	[tilespmem:s24+$0xFFFFFEF0] =	vst v8;
	v7 =	vmul.f32 v17, v35;
	v17 =	vld [tilespmem:s21+$0xFFFFFFD0]  }
0x3b5: {  	v62 =	vbroadcast v14, $0x3;
	v26 =	vbroadcast v61, $0x1;
	v58 =	vld [tilespmem:s22+$0xFFFFFF20];
	[tilespmem:s24+$0xFFFFFF80] =	vst v5  }
0x3b6: {  	v63 =	vbroadcast v13, $0x3;
	[tilespmem:s20+$0xF0] =	vst v7;
	v7 =	vmul.f32 v11, v28;
	v37 =	vld [tilespmem:s22+$0xFFFFFFA0]  }
0x3b7: {  	v32 =	vmul.f32 v46, v32;
	v5 =	vmul.f32 v29, v26;
	v8 =	vld [tilespmem:s21+$0xF0]  }
0x3b8: {  	v6 =	vld [tilespmem:s9+$0xFFFFFFF0];
	v29 =	vbroadcast v43, $0x1;
	[tilespmem:s24+$0x10] =	vst v7;
	v7 =	vmul.f32 v20, v19  }
0x3b9: {  	v28 =	vbroadcast v22, $0x1;
	[tilespmem:s24+$0xB0] =	vst v5;
	v20 =	vld [tilespmem:s22+$0x20];
	v17 =	vmul.f32 v17, v31  }
0x3ba: {  	v5 =	vnsel vm0, $0x0, v4;
	v4 =	vmul.f32 v25, v23;
	v23 =	vmul.f32 v58, v29;
	v31 =	vld [tilespmem:s22+$0xB0];
	[tilespmem:s20+$0xFFFFFF30] =	vst v7  }
0x3bb: {  	v7 =	vnsel vm0, $0x0, v3;
	v3 =	vnsel vm0, $0x0, v14;
	v38 =	vld [tilespmem:s21+$0xFFFFFF60];
	[tilespmem:s20+$0xFFFFFFC0] =	vst v17;
	v14 =	vmul.f32 v37, v28  }
0x3bc: {  	[tilespmem:s20+$0x50] =	vst v4;
	v17 =	vmul.f32 v8, v35;
	v8 =	vnsel vm0, $0x0, v0;
	v0 =	vbroadcast v40, $0x1;
	v59 =	vld [tilespmem:s21+$0xFFFFFFE0]  }
0x3bd: {  	v11 =	vbroadcast v10, $0x3;
	v19 =	vbroadcast v22, $0x2;
	[tilespmem:s24+$0xFFFFFF00] =	vst v23;
	v44 =	vld [tilespmem:s21+$0x60]  }
0x3be: {  	v25 =	vbroadcast v43, $0x2;
	v4 =	vnsel vm0, $0x0, v13;
	[tilespmem:s24+$0xFFFFFF90] =	vst v14;
	v13 =	vmul.f32 v20, v0  }
0x3bf: {  	v23 =	vbroadcast v40, $0x2;
	v37 =	vld [tilespmem:s22+$0xFFFFFF30];
	[tilespmem:s20+$0x100] =	vst v17;
	v14 =	vmul.f32 v31, v26  }
0x3c0: {  	v20 =	vnsel vm0, $0x0, v10;
	v26 =	vbroadcast v43, $0x3;
	v35 =	vld [tilespmem:s22+$0xFFFFFFB0];
	[tilespmem:s24+$0x20] =	vst v13;
	v41 =	vmul.f32 v38, v11  }
0x3c1: {  	v10 =	vnsel vm0, $0x0, v61;
	v31 =	vmul.f32 v6, v16;
	[tilespmem:s24+$0xC0] =	vst v14;
	v38 =	vld [tilespmem:s22+$0x30];
	v6 =	vmul.f32 v59, v62  }
0x3c2: {  	s29 =	simm.s32 $0x17F8;
	v17 =	vnsel vm0, $0x0, v40;
	v14 =	vbroadcast v40, $0x3;
	v40 =	vmul.f32 v44, v63;
	[tilespmem:s20+$0xFFFFFF40] =	vst v41;
	v41 =	vld [tilespmem:s22+$0xC0]  }
0x3c3: {  	s4 =	simm.s32 $0x8;
	s25 =	simm.s32 $0x4610;
	s9 =	simm.s32 $0x6EB0;
	v16 =	vbroadcast v22, $0x3;
	v13 =	vnsel vm0, $0x0, v22;
	v22 =	vnsel vm0, $0x0, v43;
	[tilespmem:s20+$0xFFFFFFD0] =	vst v6;
	v34 =	vld [tilespmem:s21+$0xFFFFFF70]  }
.LBB2_9:
0x3c4: {  	v6 =	vld [tilespmem:s29+$0x4];
	s4 =	sadd.s32 $0x4, s4;
	v29 =	vmul.f32 v37, v29;
	[tilespmem:s20+$0x60] =	vst v40  }
0x3c5: {  	s22 =	sadd.s32 $0x200, s22;
	v37 =	vld [tilespmem:s29+$0xFFFFFFFC];
	p0 =	slt.u32 s4, $0x4C;
	v28 =	vmul.f32 v35, v28;
	v35 =	vbroadcast v61, $0x2;
	[tilespmem:s19+$0xFFFFFFE0] =	vst v31  }
0x3c6: {  	v31 =	vld [tilespmem:s22+$0x80];
	[tilespmem:s24+$0xFFFFFF10] =	vst v29;
	v0 =	vmul.f32 v38, v0  }
0x3c7: {  	v38 =	vld [tilespmem:s29+$0x0];
	[tilespmem:s24+$0xFFFFFFA0] =	vst v28;
	v28 =	vmul.f32 v41, v35  }
0x3c8: {  	v40 =	vld [tilespmem:s29+$0xFFFFFFF8];
	[tilespmem:s24+$0x30] =	vst v0;
	v0 =	vmul.f32 v34, v11;
	v11 =	vmov v26  }
0x3c9: {  	v26 =	vld [tilespmem:s22+$0xFFFFFF00];
	v34 =	vbroadcast v6, $0x0;
	v41 =	vnsel vm0, $0x0, v6;
	[tilespmem:s24+$0xD0] =	vst v28  }
0x3ca: {  	v43 =	vbroadcast v37, $0x0;
	v28 =	vbroadcast v37, $0x1;
	v44 =	vnsel vm0, $0x0, v37;
	v46 =	vld [tilespmem:s25+$0xD0];
	[tilespmem:s20+$0xFFFFFF50] =	vst v0  }
0x3cb: {  	v49 =	vbroadcast v37, $0x2;
	v47 =	vld [tilespmem:s22+$0xFFFFFF80];
	v31 =	vmul.f32 v34, v31;
	[tilespmem:s19+$0x70] =	vst v32  }
0x3cc: {  	s24 =	sadd.s32 $0x240, s24;
	v32 =	vld [tilespmem:s22+$0x0];
	v50 =	vbroadcast v38, $0x0;
	v0 =	vbroadcast v38, $0x1;
	v52 =	vnsel vm0, $0x0, v38;
	[tilespmem:s20+$0xFFFFFF60] =	vst v20;
	v20 =	vmovc v22  }
0x3cd: {  	v53 =	vbroadcast v40, $0x0;
	v29 =	vbroadcast v40, $0x1;
	v22 =	vnsel vm0, $0x0, v40;
	[tilespmem:s24+$0x90] =	vst v31;
	v31 =	vld [tilespmem:s25+$0xFFFFFF40]  }
0x3ce: {  	v56 =	vbroadcast v38, $0x2;
	v55 =	vbroadcast v40, $0x2;
	v58 =	vld [tilespmem:s22+$0x90];
	[tilespmem:s19+$0xFFFFFFF0] =	vst v5;
	v5 =	vmovc v3;
	v3 =	vmovc v13;
	v13 =	vmov v44  }
0x3cf: {  	v44 =	vmul.f32 v53, v26;
	v59 =	vld [tilespmem:s25+$0xFFFFFFC0];
	v35 =	vmul.f32 v46, v35;
	[tilespmem:s19+$0x80] =	vst v7;
	v7 =	vmovc v4;
	v4 =	vmov v17;
	s19 =	smov.u32 s20;
	s20 =	smov.u32 s9;
	s9 =	smov.u32 s24  }
0x3d0: {  	v26 =	vbroadcast v40, $0x3;
	v17 =	vmovc v52;
	v40 =	vmul.f32 v43, v47;
	v46 =	vld [tilespmem:s25+$0x40];
	[tilespmem:s19+$0x110] =	vst v8;
	v8 =	vmovc v10;
	v10 =	vmov v41  }
0x3d1: {  	v37 =	vbroadcast v37, $0x3;
	v32 =	vmul.f32 v50, v32;
	[tilespmem:s20+$0xE0] =	vst v35;
	v35 =	vld [tilespmem:s21+$0xFFFFFFF0]  }
0x3d2: {  	[tilespmem:s24+$0xFFFFFEE0] =	vst v44;
	v44 =	vbroadcast v38, $0x3;
	v31 =	vmul.f32 v31, v25;
	v38 =	vld [tilespmem:s25+$0xE0]  }
0x3d3: {  	v41 =	vld [tilespmem:s22+$0xFFFFFF10];
	[tilespmem:s24+$0xFFFFFF70] =	vst v40;
	v34 =	vmul.f32 v58, v34  }
0x3d4: {  	v40 =	vld [tilespmem:s22+$0xFFFFFF90];
	[tilespmem:s24+$0x0] =	vst v32;
	v32 =	vmul.f32 v59, v19  }
0x3d5: {  	v47 =	vld [tilespmem:s22+$0x10];
	[tilespmem:s24+$0xA0] =	vst v34;
	v34 =	vmul.f32 v46, v23;
	v46 =	vbroadcast v61, $0x3;
	v61 =	vmov v6  }
0x3d6: {  	v6 =	vld [tilespmem:s22+$0xA0];
	[tilespmem:s20+$0xFFFFFF20] =	vst v31;
	v31 =	vmul.f32 v35, v62;
	v62 =	vmov v16;
	v16 =	vmov v37  }
0x3d7: {  	v35 =	vld [tilespmem:s25+$0xFFFFFF50];
	[tilespmem:s20+$0xFFFFFFB0] =	vst v32;
	v32 =	vmul.f32 v38, v46  }
0x3d8: {  	v37 =	vmul.f32 v41, v53;
	v38 =	vld [tilespmem:s25+$0xFFFFFFD0];
	[tilespmem:s20+$0x40] =	vst v34  }
0x3d9: {  	v34 =	vmul.f32 v40, v43;
	v40 =	vbroadcast v61, $0x1;
	v41 =	vld [tilespmem:s25+$0x50];
	[tilespmem:s20+$0xF0] =	vst v32  }
0x3da: {  	[tilespmem:s24+$0xFFFFFEF0] =	vst v37;
	v32 =	vmul.f32 v47, v50;
	v37 =	vld [tilespmem:s25+$0xF0]  }
0x3db: {  	v43 =	vld [tilespmem:s22+$0xFFFFFF20];
	[tilespmem:s24+$0xFFFFFF80] =	vst v34;
	v6 =	vmul.f32 v6, v40  }
0x3dc: {  	v34 =	vld [tilespmem:s22+$0xFFFFFFA0];
	[tilespmem:s24+$0x10] =	vst v32;
	v32 =	vmul.f32 v35, v25;
	v25 =	vmov v55  }
0x3dd: {  	v35 =	vld [tilespmem:s22+$0x20];
	[tilespmem:s24+$0xB0] =	vst v6;
	v6 =	vmul.f32 v38, v19;
	v19 =	vmov v49  }
0x3de: {  	v38 =	vld [tilespmem:s22+$0xB0];
	[tilespmem:s20+$0xFFFFFF30] =	vst v32;
	v32 =	vmul.f32 v41, v23;
	v23 =	vmov v56  }
0x3df: {  	v41 =	vld [tilespmem:s25+$0xFFFFFF60];
	[tilespmem:s20+$0xFFFFFFC0] =	vst v6;
	v6 =	vmul.f32 v37, v46  }
0x3e0: {  	v37 =	vmul.f32 v43, v29;
	v43 =	vld [tilespmem:s25+$0xFFFFFFE0];
	[tilespmem:s20+$0x50] =	vst v32  }
0x3e1: {  	v32 =	vmul.f32 v34, v28;
	v34 =	vld [tilespmem:s25+$0x60];
	[tilespmem:s20+$0x100] =	vst v6  }
0x3e2: {  	[tilespmem:s24+$0xFFFFFF00] =	vst v37;
	v6 =	vmul.f32 v35, v0;
	v46 =	vld [tilespmem:s21+$0x70];
	s21 =	smov.u32 s25;
	s25 =	smov.u32 s22  }
.Ltmp8:
0x3e3: {  	v37 =	vld [tilespmem:s22+$0xFFFFFF30];
	[tilespmem:s24+$0xFFFFFF90] =	vst v32;
	v32 =	vmul.f32 v38, v40;
	(pc) =	sbr.rel @p0 .LBB2_9-.Ltmp8, $4  }
0x3e4: {  	v35 =	vld [tilespmem:s22+$0xFFFFFFB0];
	[tilespmem:s24+$0x20] =	vst v6;
	v6 =	vmul.f32 v41, v11  }
0x3e5: {  	v38 =	vld [tilespmem:s22+$0x30];
	[tilespmem:s24+$0xC0] =	vst v32;
	v32 =	vmul.f32 v43, v62  }
0x3e6: {  	v41 =	vld [tilespmem:s22+$0xC0];
	[tilespmem:s20+$0xFFFFFF40] =	vst v6;
	v40 =	vmul.f32 v34, v14  }
0x3e7: {  	s29 =	sadd.s32 $0x10, s29;
	v34 =	vld [tilespmem:s21+$0xFFFFFF70];
	[tilespmem:s20+$0xFFFFFFD0] =	vst v32;
	v32 =	vmul.f32 v46, v63;
	v63 =	vmov v14;
	v14 =	vmov v44  }
0x3e8: {  	v6 =	vmul.f32 v37, v29;
	_ =	sdelay $0x1  }
0x3e9: {  	[tilespmem:s24+$0xFFFFFF10] =	vst v6  }
0x3ea: {  	v29 =	vbroadcast v61, $0x2;
	v6 =	vld [tilespmem:s25+$0xFFFFFF40];
	_ =	sdelay $0x1  }
0x3eb: {  	v53 =	vmul.f32 v41, v29  }
0x3ec: {  	v28 =	vmul.f32 v35, v28  }
0x3ed: {  	v0 =	vmul.f32 v38, v0;
	[tilespmem:s24+$0xD0] =	vst v53  }
0x3ee: {  	[tilespmem:s24+$0xFFFFFFA0] =	vst v28;
	v28 =	vld [tilespmem:s25+$0xD0];
	v6 =	vmul.f32 v6, v25  }
0x3ef: {  	[tilespmem:s24+$0x30] =	vst v0;
	v0 =	vld [tilespmem:s25+$0xFFFFFFC0]  }
0x3f0: {  	v55 =	vld [tilespmem:s25+$0x40];
	[tilespmem:s9+$0xFFFFFF20] =	vst v6  }
0x3f1: {  	v6 =	vld [tilespmem:s25+$0xFFFFFF50]  }
0x3f2: {  	[tilespmem:s20+$0x60] =	vst v40  }
0x3f3: {  	[tilespmem:s19+$0xFFFFFFE0] =	vst v31;
	v28 =	vmul.f32 v28, v29  }
0x3f4: {  	[tilespmem:s20+$0xFFFFFF60] =	vst v20;
	v0 =	vmul.f32 v0, v19  }
0x3f5: {  	[tilespmem:s9+$0xE0] =	vst v28;
	v28 =	vmul.f32 v55, v23  }
0x3f6: {  	[tilespmem:s9+$0xFFFFFFB0] =	vst v0;
	v29 =	vld [tilespmem:s25+$0xE0];
	v6 =	vmul.f32 v6, v25  }
0x3f7: {  	v0 =	vld [tilespmem:s25+$0xFFFFFFD0];
	[tilespmem:s9+$0x40] =	vst v28  }
0x3f8: {  	v25 =	vld [tilespmem:s25+$0x50];
	[tilespmem:s9+$0xFFFFFF30] =	vst v6  }
0x3f9: {  	[tilespmem:s19+$0xFFFFFFF0] =	vst v5;
	v11 =	vmul.f32 v34, v11;
	v28 =	vbroadcast v61, $0x3;
	v6 =	vld [tilespmem:s25+$0xFFFFFF60]  }
0x3fa: {  	[tilespmem:s19+$0x80] =	vst v7  }
0x3fb: {  	[tilespmem:s20+$0xFFFFFF50] =	vst v11;
	v11 =	vmul.f32 v29, v28  }
0x3fc: {  	[tilespmem:s20+$0x110] =	vst v8;
	v0 =	vmul.f32 v0, v19  }
0x3fd: {  	v20 =	vld [tilespmem:s21+$0xFFFFFFF0];
	[tilespmem:s9+$0xF0] =	vst v11;
	v11 =	vmul.f32 v25, v23  }
0x3fe: {  	v59 =	vld [tilespmem:s21+$0x70];
	[tilespmem:s9+$0xFFFFFFC0] =	vst v0;
	v6 =	vmul.f32 v6, v26  }
0x3ff: {  	v0 =	vld [tilespmem:s25+$0xFFFFFFE0];
	[tilespmem:s9+$0x50] =	vst v11  }
0x400: {  	v11 =	vld [tilespmem:s25+$0x60];
	[tilespmem:s9+$0xFFFFFF40] =	vst v6  }
0x401: {  	[tilespmem:s20+$0xFFFFFFF0] =	vst v3;
	v56 =	vld [tilespmem:s25+$0xFFFFFF70]  }
0x402: {  	[tilespmem:s19+$0x70] =	vst v32;
	v8 =	vmul.f32 v20, v62  }
0x403: {  	[tilespmem:s20+$0x80] =	vst v4;
	v62 =	vmul.f32 v59, v63  }
0x404: {  	[tilespmem:s20+$0xFFFFFFE0] =	vst v8;
	v0 =	vmul.f32 v0, v16  }
0x405: {  	[tilespmem:s20+$0x70] =	vst v62;
	v19 =	vld [tilespmem:s25+$0xF0];
	v61 =	vmul.f32 v11, v14  }
0x406: {  	[tilespmem:s9+$0xFFFFFFD0] =	vst v0;
	v0 =	vmul.f32 v56, v26  }
0x407: {  	v63 =	vld [tilespmem:s25+$0xFFFFFFF0];
	[tilespmem:s9+$0x60] =	vst v61  }
0x408: {  	[tilespmem:s9+$0xFFFFFF50] =	vst v0;
	v0 =	vld [tilespmem:s25+$0x70]  }
0x409: {  	[tilespmem:s9+$0x110] =	vst v10  }
0x40a: {  	v58 =	vmul.f32 v19, v28;
	[tilespmem:s9+$0xFFFFFF60] =	vst v22  }
0x40b: {  	[tilespmem:s9+$0xFFFFFFF0] =	vst v13  }
0x40c: {  	[tilespmem:s9+$0x100] =	vst v58;
	v3 =	vmul.f32 v63, v16  }
0x40d: {  	[tilespmem:s9+$0x80] =	vst v17;
	v0 =	vmul.f32 v0, v14  }
0x40e: {  	p0 =	sgt.u32 s18, $0x7A;
	[tilespmem:s9+$0xFFFFFFE0] =	vst v3  }
0x40f: {  	s4 =	smul.u32 @!p0 $0x50, s18;
	[tilespmem:s9+$0x70] =	vst v0  }
0x410: {  	[spmem:s3] =	stream.indirect.scatter.add.f32 [tilespmem:s26], [sflag:$0x5], $0x90, s11, s0, $0xb8;
	[tilespmem:$0x1F5A0] =	vst v63  }
0x411: {  	s4 =	sadd.s32 @!p0 s4, s23;
	_ =	swait.ge [sflag:s28], $0x2D00  }
0x412: {  	s21 =	simm.s32 @!p0 $0x50;
	s9 =	sshrl.u32 @!p0 s4, $0x3;
	[sflag:s28] =	ssyncset.done $0x0  }
0x413: {  	s20 =	simm.s32 @!p0 $0x0;
	s19 =	sadd.s32 @!p0 s7, s9;
	[sflag:s28] =	ssyncadd.s32 $0xFFFFD300  }
0x414: {  	[tilespmem:s21], [sflag:$0x4] =	stream.linear.gather @!p0 [hbm4b:s19+s20], $0x50, $0x38;
	[tilespmem:$0x1F5A0] =	vst v63  }
.Ltmp9:
0x415: {  	_ = 	snop;
	(pc) =	sbr.rel .LBB2_11-.Ltmp9, $4  }
0x416: {  	s4 =	sshrl.u32 @!p0 s4, $0x1;
	s9 =	sadd.s32 @!p0 s8, s9;
	s19 =	simm.s32 @!p0 $0xF0  }
0x417: {  	[tilespmem:s19], [sflag:$0x4] =	stream.linear.gather @!p0 [hbm4b:s9+s20], $0x50, $0x38;
	[tilespmem:$0x1F5A0] =	vst v63  }
0x418: {  	s4 =	sadd.s32 @!p0 s6, s4;
	s9 =	simm.s32 @!p0 $0x280  }
0x419: {  	[tilespmem:s9], [sflag:$0x4] =	stream.linear.gather @!p0 [hbm4b:s4+s20], $0x140, $0x38;
	[tilespmem:$0x1F5A0] =	vst v63  }
.LBB2_13:
0x41a: {  	_ =	sfence.sel $0x180000  }
0x41b: {  	[bflag:$0x0] =	sbarrier.arrive $0xFFFF  }
0x41c: {  	_ =	strace $0x90000047  }
0x41d: {  	s0 =	stileid.u32;
	[bflag:$0x2] =	sbarrier.arrive $0xFFFF  }
0x41e: {  	p0 =	sne.s32 s0, $0x0;
	s0 =	rddreg [dreg:$0x3]  }
0x41f: {  	s0 =	sadd.s32 @!p0 $0x100000, s0  }
0x420: {  	[sflag:s0] =	ssyncadd.tile.s32 @!p0 $0x1;
	_ =	shalt  }
.Lfunc_end2:
_tile_overlayer_lowered:
.L_overlay_start_2:
0x421: {  	(tag) =	ssettag $0x2  }
0x422: {  	s0 =	rddreg [dreg:$0x0];
	s2 =	stileid.u32  }
0x423: {  	s1 =	rddreg [dreg:$0x1];
	p0 =	sne.s32 s2, $0x0  }
0x424: {  	s3 =	rddreg [dreg:$0x2];
	[bflag:$0x3] =	sbarrier.arrive $0xFFFF;
	s2 =	simm.s32 @!p0 $0x1C05  }
0x425: {  	[timem:s3], [sflag:s2] =	dma.local @!p0 [hbm:s0], s1  }
0x426: {  	s0 =	simm.s32 @!p0 $0x5  }
0x427: {  	_ =	swait.ge @!p0 [sflag:s0], s1  }
0x428: {  	s1 =	ssub.s32 @!p0 $0x0, s1;
	[sflag:s0] =	ssyncset.done @!p0 $0x0  }
0x429: {  	[sflag:s0] =	ssyncadd.s32 @!p0 s1  }
0x42a: {  	[bflag:$0x3] =	sbarrier.arrive $0xFFFF  }
0x42b: {  	_ =	shalt  }

</sc_bundles>
